<compile_context>
chip_gen: v7x
topology: tpu7x:2x2x1
jax: 0.10.2.dev20260603
libtpu: 0.0.44.dev20260713+nightly
codegen_flags: <defaults>
</compile_context>

<pallas_src>
import functools

import jax
import jax.numpy as jnp
from jax import lax
from jax.experimental import pallas as pl
from jax.experimental.pallas import tpu as pltpu
from jax.experimental.pallas import tpu_sc as plsc

_C = 128
_K = 32
_O = 128
_N = 10000
_L = 16

_NW = 32
_NPW = 320
_NPAD = _NW * _NPW
_GN = 1
_ROWS = 2 * _GN * _K
_G = _NPW // _GN
_NBUF = 5
_T = _G // _NBUF
_SLAB = (_NPW + 2 * _NBUF) * 2 * _K
_EPAD = (_NPAD + 16) * 2 * _K


_TSH = 632


def _sc_gather_max(table, eflat):
    mesh = plsc.VectorSubcoreMesh(core_axis_name="c", subcore_axis_name="s")

    @functools.partial(
        pl.kernel,
        out_type=jax.ShapeDtypeStruct((_NPAD * _C,), jnp.float32),
        mesh=mesh,
        scratch_types=[
            pltpu.VMEM_SHARED((_N, _C), jnp.float32),
            *[pltpu.VMEM((_ROWS,), jnp.int32) for _ in range(_NBUF)],
            *[pltpu.VMEM((_ROWS, _C), jnp.float32) for _ in range(_NBUF)],
            *[pltpu.VMEM((_C,), jnp.float32) for _ in range(_NBUF)],
            *[pltpu.SemaphoreType.DMA for _ in range(3 * _NBUF)],
        ],
    )
    def k(table_hbm, idx_hbm, out_hbm,
          shtab, ib0, ib1, ib2, ib3, ib4, buf0, buf1, buf2, buf3, buf4,
          ob0, ob1, ob2, ob3, ob4,
          i0, i1, i2, i3, i4, s0, s1, s2, s3, s4, o0, o1, o2, o3, o4):
        bufs = (buf0, buf1, buf2, buf3, buf4)
        idxbs = (ib0, ib1, ib2, ib3, ib4)
        isems = (i0, i1, i2, i3, i4)
        sems = (s0, s1, s2, s3, s4)
        outbs = (ob0, ob1, ob2, ob3, ob4)
        osems = (o0, o1, o2, o3, o4)
        sid = lax.axis_index("s")
        wid = sid * 2 + lax.axis_index("c")
        nbase = wid * _NPW
        @pl.when(sid < 15)
        def _():
            pltpu.sync_copy(table_hbm.at[pl.ds(sid * _TSH, _TSH)],
                            shtab.at[pl.ds(sid * _TSH, _TSH)])

        @pl.when(sid == 15)
        def _():
            pltpu.sync_copy(table_hbm.at[pl.ds(15 * _TSH, _N - 15 * _TSH)],
                            shtab.at[pl.ds(15 * _TSH, _N - 15 * _TSH)])

        plsc.subcore_barrier()

        def ridx(g, bi):
            return pltpu.make_async_copy(
                idx_hbm.at[pl.ds((nbase + g) * _ROWS, _ROWS)],
                idxbs[bi], isems[bi])

        def gather(g, bi):
            return pltpu.make_async_copy(
                shtab.at[idxbs[bi]], bufs[bi], sems[bi])

        for bi in range(_NBUF):
            ridx(bi, bi).start()
        for bi in range(_NBUF):
            ridx(bi, bi).wait()
            gather(bi, bi).start()

        def flush(g, bi):
            return pltpu.make_async_copy(
                outbs[bi],
                out_hbm.at[pl.ds((nbase + g) * _C, _C)],
                osems[bi])

        def tbody(t, carry):
            for bi in range(_NBUF):
                g = t * _NBUF + bi
                gather(g, bi).wait()
                ridx(g + _NBUF, bi).start()
                buf = bufs[bi]
                outb = outbs[bi]

                @pl.when(t >= 1)
                def _():
                    flush(g - _NBUF, bi).wait()

                def cbody(i, c2, buf=buf, outb=outb):
                    cc = i * _L

                    def ld(r):
                        return buf[r, pl.ds(cc, _L)]

                    acc = ld(0) - ld(_K)
                    for kk in range(1, _K):
                        acc = jnp.maximum(acc, ld(kk) - ld(_K + kk))
                    outb[pl.ds(cc, _L)] = acc
                    return c2

                lax.fori_loop(0, _C // _L, cbody, 0)
                flush(g, bi).start()
                ridx(g + _NBUF, bi).wait()
                gather(g + _NBUF, bi).start()
            return carry

        lax.fori_loop(0, _T, tbody, 0)
        for bi in range(_NBUF):
            flush((_T - 1) * _NBUF + bi, bi).wait()
        for bi in range(_NBUF):
            gather(_T * _NBUF + bi, bi).wait()

    return k(table, eflat)


def _tc_head(x3, m, W1, W2, b2, g2, be2):
    def body(x3_ref, m_ref, w1_ref, w2_ref, b_ref, g_ref, be_ref, out_ref):
        x3v = x3_ref[...]
        mv = m_ref[0:_N, :]
        w1 = w1_ref[...]
        w2 = w2_ref[...]
        y = lax.dot_general(w1, x3v, (((1,), (0,)), ((), ())),
                            preferred_element_type=jnp.float32)
        y = y + lax.dot_general(w2, mv, (((1,), (1,)), ((), ())),
                                preferred_element_type=jnp.float32)
        y = y + b_ref[...]
        mu = jnp.mean(y, axis=1, keepdims=True)
        yc = y - mu
        var = jnp.mean(yc * yc, axis=1, keepdims=True)
        yn = yc * lax.rsqrt(var + 1e-5)
        yn = yn * g_ref[...] + be_ref[...]
        out_ref[...] = 0.5 * yn * (1.0 + lax.erf(yn * 0.7071067811865476))

    return pl.pallas_call(
        body,
        out_shape=jax.ShapeDtypeStruct((_O, _N), jnp.float32),
    )(x3, m, W1, W2, b2, g2, be2)


def kernel(x, edge_index, W, b, gamma, beta):
    x3 = x[0, :, :, 0]
    table = x3.T
    e0 = edge_index[0, 0]
    e1 = edge_index[1, 0]
    ef = jnp.concatenate([e0, e1], axis=1).reshape(-1)
    ef = jnp.pad(ef, (0, _EPAD - ef.shape[0]))
    m = _sc_gather_max(table, ef).reshape(_NPAD, _C)
    y = _tc_head(x3, m, W[:, 0::2], W[:, 1::2],
                 b.reshape(_O, 1), gamma.reshape(_O, 1), beta.reshape(_O, 1))
    return y.reshape(1, _O, _N, 1)

# --- scband reference (transcript-rebuilt; emitter-appended) ---
"""Pipeline reference for scband-gcnmrconv2d-42554535969008 (READ-ONLY COPY).

The authoritative reference and input builder live on the scoring server;
editing this copy changes nothing except your own understanding.
"""

import jax, jax.numpy as jnp
import numpy as np

B, C, N, K, O = 1, 128, 10000, 32, 128
EPS = 1e-5


def setup_inputs(seed: int = 0) -> dict:
    key = jax.random.key(seed)
    k1, k2, k3 = jax.random.split(key, 3)
    x = jax.random.normal(k1, (B, C, N, 1), dtype=jnp.float32)
    edge_index = jax.random.randint(k2, (2, B, N, K), 0, N, dtype=jnp.int32)
    # Conv2d(2C -> O, kernel 1x1) weight, kaiming-normal-ish init
    W = jax.random.normal(k3, (O, 2 * C), dtype=jnp.float32) * (2.0 / (2 * C)) ** 0.5
    b = jnp.zeros((O,), dtype=jnp.float32)
    gamma = jnp.ones((O,), dtype=jnp.float32)
    beta = jnp.zeros((O,), dtype=jnp.float32)
    return {"x": x, "edge_index": edge_index, "W": W, "b": b, "gamma": gamma, "beta": beta}


def _batched_index_select(x3, idx):
    # x3: [B, C, N], idx: [B, N, K] -> [B, C, N, K]
    return jnp.take_along_axis(x3[:, :, None, :], idx[:, None, :, :], axis=3)


def reference(x, edge_index, W, b, gamma, beta):
    x3 = x[..., 0]  # [B, C, N]
    x_i = _batched_index_select(x3, edge_index[1])  # [B, C, N, K]
    x_j = _batched_index_select(x3, edge_index[0])  # [B, C, N, K]
    x_j = jnp.max(x_j - x_i, axis=-1, keepdims=True)  # [B, C, N, 1]
    bsz, c, n = x3.shape
    cat = jnp.concatenate([x[:, :, None, :, :], x_j[:, :, None, :, :]], axis=2)
    cat = cat.reshape(bsz, 2 * c, n, 1)
    # 1x1 conv
    out = jnp.einsum('oc,bcnw->bonw', W, cat) + b[None, :, None, None]
    # BatchNorm2d in training mode (batch statistics, biased variance)
    mean = out.mean(axis=(0, 2, 3), keepdims=True)
    var = out.var(axis=(0, 2, 3), keepdims=True)
    out = (out - mean) / jnp.sqrt(var + EPS)
    out = out * gamma[None, :, None, None] + beta[None, :, None, None]
    # exact (erf) GELU, matching torch nn.GELU default
    out = jax.nn.gelu(out, approximate=False)
    return out

if __name__ == "__main__":
    import jax
    _d = setup_inputs()
    print(jax.jit(kernel)(*tuple(_d.values())))

</pallas_src>

<mosaic_0001>
#map = affine_map<(d0, d1) -> (0, 0)>
#map1 = affine_map<(d0, d1) -> (0)>
module attributes {stable_mosaic.version = 14 : i64} {
  func.func @k(%arg0: i32, %arg1: i32, %arg2: memref<10000x128xf32, #tpu.memory_space<hbm>>, %arg3: memref<656384xi32, #tpu.memory_space<hbm>>, %arg4: memref<1310720xf32, #tpu.memory_space<hbm>>, %arg5: memref<10000x128xf32, #tpu.memory_space<vmem_shared>>, %arg6: memref<64xi32, #tpu.memory_space<vmem>>, %arg7: memref<64xi32, #tpu.memory_space<vmem>>, %arg8: memref<64xi32, #tpu.memory_space<vmem>>, %arg9: memref<64xi32, #tpu.memory_space<vmem>>, %arg10: memref<64xi32, #tpu.memory_space<vmem>>, %arg11: memref<64x128xf32, #tpu.memory_space<vmem>>, %arg12: memref<64x128xf32, #tpu.memory_space<vmem>>, %arg13: memref<64x128xf32, #tpu.memory_space<vmem>>, %arg14: memref<64x128xf32, #tpu.memory_space<vmem>>, %arg15: memref<64x128xf32, #tpu.memory_space<vmem>>, %arg16: memref<128xf32, #tpu.memory_space<vmem>>, %arg17: memref<128xf32, #tpu.memory_space<vmem>>, %arg18: memref<128xf32, #tpu.memory_space<vmem>>, %arg19: memref<128xf32, #tpu.memory_space<vmem>>, %arg20: memref<128xf32, #tpu.memory_space<vmem>>, %arg21: memref<!tpu.dma_semaphore, #tpu.memory_space<semaphore_mem>>, %arg22: memref<!tpu.dma_semaphore, #tpu.memory_space<semaphore_mem>>, %arg23: memref<!tpu.dma_semaphore, #tpu.memory_space<semaphore_mem>>, %arg24: memref<!tpu.dma_semaphore, #tpu.memory_space<semaphore_mem>>, %arg25: memref<!tpu.dma_semaphore, #tpu.memory_space<semaphore_mem>>, %arg26: memref<!tpu.dma_semaphore, #tpu.memory_space<semaphore_mem>>, %arg27: memref<!tpu.dma_semaphore, #tpu.memory_space<semaphore_mem>>, %arg28: memref<!tpu.dma_semaphore, #tpu.memory_space<semaphore_mem>>, %arg29: memref<!tpu.dma_semaphore, #tpu.memory_space<semaphore_mem>>, %arg30: memref<!tpu.dma_semaphore, #tpu.memory_space<semaphore_mem>>, %arg31: memref<!tpu.dma_semaphore, #tpu.memory_space<semaphore_mem>>, %arg32: memref<!tpu.dma_semaphore, #tpu.memory_space<semaphore_mem>>, %arg33: memref<!tpu.dma_semaphore, #tpu.memory_space<semaphore_mem>>, %arg34: memref<!tpu.dma_semaphore, #tpu.memory_space<semaphore_mem>>, %arg35: memref<!tpu.dma_semaphore, #tpu.memory_space<semaphore_mem>>) attributes {dimension_semantics = [#tpu.dimension_semantics<core_parallel>, #tpu.dimension_semantics<subcore_parallel>], iteration_bounds = array<i64: 2, 16>, scalar_prefetch = 0 : i64, scratch_operands = 31 : i64, tpu.core_type = #tpu.core_type<sc_vector_subcore>, window_params = [{transform_indices = #map}, {transform_indices = #map1}, {transform_indices = #map1}]} {
    %mul3A = arith.constant 2 : i32
    %mul3A_0 = arith.muli %arg1, %mul3A : i32
    %add3A = arith.addi %mul3A_0, %arg0 : i32
    %mul3A_1 = arith.constant 320 : i32
    %mul3A_2 = arith.muli %add3A, %mul3A_1 : i32
    %lt3A = arith.constant 15 : i32
    %lt3A_3 = arith.cmpi slt, %arg1, %lt3A : i32
    %convert_element_type3A = arith.extui %lt3A_3 : i1 to i32
    %cond3A = arith.constant 0 : i32
    %cond3A_4 = arith.cmpi ne, %convert_element_type3A, %cond3A : i32
    scf.if %cond3A_4 {
      %mul3A_132 = arith.constant 632 : i32
      %mul3A_133 = arith.muli %arg1, %mul3A_132 : i32
      %mul3A_134 = arith.constant 632 : i32
      %mul3A_135 = arith.muli %arg1, %mul3A_134 : i32
      "tpu.region"() ({
        %run_scoped3A = tpu.sem_alloc : memref<!tpu.dma_semaphore, #tpu.memory_space<semaphore_mem>>
        %dma_start3A_136 = arith.constant 0 : i32
        %dma_start3A_137 = tpu.memref_slice %arg5[%mul3A_135, %dma_start3A_136] : memref<10000x128xf32, #tpu.memory_space<vmem_shared>> -> memref<632x128xf32, #tpu.memory_space<vmem_shared>>
        %dma_start3A_138 = arith.constant 0 : i32
        %dma_start3A_139 = tpu.memref_slice %arg2[%mul3A_133, %dma_start3A_138] : memref<10000x128xf32, #tpu.memory_space<hbm>> -> memref<632x128xf32, #tpu.memory_space<hbm>>
        tpu.enqueue_dma source(%dma_start3A_139 : memref<632x128xf32, #tpu.memory_space<hbm>>) target(%dma_start3A_137 : memref<632x128xf32, #tpu.memory_space<vmem_shared>>) target_semaphore(%run_scoped3A : memref<!tpu.dma_semaphore, #tpu.memory_space<semaphore_mem>>)
        %dma_wait3A_140 = arith.constant 0 : i32
        %dma_wait3A_141 = tpu.memref_slice %arg5[%mul3A_135, %dma_wait3A_140] : memref<10000x128xf32, #tpu.memory_space<vmem_shared>> -> memref<632x128xf32, #tpu.memory_space<vmem_shared>>
        %dma_wait3A_142 = arith.constant 0 : i32
        %dma_wait3A_143 = tpu.memref_slice %arg2[%mul3A_133, %dma_wait3A_142] : memref<10000x128xf32, #tpu.memory_space<hbm>> -> memref<632x128xf32, #tpu.memory_space<hbm>>
        tpu.wait_dma2 semaphore(%run_scoped3A : memref<!tpu.dma_semaphore, #tpu.memory_space<semaphore_mem>>) src(%dma_wait3A_143 : memref<632x128xf32, #tpu.memory_space<hbm>>) dst(%dma_wait3A_141 : memref<632x128xf32, #tpu.memory_space<vmem_shared>>)
        tpu.yield
      }) : () -> ()
    } else {
    }
    %eq3A = arith.constant 15 : i32
    %eq3A_5 = arith.cmpi eq, %arg1, %eq3A : i32
    %convert_element_type3A_6 = arith.extui %eq3A_5 : i1 to i32
    %cond3A_7 = arith.constant 0 : i32
    %cond3A_8 = arith.cmpi ne, %convert_element_type3A_6, %cond3A_7 : i32
    scf.if %cond3A_8 {
      "tpu.region"() ({
        %run_scoped3A = tpu.sem_alloc : memref<!tpu.dma_semaphore, #tpu.memory_space<semaphore_mem>>
        %dma_start3A_132 = arith.constant 9480 : i32
        %dma_start3A_133 = arith.constant 0 : i32
        %dma_start3A_134 = tpu.memref_slice %arg5[%dma_start3A_132, %dma_start3A_133] : memref<10000x128xf32, #tpu.memory_space<vmem_shared>> -> memref<520x128xf32, #tpu.memory_space<vmem_shared>>
        %dma_start3A_135 = arith.constant 9480 : i32
        %dma_start3A_136 = arith.constant 0 : i32
        %dma_start3A_137 = tpu.memref_slice %arg2[%dma_start3A_135, %dma_start3A_136] : memref<10000x128xf32, #tpu.memory_space<hbm>> -> memref<520x128xf32, #tpu.memory_space<hbm>>
        tpu.enqueue_dma source(%dma_start3A_137 : memref<520x128xf32, #tpu.memory_space<hbm>>) target(%dma_start3A_134 : memref<520x128xf32, #tpu.memory_space<vmem_shared>>) target_semaphore(%run_scoped3A : memref<!tpu.dma_semaphore, #tpu.memory_space<semaphore_mem>>)
        %dma_wait3A_138 = arith.constant 9480 : i32
        %dma_wait3A_139 = arith.constant 0 : i32
        %dma_wait3A_140 = tpu.memref_slice %arg5[%dma_wait3A_138, %dma_wait3A_139] : memref<10000x128xf32, #tpu.memory_space<vmem_shared>> -> memref<520x128xf32, #tpu.memory_space<vmem_shared>>
        %dma_wait3A_141 = arith.constant 9480 : i32
        %dma_wait3A_142 = arith.constant 0 : i32
        %dma_wait3A_143 = tpu.memref_slice %arg2[%dma_wait3A_141, %dma_wait3A_142] : memref<10000x128xf32, #tpu.memory_space<hbm>> -> memref<520x128xf32, #tpu.memory_space<hbm>>
        tpu.wait_dma2 semaphore(%run_scoped3A : memref<!tpu.dma_semaphore, #tpu.memory_space<semaphore_mem>>) src(%dma_wait3A_143 : memref<520x128xf32, #tpu.memory_space<hbm>>) dst(%dma_wait3A_140 : memref<520x128xf32, #tpu.memory_space<vmem_shared>>)
        tpu.yield
      }) : () -> ()
    } else {
    }
    %barrier3A = arith.constant 0 : index
    tpu.barrier barrier_id(%barrier3A)
    %add3A_9 = arith.constant 0 : i32
    %add3A_10 = arith.addi %mul3A_2, %add3A_9 : i32
    %mul3A_11 = arith.constant 64 : i32
    %mul3A_12 = arith.muli %add3A_10, %mul3A_11 : i32
    %dma_start3A = tpu.memref_slice %arg3[%mul3A_12] : memref<656384xi32, #tpu.memory_space<hbm>> -> memref<64xi32, #tpu.memory_space<hbm>>
    %dma_start3A_13 = tpu.memref_slice %arg3[%mul3A_12] : memref<656384xi32, #tpu.memory_space<hbm>> -> memref<64xi32, #tpu.memory_space<hbm>>
    tpu.enqueue_dma source(%dma_start3A_13 : memref<64xi32, #tpu.memory_space<hbm>>) target(%arg6 : memref<64xi32, #tpu.memory_space<vmem>>) target_semaphore(%arg21 : memref<!tpu.dma_semaphore, #tpu.memory_space<semaphore_mem>>)
    %add3A_14 = arith.constant 1 : i32
    %add3A_15 = arith.addi %mul3A_2, %add3A_14 : i32
    %mul3A_16 = arith.constant 64 : i32
    %mul3A_17 = arith.muli %add3A_15, %mul3A_16 : i32
    %dma_start3A_18 = tpu.memref_slice %arg3[%mul3A_17] : memref<656384xi32, #tpu.memory_space<hbm>> -> memref<64xi32, #tpu.memory_space<hbm>>
    %dma_start3A_19 = tpu.memref_slice %arg3[%mul3A_17] : memref<656384xi32, #tpu.memory_space<hbm>> -> memref<64xi32, #tpu.memory_space<hbm>>
    tpu.enqueue_dma source(%dma_start3A_19 : memref<64xi32, #tpu.memory_space<hbm>>) target(%arg7 : memref<64xi32, #tpu.memory_space<vmem>>) target_semaphore(%arg22 : memref<!tpu.dma_semaphore, #tpu.memory_space<semaphore_mem>>)
    %add3A_20 = arith.constant 2 : i32
    %add3A_21 = arith.addi %mul3A_2, %add3A_20 : i32
    %mul3A_22 = arith.constant 64 : i32
    %mul3A_23 = arith.muli %add3A_21, %mul3A_22 : i32
    %dma_start3A_24 = tpu.memref_slice %arg3[%mul3A_23] : memref<656384xi32, #tpu.memory_space<hbm>> -> memref<64xi32, #tpu.memory_space<hbm>>
    %dma_start3A_25 = tpu.memref_slice %arg3[%mul3A_23] : memref<656384xi32, #tpu.memory_space<hbm>> -> memref<64xi32, #tpu.memory_space<hbm>>
    tpu.enqueue_dma source(%dma_start3A_25 : memref<64xi32, #tpu.memory_space<hbm>>) target(%arg8 : memref<64xi32, #tpu.memory_space<vmem>>) target_semaphore(%arg23 : memref<!tpu.dma_semaphore, #tpu.memory_space<semaphore_mem>>)
    %add3A_26 = arith.constant 3 : i32
    %add3A_27 = arith.addi %mul3A_2, %add3A_26 : i32
    %mul3A_28 = arith.constant 64 : i32
    %mul3A_29 = arith.muli %add3A_27, %mul3A_28 : i32
    %dma_start3A_30 = tpu.memref_slice %arg3[%mul3A_29] : memref<656384xi32, #tpu.memory_space<hbm>> -> memref<64xi32, #tpu.memory_space<hbm>>
    %dma_start3A_31 = tpu.memref_slice %arg3[%mul3A_29] : memref<656384xi32, #tpu.memory_space<hbm>> -> memref<64xi32, #tpu.memory_space<hbm>>
    tpu.enqueue_dma source(%dma_start3A_31 : memref<64xi32, #tpu.memory_space<hbm>>) target(%arg9 : memref<64xi32, #tpu.memory_space<vmem>>) target_semaphore(%arg24 : memref<!tpu.dma_semaphore, #tpu.memory_space<semaphore_mem>>)
    %add3A_32 = arith.constant 4 : i32
    %add3A_33 = arith.addi %mul3A_2, %add3A_32 : i32
    %mul3A_34 = arith.constant 64 : i32
    %mul3A_35 = arith.muli %add3A_33, %mul3A_34 : i32
    %dma_start3A_36 = tpu.memref_slice %arg3[%mul3A_35] : memref<656384xi32, #tpu.memory_space<hbm>> -> memref<64xi32, #tpu.memory_space<hbm>>
    %dma_start3A_37 = tpu.memref_slice %arg3[%mul3A_35] : memref<656384xi32, #tpu.memory_space<hbm>> -> memref<64xi32, #tpu.memory_space<hbm>>
    tpu.enqueue_dma source(%dma_start3A_37 : memref<64xi32, #tpu.memory_space<hbm>>) target(%arg10 : memref<64xi32, #tpu.memory_space<vmem>>) target_semaphore(%arg25 : memref<!tpu.dma_semaphore, #tpu.memory_space<semaphore_mem>>)
    %add3A_38 = arith.constant 0 : i32
    %add3A_39 = arith.addi %mul3A_2, %add3A_38 : i32
    %mul3A_40 = arith.constant 64 : i32
    %mul3A_41 = arith.muli %add3A_39, %mul3A_40 : i32
    %dma_wait3A = tpu.memref_slice %arg3[%mul3A_41] : memref<656384xi32, #tpu.memory_space<hbm>> -> memref<64xi32, #tpu.memory_space<hbm>>
    %dma_wait3A_42 = tpu.memref_slice %arg3[%mul3A_41] : memref<656384xi32, #tpu.memory_space<hbm>> -> memref<64xi32, #tpu.memory_space<hbm>>
    tpu.wait_dma2 semaphore(%arg21 : memref<!tpu.dma_semaphore, #tpu.memory_space<semaphore_mem>>) src(%dma_wait3A_42 : memref<64xi32, #tpu.memory_space<hbm>>) dst(%arg6 : memref<64xi32, #tpu.memory_space<vmem>>)
    %dma_start3A_43 = arith.constant 0 : i32
    %dma_start3A_44 = arith.constant 0 : i32
    %dma_start3A_45 = tpu.memref_slice %arg5[%dma_start3A_43, %dma_start3A_44] : memref<10000x128xf32, #tpu.memory_space<vmem_shared>> -> memref<10000x128xf32, #tpu.memory_space<vmem_shared>>
    tpu.enqueue_indirect_dma source(%dma_start3A_45 : memref<10000x128xf32, #tpu.memory_space<vmem_shared>>) target(%arg11 : memref<64x128xf32, #tpu.memory_space<vmem>>) offsets(%arg6 : memref<64xi32, #tpu.memory_space<vmem>>) semaphore(%arg26 : memref<!tpu.dma_semaphore, #tpu.memory_space<semaphore_mem>>)
    %add3A_46 = arith.constant 1 : i32
    %add3A_47 = arith.addi %mul3A_2, %add3A_46 : i32
    %mul3A_48 = arith.constant 64 : i32
    %mul3A_49 = arith.muli %add3A_47, %mul3A_48 : i32
    %dma_wait3A_50 = tpu.memref_slice %arg3[%mul3A_49] : memref<656384xi32, #tpu.memory_space<hbm>> -> memref<64xi32, #tpu.memory_space<hbm>>
    %dma_wait3A_51 = tpu.memref_slice %arg3[%mul3A_49] : memref<656384xi32, #tpu.memory_space<hbm>> -> memref<64xi32, #tpu.memory_space<hbm>>
    tpu.wait_dma2 semaphore(%arg22 : memref<!tpu.dma_semaphore, #tpu.memory_space<semaphore_mem>>) src(%dma_wait3A_51 : memref<64xi32, #tpu.memory_space<hbm>>) dst(%arg7 : memref<64xi32, #tpu.memory_space<vmem>>)
    %dma_start3A_52 = arith.constant 0 : i32
    %dma_start3A_53 = arith.constant 0 : i32
    %dma_start3A_54 = tpu.memref_slice %arg5[%dma_start3A_52, %dma_start3A_53] : memref<10000x128xf32, #tpu.memory_space<vmem_shared>> -> memref<10000x128xf32, #tpu.memory_space<vmem_shared>>
    tpu.enqueue_indirect_dma source(%dma_start3A_54 : memref<10000x128xf32, #tpu.memory_space<vmem_shared>>) target(%arg12 : memref<64x128xf32, #tpu.memory_space<vmem>>) offsets(%arg7 : memref<64xi32, #tpu.memory_space<vmem>>) semaphore(%arg27 : memref<!tpu.dma_semaphore, #tpu.memory_space<semaphore_mem>>)
    %add3A_55 = arith.constant 2 : i32
    %add3A_56 = arith.addi %mul3A_2, %add3A_55 : i32
    %mul3A_57 = arith.constant 64 : i32
    %mul3A_58 = arith.muli %add3A_56, %mul3A_57 : i32
    %dma_wait3A_59 = tpu.memref_slice %arg3[%mul3A_58] : memref<656384xi32, #tpu.memory_space<hbm>> -> memref<64xi32, #tpu.memory_space<hbm>>
    %dma_wait3A_60 = tpu.memref_slice %arg3[%mul3A_58] : memref<656384xi32, #tpu.memory_space<hbm>> -> memref<64xi32, #tpu.memory_space<hbm>>
    tpu.wait_dma2 semaphore(%arg23 : memref<!tpu.dma_semaphore, #tpu.memory_space<semaphore_mem>>) src(%dma_wait3A_60 : memref<64xi32, #tpu.memory_space<hbm>>) dst(%arg8 : memref<64xi32, #tpu.memory_space<vmem>>)
    %dma_start3A_61 = arith.constant 0 : i32
    %dma_start3A_62 = arith.constant 0 : i32
    %dma_start3A_63 = tpu.memref_slice %arg5[%dma_start3A_61, %dma_start3A_62] : memref<10000x128xf32, #tpu.memory_space<vmem_shared>> -> memref<10000x128xf32, #tpu.memory_space<vmem_shared>>
    tpu.enqueue_indirect_dma source(%dma_start3A_63 : memref<10000x128xf32, #tpu.memory_space<vmem_shared>>) target(%arg13 : memref<64x128xf32, #tpu.memory_space<vmem>>) offsets(%arg8 : memref<64xi32, #tpu.memory_space<vmem>>) semaphore(%arg28 : memref<!tpu.dma_semaphore, #tpu.memory_space<semaphore_mem>>)
    %add3A_64 = arith.constant 3 : i32
    %add3A_65 = arith.addi %mul3A_2, %add3A_64 : i32
    %mul3A_66 = arith.constant 64 : i32
    %mul3A_67 = arith.muli %add3A_65, %mul3A_66 : i32
    %dma_wait3A_68 = tpu.memref_slice %arg3[%mul3A_67] : memref<656384xi32, #tpu.memory_space<hbm>> -> memref<64xi32, #tpu.memory_space<hbm>>
    %dma_wait3A_69 = tpu.memref_slice %arg3[%mul3A_67] : memref<656384xi32, #tpu.memory_space<hbm>> -> memref<64xi32, #tpu.memory_space<hbm>>
    tpu.wait_dma2 semaphore(%arg24 : memref<!tpu.dma_semaphore, #tpu.memory_space<semaphore_mem>>) src(%dma_wait3A_69 : memref<64xi32, #tpu.memory_space<hbm>>) dst(%arg9 : memref<64xi32, #tpu.memory_space<vmem>>)
    %dma_start3A_70 = arith.constant 0 : i32
    %dma_start3A_71 = arith.constant 0 : i32
    %dma_start3A_72 = tpu.memref_slice %arg5[%dma_start3A_70, %dma_start3A_71] : memref<10000x128xf32, #tpu.memory_space<vmem_shared>> -> memref<10000x128xf32, #tpu.memory_space<vmem_shared>>
    tpu.enqueue_indirect_dma source(%dma_start3A_72 : memref<10000x128xf32, #tpu.memory_space<vmem_shared>>) target(%arg14 : memref<64x128xf32, #tpu.memory_space<vmem>>) offsets(%arg9 : memref<64xi32, #tpu.memory_space<vmem>>) semaphore(%arg29 : memref<!tpu.dma_semaphore, #tpu.memory_space<semaphore_mem>>)
    %add3A_73 = arith.constant 4 : i32
    %add3A_74 = arith.addi %mul3A_2, %add3A_73 : i32
    %mul3A_75 = arith.constant 64 : i32
    %mul3A_76 = arith.muli %add3A_74, %mul3A_75 : i32
    %dma_wait3A_77 = tpu.memref_slice %arg3[%mul3A_76] : memref<656384xi32, #tpu.memory_space<hbm>> -> memref<64xi32, #tpu.memory_space<hbm>>
    %dma_wait3A_78 = tpu.memref_slice %arg3[%mul3A_76] : memref<656384xi32, #tpu.memory_space<hbm>> -> memref<64xi32, #tpu.memory_space<hbm>>
    tpu.wait_dma2 semaphore(%arg25 : memref<!tpu.dma_semaphore, #tpu.memory_space<semaphore_mem>>) src(%dma_wait3A_78 : memref<64xi32, #tpu.memory_space<hbm>>) dst(%arg10 : memref<64xi32, #tpu.memory_space<vmem>>)
    %dma_start3A_79 = arith.constant 0 : i32
    %dma_start3A_80 = arith.constant 0 : i32
    %dma_start3A_81 = tpu.memref_slice %arg5[%dma_start3A_79, %dma_start3A_80] : memref<10000x128xf32, #tpu.memory_space<vmem_shared>> -> memref<10000x128xf32, #tpu.memory_space<vmem_shared>>
    tpu.enqueue_indirect_dma source(%dma_start3A_81 : memref<10000x128xf32, #tpu.memory_space<vmem_shared>>) target(%arg15 : memref<64x128xf32, #tpu.memory_space<vmem>>) offsets(%arg10 : memref<64xi32, #tpu.memory_space<vmem>>) semaphore(%arg30 : memref<!tpu.dma_semaphore, #tpu.memory_space<semaphore_mem>>)
    %scan3A = arith.constant 0 : i32
    %scan3A_82 = arith.constant 0 : i32
    %scan3A_83 = arith.constant 64 : i32
    %scan3A_84 = arith.addi %scan3A_82, %scan3A_83 : i32
    %scan3A_85 = arith.constant 1 : i32
    scf.for %scan3A_132 = %scan3A_82 to %scan3A_84 step %scan3A_85  : i32 {
      %mul3A_133 = arith.constant 5 : i32
      %mul3A_134 = arith.muli %scan3A_132, %mul3A_133 : i32
      %add3A_135 = arith.constant 0 : i32
      %add3A_136 = arith.addi %mul3A_134, %add3A_135 : i32
      %dma_wait3A_137 = arith.constant 0 : i32
      %dma_wait3A_138 = arith.constant 0 : i32
      %dma_wait3A_139 = tpu.memref_slice %arg5[%dma_wait3A_137, %dma_wait3A_138] : memref<10000x128xf32, #tpu.memory_space<vmem_shared>> -> memref<10000x128xf32, #tpu.memory_space<vmem_shared>>
      tpu.wait_indirect_dma semaphore(%arg26 : memref<!tpu.dma_semaphore, #tpu.memory_space<semaphore_mem>>) src(%dma_wait3A_139 : memref<10000x128xf32, #tpu.memory_space<vmem_shared>>) dst(%arg11 : memref<64x128xf32, #tpu.memory_space<vmem>>)
      %add3A_140 = arith.constant 5 : i32
      %add3A_141 = arith.addi %add3A_136, %add3A_140 : i32
      %add3A_142 = arith.addi %mul3A_2, %add3A_141 : i32
      %mul3A_143 = arith.constant 64 : i32
      %mul3A_144 = arith.muli %add3A_142, %mul3A_143 : i32
      %dma_start3A_145 = tpu.memref_slice %arg3[%mul3A_144] : memref<656384xi32, #tpu.memory_space<hbm>> -> memref<64xi32, #tpu.memory_space<hbm>>
      %dma_start3A_146 = tpu.memref_slice %arg3[%mul3A_144] : memref<656384xi32, #tpu.memory_space<hbm>> -> memref<64xi32, #tpu.memory_space<hbm>>
      tpu.enqueue_dma source(%dma_start3A_146 : memref<64xi32, #tpu.memory_space<hbm>>) target(%arg6 : memref<64xi32, #tpu.memory_space<vmem>>) target_semaphore(%arg21 : memref<!tpu.dma_semaphore, #tpu.memory_space<semaphore_mem>>)
      %ge3A = arith.constant 1 : i32
      %ge3A_147 = arith.cmpi sge, %scan3A_132, %ge3A : i32
      %convert_element_type3A_148 = arith.extui %ge3A_147 : i1 to i32
      %cond3A_149 = arith.constant 0 : i32
      %cond3A_150 = arith.cmpi ne, %convert_element_type3A_148, %cond3A_149 : i32
      scf.if %cond3A_150 {
        %sub3A = arith.constant 5 : i32
        %sub3A_342 = arith.subi %add3A_136, %sub3A : i32
        %add3A_343 = arith.addi %mul3A_2, %sub3A_342 : i32
        %mul3A_344 = arith.constant 128 : i32
        %mul3A_345 = arith.muli %add3A_343, %mul3A_344 : i32
        %dma_wait3A_346 = tpu.memref_slice %arg4[%mul3A_345] : memref<1310720xf32, #tpu.memory_space<hbm>> -> memref<128xf32, #tpu.memory_space<hbm>>
        %dma_wait3A_347 = tpu.memref_slice %arg4[%mul3A_345] : memref<1310720xf32, #tpu.memory_space<hbm>> -> memref<128xf32, #tpu.memory_space<hbm>>
        tpu.wait_dma2 semaphore(%arg31 : memref<!tpu.dma_semaphore, #tpu.memory_space<semaphore_mem>>) src(%arg16 : memref<128xf32, #tpu.memory_space<vmem>>) dst(%dma_wait3A_347 : memref<128xf32, #tpu.memory_space<hbm>>)
      } else {
      }
      %scan3A_151 = arith.constant 0 : i32
      %scan3A_152 = arith.constant 0 : i32
      %scan3A_153 = arith.constant 8 : i32
      %scan3A_154 = arith.addi %scan3A_152, %scan3A_153 : i32
      %scan3A_155 = arith.constant 1 : i32
      scf.for %scan3A_342 = %scan3A_152 to %scan3A_154 step %scan3A_155  : i32 {
        %mul3A_343 = arith.constant 16 : i32
        %mul3A_344 = arith.muli %scan3A_342, %mul3A_343 : i32
        %get3A = arith.constant 0 : i32
        %get3A_345 = arith.index_cast %get3A : i32 to index
        %get3A_346 = arith.index_cast %mul3A_344 : i32 to index
        %get3A_347 = tpu.vector_load %arg11[%get3A_345, %get3A_346] {strides = array<i32>} : memref<64x128xf32, #tpu.memory_space<vmem>>, vector<1x16xf32>,
        %get3A_348 = vector.shape_cast %get3A_347 : vector<1x16xf32> to vector<16xf32>
        %get3A_349 = arith.constant 32 : i32
        %get3A_350 = arith.index_cast %get3A_349 : i32 to index
        %get3A_351 = arith.index_cast %mul3A_344 : i32 to index
        %get3A_352 = tpu.vector_load %arg11[%get3A_350, %get3A_351] {strides = array<i32>} : memref<64x128xf32, #tpu.memory_space<vmem>>, vector<1x16xf32>,
        %get3A_353 = vector.shape_cast %get3A_352 : vector<1x16xf32> to vector<16xf32>
        %sub3A = arith.subf %get3A_348, %get3A_353 : vector<16xf32>
        %get3A_354 = arith.constant 1 : i32
        %get3A_355 = arith.index_cast %get3A_354 : i32 to index
        %get3A_356 = arith.index_cast %mul3A_344 : i32 to index
        %get3A_357 = tpu.vector_load %arg11[%get3A_355, %get3A_356] {strides = array<i32>} : memref<64x128xf32, #tpu.memory_space<vmem>>, vector<1x16xf32>,
        %get3A_358 = vector.shape_cast %get3A_357 : vector<1x16xf32> to vector<16xf32>
        %get3A_359 = arith.constant 33 : i32
        %get3A_360 = arith.index_cast %get3A_359 : i32 to index
        %get3A_361 = arith.index_cast %mul3A_344 : i32 to index
        %get3A_362 = tpu.vector_load %arg11[%get3A_360, %get3A_361] {strides = array<i32>} : memref<64x128xf32, #tpu.memory_space<vmem>>, vector<1x16xf32>,
        %get3A_363 = vector.shape_cast %get3A_362 : vector<1x16xf32> to vector<16xf32>
        %sub3A_364 = arith.subf %get3A_358, %get3A_363 : vector<16xf32>
        %max3A = arith.maximumf %sub3A, %sub3A_364 : vector<16xf32>
        %get3A_365 = arith.constant 2 : i32
        %get3A_366 = arith.index_cast %get3A_365 : i32 to index
        %get3A_367 = arith.index_cast %mul3A_344 : i32 to index
        %get3A_368 = tpu.vector_load %arg11[%get3A_366, %get3A_367] {strides = array<i32>} : memref<64x128xf32, #tpu.memory_space<vmem>>, vector<1x16xf32>,
        %get3A_369 = vector.shape_cast %get3A_368 : vector<1x16xf32> to vector<16xf32>
        %get3A_370 = arith.constant 34 : i32
        %get3A_371 = arith.index_cast %get3A_370 : i32 to index
        %get3A_372 = arith.index_cast %mul3A_344 : i32 to index
        %get3A_373 = tpu.vector_load %arg11[%get3A_371, %get3A_372] {strides = array<i32>} : memref<64x128xf32, #tpu.memory_space<vmem>>, vector<1x16xf32>,
        %get3A_374 = vector.shape_cast %get3A_373 : vector<1x16xf32> to vector<16xf32>
        %sub3A_375 = arith.subf %get3A_369, %get3A_374 : vector<16xf32>
        %max3A_376 = arith.maximumf %max3A, %sub3A_375 : vector<16xf32>
        %get3A_377 = arith.constant 3 : i32
        %get3A_378 = arith.index_cast %get3A_377 : i32 to index
        %get3A_379 = arith.index_cast %mul3A_344 : i32 to index
        %get3A_380 = tpu.vector_load %arg11[%get3A_378, %get3A_379] {strides = array<i32>} : memref<64x128xf32, #tpu.memory_space<vmem>>, vector<1x16xf32>,
        %get3A_381 = vector.shape_cast %get3A_380 : vector<1x16xf32> to vector<16xf32>
        %get3A_382 = arith.constant 35 : i32
        %get3A_383 = arith.index_cast %get3A_382 : i32 to index
        %get3A_384 = arith.index_cast %mul3A_344 : i32 to index
        %get3A_385 = tpu.vector_load %arg11[%get3A_383, %get3A_384] {strides = array<i32>} : memref<64x128xf32, #tpu.memory_space<vmem>>, vector<1x16xf32>,
        %get3A_386 = vector.shape_cast %get3A_385 : vector<1x16xf32> to vector<16xf32>
        %sub3A_387 = arith.subf %get3A_381, %get3A_386 : vector<16xf32>
        %max3A_388 = arith.maximumf %max3A_376, %sub3A_387 : vector<16xf32>
        %get3A_389 = arith.constant 4 : i32
        %get3A_390 = arith.index_cast %get3A_389 : i32 to index
        %get3A_391 = arith.index_cast %mul3A_344 : i32 to index
        %get3A_392 = tpu.vector_load %arg11[%get3A_390, %get3A_391] {strides = array<i32>} : memref<64x128xf32, #tpu.memory_space<vmem>>, vector<1x16xf32>,
        %get3A_393 = vector.shape_cast %get3A_392 : vector<1x16xf32> to vector<16xf32>
        %get3A_394 = arith.constant 36 : i32
        %get3A_395 = arith.index_cast %get3A_394 : i32 to index
        %get3A_396 = arith.index_cast %mul3A_344 : i32 to index
        %get3A_397 = tpu.vector_load %arg11[%get3A_395, %get3A_396] {strides = array<i32>} : memref<64x128xf32, #tpu.memory_space<vmem>>, vector<1x16xf32>,
        %get3A_398 = vector.shape_cast %get3A_397 : vector<1x16xf32> to vector<16xf32>
        %sub3A_399 = arith.subf %get3A_393, %get3A_398 : vector<16xf32>
        %max3A_400 = arith.maximumf %max3A_388, %sub3A_399 : vector<16xf32>
        %get3A_401 = arith.constant 5 : i32
        %get3A_402 = arith.index_cast %get3A_401 : i32 to index
        %get3A_403 = arith.index_cast %mul3A_344 : i32 to index
        %get3A_404 = tpu.vector_load %arg11[%get3A_402, %get3A_403] {strides = array<i32>} : memref<64x128xf32, #tpu.memory_space<vmem>>, vector<1x16xf32>,
        %get3A_405 = vector.shape_cast %get3A_404 : vector<1x16xf32> to vector<16xf32>
        %get3A_406 = arith.constant 37 : i32
        %get3A_407 = arith.index_cast %get3A_406 : i32 to index
        %get3A_408 = arith.index_cast %mul3A_344 : i32 to index
        %get3A_409 = tpu.vector_load %arg11[%get3A_407, %get3A_408] {strides = array<i32>} : memref<64x128xf32, #tpu.memory_space<vmem>>, vector<1x16xf32>,
        %get3A_410 = vector.shape_cast %get3A_409 : vector<1x16xf32> to vector<16xf32>
        %sub3A_411 = arith.subf %get3A_405, %get3A_410 : vector<16xf32>
        %max3A_412 = arith.maximumf %max3A_400, %sub3A_411 : vector<16xf32>
        %get3A_413 = arith.constant 6 : i32
        %get3A_414 = arith.index_cast %get3A_413 : i32 to index
        %get3A_415 = arith.index_cast %mul3A_344 : i32 to index
        %get3A_416 = tpu.vector_load %arg11[%get3A_414, %get3A_415] {strides = array<i32>} : memref<64x128xf32, #tpu.memory_space<vmem>>, vector<1x16xf32>,
        %get3A_417 = vector.shape_cast %get3A_416 : vector<1x16xf32> to vector<16xf32>
        %get3A_418 = arith.constant 38 : i32
        %get3A_419 = arith.index_cast %get3A_418 : i32 to index
        %get3A_420 = arith.index_cast %mul3A_344 : i32 to index
        %get3A_421 = tpu.vector_load %arg11[%get3A_419, %get3A_420] {strides = array<i32>} : memref<64x128xf32, #tpu.memory_space<vmem>>, vector<1x16xf32>,
        %get3A_422 = vector.shape_cast %get3A_421 : vector<1x16xf32> to vector<16xf32>
        %sub3A_423 = arith.subf %get3A_417, %get3A_422 : vector<16xf32>
        %max3A_424 = arith.maximumf %max3A_412, %sub3A_423 : vector<16xf32>
        %get3A_425 = arith.constant 7 : i32
        %get3A_426 = arith.index_cast %get3A_425 : i32 to index
        %get3A_427 = arith.index_cast %mul3A_344 : i32 to index
        %get3A_428 = tpu.vector_load %arg11[%get3A_426, %get3A_427] {strides = array<i32>} : memref<64x128xf32, #tpu.memory_space<vmem>>, vector<1x16xf32>,
        %get3A_429 = vector.shape_cast %get3A_428 : vector<1x16xf32> to vector<16xf32>
        %get3A_430 = arith.constant 39 : i32
        %get3A_431 = arith.index_cast %get3A_430 : i32 to index
        %get3A_432 = arith.index_cast %mul3A_344 : i32 to index
        %get3A_433 = tpu.vector_load %arg11[%get3A_431, %get3A_432] {strides = array<i32>} : memref<64x128xf32, #tpu.memory_space<vmem>>, vector<1x16xf32>,
        %get3A_434 = vector.shape_cast %get3A_433 : vector<1x16xf32> to vector<16xf32>
        %sub3A_435 = arith.subf %get3A_429, %get3A_434 : vector<16xf32>
        %max3A_436 = arith.maximumf %max3A_424, %sub3A_435 : vector<16xf32>
        %get3A_437 = arith.constant 8 : i32
        %get3A_438 = arith.index_cast %get3A_437 : i32 to index
        %get3A_439 = arith.index_cast %mul3A_344 : i32 to index
        %get3A_440 = tpu.vector_load %arg11[%get3A_438, %get3A_439] {strides = array<i32>} : memref<64x128xf32, #tpu.memory_space<vmem>>, vector<1x16xf32>,
        %get3A_441 = vector.shape_cast %get3A_440 : vector<1x16xf32> to vector<16xf32>
        %get3A_442 = arith.constant 40 : i32
        %get3A_443 = arith.index_cast %get3A_442 : i32 to index
        %get3A_444 = arith.index_cast %mul3A_344 : i32 to index
        %get3A_445 = tpu.vector_load %arg11[%get3A_443, %get3A_444] {strides = array<i32>} : memref<64x128xf32, #tpu.memory_space<vmem>>, vector<1x16xf32>,
        %get3A_446 = vector.shape_cast %get3A_445 : vector<1x16xf32> to vector<16xf32>
        %sub3A_447 = arith.subf %get3A_441, %get3A_446 : vector<16xf32>
        %max3A_448 = arith.maximumf %max3A_436, %sub3A_447 : vector<16xf32>
        %get3A_449 = arith.constant 9 : i32
        %get3A_450 = arith.index_cast %get3A_449 : i32 to index
        %get3A_451 = arith.index_cast %mul3A_344 : i32 to index
        %get3A_452 = tpu.vector_load %arg11[%get3A_450, %get3A_451] {strides = array<i32>} : memref<64x128xf32, #tpu.memory_space<vmem>>, vector<1x16xf32>,
        %get3A_453 = vector.shape_cast %get3A_452 : vector<1x16xf32> to vector<16xf32>
        %get3A_454 = arith.constant 41 : i32
        %get3A_455 = arith.index_cast %get3A_454 : i32 to index
        %get3A_456 = arith.index_cast %mul3A_344 : i32 to index
        %get3A_457 = tpu.vector_load %arg11[%get3A_455, %get3A_456] {strides = array<i32>} : memref<64x128xf32, #tpu.memory_space<vmem>>, vector<1x16xf32>,
        %get3A_458 = vector.shape_cast %get3A_457 : vector<1x16xf32> to vector<16xf32>
        %sub3A_459 = arith.subf %get3A_453, %get3A_458 : vector<16xf32>
        %max3A_460 = arith.maximumf %max3A_448, %sub3A_459 : vector<16xf32>
        %get3A_461 = arith.constant 10 : i32
        %get3A_462 = arith.index_cast %get3A_461 : i32 to index
        %get3A_463 = arith.index_cast %mul3A_344 : i32 to index
        %get3A_464 = tpu.vector_load %arg11[%get3A_462, %get3A_463] {strides = array<i32>} : memref<64x128xf32, #tpu.memory_space<vmem>>, vector<1x16xf32>,
        %get3A_465 = vector.shape_cast %get3A_464 : vector<1x16xf32> to vector<16xf32>
        %get3A_466 = arith.constant 42 : i32
        %get3A_467 = arith.index_cast %get3A_466 : i32 to index
        %get3A_468 = arith.index_cast %mul3A_344 : i32 to index
        %get3A_469 = tpu.vector_load %arg11[%get3A_467, %get3A_468] {strides = array<i32>} : memref<64x128xf32, #tpu.memory_space<vmem>>, vector<1x16xf32>,
        %get3A_470 = vector.shape_cast %get3A_469 : vector<1x16xf32> to vector<16xf32>
        %sub3A_471 = arith.subf %get3A_465, %get3A_470 : vector<16xf32>
        %max3A_472 = arith.maximumf %max3A_460, %sub3A_471 : vector<16xf32>
        %get3A_473 = arith.constant 11 : i32
        %get3A_474 = arith.index_cast %get3A_473 : i32 to index
        %get3A_475 = arith.index_cast %mul3A_344 : i32 to index
        %get3A_476 = tpu.vector_load %arg11[%get3A_474, %get3A_475] {strides = array<i32>} : memref<64x128xf32, #tpu.memory_space<vmem>>, vector<1x16xf32>,
        %get3A_477 = vector.shape_cast %get3A_476 : vector<1x16xf32> to vector<16xf32>
        %get3A_478 = arith.constant 43 : i32
        %get3A_479 = arith.index_cast %get3A_478 : i32 to index
        %get3A_480 = arith.index_cast %mul3A_344 : i32 to index
        %get3A_481 = tpu.vector_load %arg11[%get3A_479, %get3A_480] {strides = array<i32>} : memref<64x128xf32, #tpu.memory_space<vmem>>, vector<1x16xf32>,
        %get3A_482 = vector.shape_cast %get3A_481 : vector<1x16xf32> to vector<16xf32>
        %sub3A_483 = arith.subf %get3A_477, %get3A_482 : vector<16xf32>
        %max3A_484 = arith.maximumf %max3A_472, %sub3A_483 : vector<16xf32>
        %get3A_485 = arith.constant 12 : i32
        %get3A_486 = arith.index_cast %get3A_485 : i32 to index
        %get3A_487 = arith.index_cast %mul3A_344 : i32 to index
        %get3A_488 = tpu.vector_load %arg11[%get3A_486, %get3A_487] {strides = array<i32>} : memref<64x128xf32, #tpu.memory_space<vmem>>, vector<1x16xf32>,
        %get3A_489 = vector.shape_cast %get3A_488 : vector<1x16xf32> to vector<16xf32>
        %get3A_490 = arith.constant 44 : i32
        %get3A_491 = arith.index_cast %get3A_490 : i32 to index
        %get3A_492 = arith.index_cast %mul3A_344 : i32 to index
        %get3A_493 = tpu.vector_load %arg11[%get3A_491, %get3A_492] {strides = array<i32>} : memref<64x128xf32, #tpu.memory_space<vmem>>, vector<1x16xf32>,
        %get3A_494 = vector.shape_cast %get3A_493 : vector<1x16xf32> to vector<16xf32>
        %sub3A_495 = arith.subf %get3A_489, %get3A_494 : vector<16xf32>
        %max3A_496 = arith.maximumf %max3A_484, %sub3A_495 : vector<16xf32>
        %get3A_497 = arith.constant 13 : i32
        %get3A_498 = arith.index_cast %get3A_497 : i32 to index
        %get3A_499 = arith.index_cast %mul3A_344 : i32 to index
        %get3A_500 = tpu.vector_load %arg11[%get3A_498, %get3A_499] {strides = array<i32>} : memref<64x128xf32, #tpu.memory_space<vmem>>, vector<1x16xf32>,
        %get3A_501 = vector.shape_cast %get3A_500 : vector<1x16xf32> to vector<16xf32>
        %get3A_502 = arith.constant 45 : i32
        %get3A_503 = arith.index_cast %get3A_502 : i32 to index
        %get3A_504 = arith.index_cast %mul3A_344 : i32 to index
        %get3A_505 = tpu.vector_load %arg11[%get3A_503, %get3A_504] {strides = array<i32>} : memref<64x128xf32, #tpu.memory_space<vmem>>, vector<1x16xf32>,
        %get3A_506 = vector.shape_cast %get3A_505 : vector<1x16xf32> to vector<16xf32>
        %sub3A_507 = arith.subf %get3A_501, %get3A_506 : vector<16xf32>
        %max3A_508 = arith.maximumf %max3A_496, %sub3A_507 : vector<16xf32>
        %get3A_509 = arith.constant 14 : i32
        %get3A_510 = arith.index_cast %get3A_509 : i32 to index
        %get3A_511 = arith.index_cast %mul3A_344 : i32 to index
        %get3A_512 = tpu.vector_load %arg11[%get3A_510, %get3A_511] {strides = array<i32>} : memref<64x128xf32, #tpu.memory_space<vmem>>, vector<1x16xf32>,
        %get3A_513 = vector.shape_cast %get3A_512 : vector<1x16xf32> to vector<16xf32>
        %get3A_514 = arith.constant 46 : i32
        %get3A_515 = arith.index_cast %get3A_514 : i32 to index
        %get3A_516 = arith.index_cast %mul3A_344 : i32 to index
        %get3A_517 = tpu.vector_load %arg11[%get3A_515, %get3A_516] {strides = array<i32>} : memref<64x128xf32, #tpu.memory_space<vmem>>, vector<1x16xf32>,
        %get3A_518 = vector.shape_cast %get3A_517 : vector<1x16xf32> to vector<16xf32>
        %sub3A_519 = arith.subf %get3A_513, %get3A_518 : vector<16xf32>
        %max3A_520 = arith.maximumf %max3A_508, %sub3A_519 : vector<16xf32>
        %get3A_521 = arith.constant 15 : i32
        %get3A_522 = arith.index_cast %get3A_521 : i32 to index
        %get3A_523 = arith.index_cast %mul3A_344 : i32 to index
        %get3A_524 = tpu.vector_load %arg11[%get3A_522, %get3A_523] {strides = array<i32>} : memref<64x128xf32, #tpu.memory_space<vmem>>, vector<1x16xf32>,
        %get3A_525 = vector.shape_cast %get3A_524 : vector<1x16xf32> to vector<16xf32>
        %get3A_526 = arith.constant 47 : i32
        %get3A_527 = arith.index_cast %get3A_526 : i32 to index
        %get3A_528 = arith.index_cast %mul3A_344 : i32 to index
        %get3A_529 = tpu.vector_load %arg11[%get3A_527, %get3A_528] {strides = array<i32>} : memref<64x128xf32, #tpu.memory_space<vmem>>, vector<1x16xf32>,
        %get3A_530 = vector.shape_cast %get3A_529 : vector<1x16xf32> to vector<16xf32>
        %sub3A_531 = arith.subf %get3A_525, %get3A_530 : vector<16xf32>
        %max3A_532 = arith.maximumf %max3A_520, %sub3A_531 : vector<16xf32>
        %get3A_533 = arith.constant 16 : i32
        %get3A_534 = arith.index_cast %get3A_533 : i32 to index
        %get3A_535 = arith.index_cast %mul3A_344 : i32 to index
        %get3A_536 = tpu.vector_load %arg11[%get3A_534, %get3A_535] {strides = array<i32>} : memref<64x128xf32, #tpu.memory_space<vmem>>, vector<1x16xf32>,
        %get3A_537 = vector.shape_cast %get3A_536 : vector<1x16xf32> to vector<16xf32>
        %get3A_538 = arith.constant 48 : i32
        %get3A_539 = arith.index_cast %get3A_538 : i32 to index
        %get3A_540 = arith.index_cast %mul3A_344 : i32 to index
        %get3A_541 = tpu.vector_load %arg11[%get3A_539, %get3A_540] {strides = array<i32>} : memref<64x128xf32, #tpu.memory_space<vmem>>, vector<1x16xf32>,
        %get3A_542 = vector.shape_cast %get3A_541 : vector<1x16xf32> to vector<16xf32>
        %sub3A_543 = arith.subf %get3A_537, %get3A_542 : vector<16xf32>
        %max3A_544 = arith.maximumf %max3A_532, %sub3A_543 : vector<16xf32>
        %get3A_545 = arith.constant 17 : i32
        %get3A_546 = arith.index_cast %get3A_545 : i32 to index
        %get3A_547 = arith.index_cast %mul3A_344 : i32 to index
        %get3A_548 = tpu.vector_load %arg11[%get3A_546, %get3A_547] {strides = array<i32>} : memref<64x128xf32, #tpu.memory_space<vmem>>, vector<1x16xf32>,
        %get3A_549 = vector.shape_cast %get3A_548 : vector<1x16xf32> to vector<16xf32>
        %get3A_550 = arith.constant 49 : i32
        %get3A_551 = arith.index_cast %get3A_550 : i32 to index
        %get3A_552 = arith.index_cast %mul3A_344 : i32 to index
        %get3A_553 = tpu.vector_load %arg11[%get3A_551, %get3A_552] {strides = array<i32>} : memref<64x128xf32, #tpu.memory_space<vmem>>, vector<1x16xf32>,
        %get3A_554 = vector.shape_cast %get3A_553 : vector<1x16xf32> to vector<16xf32>
        %sub3A_555 = arith.subf %get3A_549, %get3A_554 : vector<16xf32>
        %max3A_556 = arith.maximumf %max3A_544, %sub3A_555 : vector<16xf32>
        %get3A_557 = arith.constant 18 : i32
        %get3A_558 = arith.index_cast %get3A_557 : i32 to index
        %get3A_559 = arith.index_cast %mul3A_344 : i32 to index
        %get3A_560 = tpu.vector_load %arg11[%get3A_558, %get3A_559] {strides = array<i32>} : memref<64x128xf32, #tpu.memory_space<vmem>>, vector<1x16xf32>,
        %get3A_561 = vector.shape_cast %get3A_560 : vector<1x16xf32> to vector<16xf32>
        %get3A_562 = arith.constant 50 : i32
        %get3A_563 = arith.index_cast %get3A_562 : i32 to index
        %get3A_564 = arith.index_cast %mul3A_344 : i32 to index
        %get3A_565 = tpu.vector_load %arg11[%get3A_563, %get3A_564] {strides = array<i32>} : memref<64x128xf32, #tpu.memory_space<vmem>>, vector<1x16xf32>,
        %get3A_566 = vector.shape_cast %get3A_565 : vector<1x16xf32> to vector<16xf32>
        %sub3A_567 = arith.subf %get3A_561, %get3A_566 : vector<16xf32>
        %max3A_568 = arith.maximumf %max3A_556, %sub3A_567 : vector<16xf32>
        %get3A_569 = arith.constant 19 : i32
        %get3A_570 = arith.index_cast %get3A_569 : i32 to index
        %get3A_571 = arith.index_cast %mul3A_344 : i32 to index
        %get3A_572 = tpu.vector_load %arg11[%get3A_570, %get3A_571] {strides = array<i32>} : memref<64x128xf32, #tpu.memory_space<vmem>>, vector<1x16xf32>,
        %get3A_573 = vector.shape_cast %get3A_572 : vector<1x16xf32> to vector<16xf32>
        %get3A_574 = arith.constant 51 : i32
        %get3A_575 = arith.index_cast %get3A_574 : i32 to index
        %get3A_576 = arith.index_cast %mul3A_344 : i32 to index
        %get3A_577 = tpu.vector_load %arg11[%get3A_575, %get3A_576] {strides = array<i32>} : memref<64x128xf32, #tpu.memory_space<vmem>>, vector<1x16xf32>,
        %get3A_578 = vector.shape_cast %get3A_577 : vector<1x16xf32> to vector<16xf32>
        %sub3A_579 = arith.subf %get3A_573, %get3A_578 : vector<16xf32>
        %max3A_580 = arith.maximumf %max3A_568, %sub3A_579 : vector<16xf32>
        %get3A_581 = arith.constant 20 : i32
        %get3A_582 = arith.index_cast %get3A_581 : i32 to index
        %get3A_583 = arith.index_cast %mul3A_344 : i32 to index
        %get3A_584 = tpu.vector_load %arg11[%get3A_582, %get3A_583] {strides = array<i32>} : memref<64x128xf32, #tpu.memory_space<vmem>>, vector<1x16xf32>,
        %get3A_585 = vector.shape_cast %get3A_584 : vector<1x16xf32> to vector<16xf32>
        %get3A_586 = arith.constant 52 : i32
        %get3A_587 = arith.index_cast %get3A_586 : i32 to index
        %get3A_588 = arith.index_cast %mul3A_344 : i32 to index
        %get3A_589 = tpu.vector_load %arg11[%get3A_587, %get3A_588] {strides = array<i32>} : memref<64x128xf32, #tpu.memory_space<vmem>>, vector<1x16xf32>,
        %get3A_590 = vector.shape_cast %get3A_589 : vector<1x16xf32> to vector<16xf32>
        %sub3A_591 = arith.subf %get3A_585, %get3A_590 : vector<16xf32>
        %max3A_592 = arith.maximumf %max3A_580, %sub3A_591 : vector<16xf32>
        %get3A_593 = arith.constant 21 : i32
        %get3A_594 = arith.index_cast %get3A_593 : i32 to index
        %get3A_595 = arith.index_cast %mul3A_344 : i32 to index
        %get3A_596 = tpu.vector_load %arg11[%get3A_594, %get3A_595] {strides = array<i32>} : memref<64x128xf32, #tpu.memory_space<vmem>>, vector<1x16xf32>,
        %get3A_597 = vector.shape_cast %get3A_596 : vector<1x16xf32> to vector<16xf32>
        %get3A_598 = arith.constant 53 : i32
        %get3A_599 = arith.index_cast %get3A_598 : i32 to index
        %get3A_600 = arith.index_cast %mul3A_344 : i32 to index
        %get3A_601 = tpu.vector_load %arg11[%get3A_599, %get3A_600] {strides = array<i32>} : memref<64x128xf32, #tpu.memory_space<vmem>>, vector<1x16xf32>,
        %get3A_602 = vector.shape_cast %get3A_601 : vector<1x16xf32> to vector<16xf32>
        %sub3A_603 = arith.subf %get3A_597, %get3A_602 : vector<16xf32>
        %max3A_604 = arith.maximumf %max3A_592, %sub3A_603 : vector<16xf32>
        %get3A_605 = arith.constant 22 : i32
        %get3A_606 = arith.index_cast %get3A_605 : i32 to index
        %get3A_607 = arith.index_cast %mul3A_344 : i32 to index
        %get3A_608 = tpu.vector_load %arg11[%get3A_606, %get3A_607] {strides = array<i32>} : memref<64x128xf32, #tpu.memory_space<vmem>>, vector<1x16xf32>,
        %get3A_609 = vector.shape_cast %get3A_608 : vector<1x16xf32> to vector<16xf32>
        %get3A_610 = arith.constant 54 : i32
        %get3A_611 = arith.index_cast %get3A_610 : i32 to index
        %get3A_612 = arith.index_cast %mul3A_344 : i32 to index
        %get3A_613 = tpu.vector_load %arg11[%get3A_611, %get3A_612] {strides = array<i32>} : memref<64x128xf32, #tpu.memory_space<vmem>>, vector<1x16xf32>,
        %get3A_614 = vector.shape_cast %get3A_613 : vector<1x16xf32> to vector<16xf32>
        %sub3A_615 = arith.subf %get3A_609, %get3A_614 : vector<16xf32>
        %max3A_616 = arith.maximumf %max3A_604, %sub3A_615 : vector<16xf32>
        %get3A_617 = arith.constant 23 : i32
        %get3A_618 = arith.index_cast %get3A_617 : i32 to index
        %get3A_619 = arith.index_cast %mul3A_344 : i32 to index
        %get3A_620 = tpu.vector_load %arg11[%get3A_618, %get3A_619] {strides = array<i32>} : memref<64x128xf32, #tpu.memory_space<vmem>>, vector<1x16xf32>,
        %get3A_621 = vector.shape_cast %get3A_620 : vector<1x16xf32> to vector<16xf32>
        %get3A_622 = arith.constant 55 : i32
        %get3A_623 = arith.index_cast %get3A_622 : i32 to index
        %get3A_624 = arith.index_cast %mul3A_344 : i32 to index
        %get3A_625 = tpu.vector_load %arg11[%get3A_623, %get3A_624] {strides = array<i32>} : memref<64x128xf32, #tpu.memory_space<vmem>>, vector<1x16xf32>,
        %get3A_626 = vector.shape_cast %get3A_625 : vector<1x16xf32> to vector<16xf32>
        %sub3A_627 = arith.subf %get3A_621, %get3A_626 : vector<16xf32>
        %max3A_628 = arith.maximumf %max3A_616, %sub3A_627 : vector<16xf32>
        %get3A_629 = arith.constant 24 : i32
        %get3A_630 = arith.index_cast %get3A_629 : i32 to index
        %get3A_631 = arith.index_cast %mul3A_344 : i32 to index
        %get3A_632 = tpu.vector_load %arg11[%get3A_630, %get3A_631] {strides = array<i32>} : memref<64x128xf32, #tpu.memory_space<vmem>>, vector<1x16xf32>,
        %get3A_633 = vector.shape_cast %get3A_632 : vector<1x16xf32> to vector<16xf32>
        %get3A_634 = arith.constant 56 : i32
        %get3A_635 = arith.index_cast %get3A_634 : i32 to index
        %get3A_636 = arith.index_cast %mul3A_344 : i32 to index
        %get3A_637 = tpu.vector_load %arg11[%get3A_635, %get3A_636] {strides = array<i32>} : memref<64x128xf32, #tpu.memory_space<vmem>>, vector<1x16xf32>,
        %get3A_638 = vector.shape_cast %get3A_637 : vector<1x16xf32> to vector<16xf32>
        %sub3A_639 = arith.subf %get3A_633, %get3A_638 : vector<16xf32>
        %max3A_640 = arith.maximumf %max3A_628, %sub3A_639 : vector<16xf32>
        %get3A_641 = arith.constant 25 : i32
        %get3A_642 = arith.index_cast %get3A_641 : i32 to index
        %get3A_643 = arith.index_cast %mul3A_344 : i32 to index
        %get3A_644 = tpu.vector_load %arg11[%get3A_642, %get3A_643] {strides = array<i32>} : memref<64x128xf32, #tpu.memory_space<vmem>>, vector<1x16xf32>,
        %get3A_645 = vector.shape_cast %get3A_644 : vector<1x16xf32> to vector<16xf32>
        %get3A_646 = arith.constant 57 : i32
        %get3A_647 = arith.index_cast %get3A_646 : i32 to index
        %get3A_648 = arith.index_cast %mul3A_344 : i32 to index
        %get3A_649 = tpu.vector_load %arg11[%get3A_647, %get3A_648] {strides = array<i32>} : memref<64x128xf32, #tpu.memory_space<vmem>>, vector<1x16xf32>,
        %get3A_650 = vector.shape_cast %get3A_649 : vector<1x16xf32> to vector<16xf32>
        %sub3A_651 = arith.subf %get3A_645, %get3A_650 : vector<16xf32>
        %max3A_652 = arith.maximumf %max3A_640, %sub3A_651 : vector<16xf32>
        %get3A_653 = arith.constant 26 : i32
        %get3A_654 = arith.index_cast %get3A_653 : i32 to index
        %get3A_655 = arith.index_cast %mul3A_344 : i32 to index
        %get3A_656 = tpu.vector_load %arg11[%get3A_654, %get3A_655] {strides = array<i32>} : memref<64x128xf32, #tpu.memory_space<vmem>>, vector<1x16xf32>,
        %get3A_657 = vector.shape_cast %get3A_656 : vector<1x16xf32> to vector<16xf32>
        %get3A_658 = arith.constant 58 : i32
        %get3A_659 = arith.index_cast %get3A_658 : i32 to index
        %get3A_660 = arith.index_cast %mul3A_344 : i32 to index
        %get3A_661 = tpu.vector_load %arg11[%get3A_659, %get3A_660] {strides = array<i32>} : memref<64x128xf32, #tpu.memory_space<vmem>>, vector<1x16xf32>,
        %get3A_662 = vector.shape_cast %get3A_661 : vector<1x16xf32> to vector<16xf32>
        %sub3A_663 = arith.subf %get3A_657, %get3A_662 : vector<16xf32>
        %max3A_664 = arith.maximumf %max3A_652, %sub3A_663 : vector<16xf32>
        %get3A_665 = arith.constant 27 : i32
        %get3A_666 = arith.index_cast %get3A_665 : i32 to index
        %get3A_667 = arith.index_cast %mul3A_344 : i32 to index
        %get3A_668 = tpu.vector_load %arg11[%get3A_666, %get3A_667] {strides = array<i32>} : memref<64x128xf32, #tpu.memory_space<vmem>>, vector<1x16xf32>,
        %get3A_669 = vector.shape_cast %get3A_668 : vector<1x16xf32> to vector<16xf32>
        %get3A_670 = arith.constant 59 : i32
        %get3A_671 = arith.index_cast %get3A_670 : i32 to index
        %get3A_672 = arith.index_cast %mul3A_344 : i32 to index
        %get3A_673 = tpu.vector_load %arg11[%get3A_671, %get3A_672] {strides = array<i32>} : memref<64x128xf32, #tpu.memory_space<vmem>>, vector<1x16xf32>,
        %get3A_674 = vector.shape_cast %get3A_673 : vector<1x16xf32> to vector<16xf32>
        %sub3A_675 = arith.subf %get3A_669, %get3A_674 : vector<16xf32>
        %max3A_676 = arith.maximumf %max3A_664, %sub3A_675 : vector<16xf32>
        %get3A_677 = arith.constant 28 : i32
        %get3A_678 = arith.index_cast %get3A_677 : i32 to index
        %get3A_679 = arith.index_cast %mul3A_344 : i32 to index
        %get3A_680 = tpu.vector_load %arg11[%get3A_678, %get3A_679] {strides = array<i32>} : memref<64x128xf32, #tpu.memory_space<vmem>>, vector<1x16xf32>,
        %get3A_681 = vector.shape_cast %get3A_680 : vector<1x16xf32> to vector<16xf32>
        %get3A_682 = arith.constant 60 : i32
        %get3A_683 = arith.index_cast %get3A_682 : i32 to index
        %get3A_684 = arith.index_cast %mul3A_344 : i32 to index
        %get3A_685 = tpu.vector_load %arg11[%get3A_683, %get3A_684] {strides = array<i32>} : memref<64x128xf32, #tpu.memory_space<vmem>>, vector<1x16xf32>,
        %get3A_686 = vector.shape_cast %get3A_685 : vector<1x16xf32> to vector<16xf32>
        %sub3A_687 = arith.subf %get3A_681, %get3A_686 : vector<16xf32>
        %max3A_688 = arith.maximumf %max3A_676, %sub3A_687 : vector<16xf32>
        %get3A_689 = arith.constant 29 : i32
        %get3A_690 = arith.index_cast %get3A_689 : i32 to index
        %get3A_691 = arith.index_cast %mul3A_344 : i32 to index
        %get3A_692 = tpu.vector_load %arg11[%get3A_690, %get3A_691] {strides = array<i32>} : memref<64x128xf32, #tpu.memory_space<vmem>>, vector<1x16xf32>,
        %get3A_693 = vector.shape_cast %get3A_692 : vector<1x16xf32> to vector<16xf32>
        %get3A_694 = arith.constant 61 : i32
        %get3A_695 = arith.index_cast %get3A_694 : i32 to index
        %get3A_696 = arith.index_cast %mul3A_344 : i32 to index
        %get3A_697 = tpu.vector_load %arg11[%get3A_695, %get3A_696] {strides = array<i32>} : memref<64x128xf32, #tpu.memory_space<vmem>>, vector<1x16xf32>,
        %get3A_698 = vector.shape_cast %get3A_697 : vector<1x16xf32> to vector<16xf32>
        %sub3A_699 = arith.subf %get3A_693, %get3A_698 : vector<16xf32>
        %max3A_700 = arith.maximumf %max3A_688, %sub3A_699 : vector<16xf32>
        %get3A_701 = arith.constant 30 : i32
        %get3A_702 = arith.index_cast %get3A_701 : i32 to index
        %get3A_703 = arith.index_cast %mul3A_344 : i32 to index
        %get3A_704 = tpu.vector_load %arg11[%get3A_702, %get3A_703] {strides = array<i32>} : memref<64x128xf32, #tpu.memory_space<vmem>>, vector<1x16xf32>,
        %get3A_705 = vector.shape_cast %get3A_704 : vector<1x16xf32> to vector<16xf32>
        %get3A_706 = arith.constant 62 : i32
        %get3A_707 = arith.index_cast %get3A_706 : i32 to index
        %get3A_708 = arith.index_cast %mul3A_344 : i32 to index
        %get3A_709 = tpu.vector_load %arg11[%get3A_707, %get3A_708] {strides = array<i32>} : memref<64x128xf32, #tpu.memory_space<vmem>>, vector<1x16xf32>,
        %get3A_710 = vector.shape_cast %get3A_709 : vector<1x16xf32> to vector<16xf32>
        %sub3A_711 = arith.subf %get3A_705, %get3A_710 : vector<16xf32>
        %max3A_712 = arith.maximumf %max3A_700, %sub3A_711 : vector<16xf32>
        %get3A_713 = arith.constant 31 : i32
        %get3A_714 = arith.index_cast %get3A_713 : i32 to index
        %get3A_715 = arith.index_cast %mul3A_344 : i32 to index
        %get3A_716 = tpu.vector_load %arg11[%get3A_714, %get3A_715] {strides = array<i32>} : memref<64x128xf32, #tpu.memory_space<vmem>>, vector<1x16xf32>,
        %get3A_717 = vector.shape_cast %get3A_716 : vector<1x16xf32> to vector<16xf32>
        %get3A_718 = arith.constant 63 : i32
        %get3A_719 = arith.index_cast %get3A_718 : i32 to index
        %get3A_720 = arith.index_cast %mul3A_344 : i32 to index
        %get3A_721 = tpu.vector_load %arg11[%get3A_719, %get3A_720] {strides = array<i32>} : memref<64x128xf32, #tpu.memory_space<vmem>>, vector<1x16xf32>,
        %get3A_722 = vector.shape_cast %get3A_721 : vector<1x16xf32> to vector<16xf32>
        %sub3A_723 = arith.subf %get3A_717, %get3A_722 : vector<16xf32>
        %max3A_724 = arith.maximumf %max3A_712, %sub3A_723 : vector<16xf32>
        %swap3A = arith.index_cast %mul3A_344 : i32 to index
        %swap3A_725 = tpu.vector_load %arg16[%swap3A] {strides = array<i32>} : memref<128xf32, #tpu.memory_space<vmem>>, vector<16xf32>,
        %swap3A_726 = vector.shape_cast %swap3A_725 : vector<16xf32> to vector<16xf32>
        %swap3A_727 = vector.shape_cast %max3A_724 : vector<16xf32> to vector<16xf32>
        tpu.vector_store %arg16[%swap3A], %swap3A_727 {strides = array<i32>} : memref<128xf32, #tpu.memory_space<vmem>>, vector<16xf32>,
      }
      %scan3A_156 = arith.constant 8 : i32
      %add3A_157 = arith.addi %mul3A_2, %add3A_136 : i32
      %mul3A_158 = arith.constant 128 : i32
      %mul3A_159 = arith.muli %add3A_157, %mul3A_158 : i32
      %dma_start3A_160 = tpu.memref_slice %arg4[%mul3A_159] : memref<1310720xf32, #tpu.memory_space<hbm>> -> memref<128xf32, #tpu.memory_space<hbm>>
      %dma_start3A_161 = tpu.memref_slice %arg4[%mul3A_159] : memref<1310720xf32, #tpu.memory_space<hbm>> -> memref<128xf32, #tpu.memory_space<hbm>>
      tpu.enqueue_dma source(%arg16 : memref<128xf32, #tpu.memory_space<vmem>>) target(%dma_start3A_161 : memref<128xf32, #tpu.memory_space<hbm>>) target_semaphore(%arg31 : memref<!tpu.dma_semaphore, #tpu.memory_space<semaphore_mem>>)
      %add3A_162 = arith.constant 5 : i32
      %add3A_163 = arith.addi %add3A_136, %add3A_162 : i32
      %add3A_164 = arith.addi %mul3A_2, %add3A_163 : i32
      %mul3A_165 = arith.constant 64 : i32
      %mul3A_166 = arith.muli %add3A_164, %mul3A_165 : i32
      %dma_wait3A_167 = tpu.memref_slice %arg3[%mul3A_166] : memref<656384xi32, #tpu.memory_space<hbm>> -> memref<64xi32, #tpu.memory_space<hbm>>
      %dma_wait3A_168 = tpu.memref_slice %arg3[%mul3A_166] : memref<656384xi32, #tpu.memory_space<hbm>> -> memref<64xi32, #tpu.memory_space<hbm>>
      tpu.wait_dma2 semaphore(%arg21 : memref<!tpu.dma_semaphore, #tpu.memory_space<semaphore_mem>>) src(%dma_wait3A_168 : memref<64xi32, #tpu.memory_space<hbm>>) dst(%arg6 : memref<64xi32, #tpu.memory_space<vmem>>)
      %add3A_169 = arith.constant 5 : i32
      %add3A_170 = arith.addi %add3A_136, %add3A_169 : i32
      %dma_start3A_171 = arith.constant 0 : i32
      %dma_start3A_172 = arith.constant 0 : i32
      %dma_start3A_173 = tpu.memref_slice %arg5[%dma_start3A_171, %dma_start3A_172] : memref<10000x128xf32, #tpu.memory_space<vmem_shared>> -> memref<10000x128xf32, #tpu.memory_space<vmem_shared>>
      tpu.enqueue_indirect_dma source(%dma_start3A_173 : memref<10000x128xf32, #tpu.memory_space<vmem_shared>>) target(%arg11 : memref<64x128xf32, #tpu.memory_space<vmem>>) offsets(%arg6 : memref<64xi32, #tpu.memory_space<vmem>>) semaphore(%arg26 : memref<!tpu.dma_semaphore, #tpu.memory_space<semaphore_mem>>)
      %mul3A_174 = arith.constant 5 : i32
      %mul3A_175 = arith.muli %scan3A_132, %mul3A_174 : i32
      %add3A_176 = arith.constant 1 : i32
      %add3A_177 = arith.addi %mul3A_175, %add3A_176 : i32
      %dma_wait3A_178 = arith.constant 0 : i32
      %dma_wait3A_179 = arith.constant 0 : i32
      %dma_wait3A_180 = tpu.memref_slice %arg5[%dma_wait3A_178, %dma_wait3A_179] : memref<10000x128xf32, #tpu.memory_space<vmem_shared>> -> memref<10000x128xf32, #tpu.memory_space<vmem_shared>>
      tpu.wait_indirect_dma semaphore(%arg27 : memref<!tpu.dma_semaphore, #tpu.memory_space<semaphore_mem>>) src(%dma_wait3A_180 : memref<10000x128xf32, #tpu.memory_space<vmem_shared>>) dst(%arg12 : memref<64x128xf32, #tpu.memory_space<vmem>>)
      %add3A_181 = arith.constant 5 : i32
      %add3A_182 = arith.addi %add3A_177, %add3A_181 : i32
      %add3A_183 = arith.addi %mul3A_2, %add3A_182 : i32
      %mul3A_184 = arith.constant 64 : i32
      %mul3A_185 = arith.muli %add3A_183, %mul3A_184 : i32
      %dma_start3A_186 = tpu.memref_slice %arg3[%mul3A_185] : memref<656384xi32, #tpu.memory_space<hbm>> -> memref<64xi32, #tpu.memory_space<hbm>>
      %dma_start3A_187 = tpu.memref_slice %arg3[%mul3A_185] : memref<656384xi32, #tpu.memory_space<hbm>> -> memref<64xi32, #tpu.memory_space<hbm>>
      tpu.enqueue_dma source(%dma_start3A_187 : memref<64xi32, #tpu.memory_space<hbm>>) target(%arg7 : memref<64xi32, #tpu.memory_space<vmem>>) target_semaphore(%arg22 : memref<!tpu.dma_semaphore, #tpu.memory_space<semaphore_mem>>)
      %ge3A_188 = arith.constant 1 : i32
      %ge3A_189 = arith.cmpi sge, %scan3A_132, %ge3A_188 : i32
      %convert_element_type3A_190 = arith.extui %ge3A_189 : i1 to i32
      %cond3A_191 = arith.constant 0 : i32
      %cond3A_192 = arith.cmpi ne, %convert_element_type3A_190, %cond3A_191 : i32
      scf.if %cond3A_192 {
        %sub3A = arith.constant 5 : i32
        %sub3A_342 = arith.subi %add3A_177, %sub3A : i32
        %add3A_343 = arith.addi %mul3A_2, %sub3A_342 : i32
        %mul3A_344 = arith.constant 128 : i32
        %mul3A_345 = arith.muli %add3A_343, %mul3A_344 : i32
        %dma_wait3A_346 = tpu.memref_slice %arg4[%mul3A_345] : memref<1310720xf32, #tpu.memory_space<hbm>> -> memref<128xf32, #tpu.memory_space<hbm>>
        %dma_wait3A_347 = tpu.memref_slice %arg4[%mul3A_345] : memref<1310720xf32, #tpu.memory_space<hbm>> -> memref<128xf32, #tpu.memory_space<hbm>>
        tpu.wait_dma2 semaphore(%arg32 : memref<!tpu.dma_semaphore, #tpu.memory_space<semaphore_mem>>) src(%arg17 : memref<128xf32, #tpu.memory_space<vmem>>) dst(%dma_wait3A_347 : memref<128xf32, #tpu.memory_space<hbm>>)
      } else {
      }
      %scan3A_193 = arith.constant 0 : i32
      %scan3A_194 = arith.constant 0 : i32
      %scan3A_195 = arith.constant 8 : i32
      %scan3A_196 = arith.addi %scan3A_194, %scan3A_195 : i32
      %scan3A_197 = arith.constant 1 : i32
      scf.for %scan3A_342 = %scan3A_194 to %scan3A_196 step %scan3A_197  : i32 {
        %mul3A_343 = arith.constant 16 : i32
        %mul3A_344 = arith.muli %scan3A_342, %mul3A_343 : i32
        %get3A = arith.constant 0 : i32
        %get3A_345 = arith.index_cast %get3A : i32 to index
        %get3A_346 = arith.index_cast %mul3A_344 : i32 to index
        %get3A_347 = tpu.vector_load %arg12[%get3A_345, %get3A_346] {strides = array<i32>} : memref<64x128xf32, #tpu.memory_space<vmem>>, vector<1x16xf32>,
        %get3A_348 = vector.shape_cast %get3A_347 : vector<1x16xf32> to vector<16xf32>
        %get3A_349 = arith.constant 32 : i32
        %get3A_350 = arith.index_cast %get3A_349 : i32 to index
        %get3A_351 = arith.index_cast %mul3A_344 : i32 to index
        %get3A_352 = tpu.vector_load %arg12[%get3A_350, %get3A_351] {strides = array<i32>} : memref<64x128xf32, #tpu.memory_space<vmem>>, vector<1x16xf32>,
        %get3A_353 = vector.shape_cast %get3A_352 : vector<1x16xf32> to vector<16xf32>
        %sub3A = arith.subf %get3A_348, %get3A_353 : vector<16xf32>
        %get3A_354 = arith.constant 1 : i32
        %get3A_355 = arith.index_cast %get3A_354 : i32 to index
        %get3A_356 = arith.index_cast %mul3A_344 : i32 to index
        %get3A_357 = tpu.vector_load %arg12[%get3A_355, %get3A_356] {strides = array<i32>} : memref<64x128xf32, #tpu.memory_space<vmem>>, vector<1x16xf32>,
        %get3A_358 = vector.shape_cast %get3A_357 : vector<1x16xf32> to vector<16xf32>
        %get3A_359 = arith.constant 33 : i32
        %get3A_360 = arith.index_cast %get3A_359 : i32 to index
        %get3A_361 = arith.index_cast %mul3A_344 : i32 to index
        %get3A_362 = tpu.vector_load %arg12[%get3A_360, %get3A_361] {strides = array<i32>} : memref<64x128xf32, #tpu.memory_space<vmem>>, vector<1x16xf32>,
        %get3A_363 = vector.shape_cast %get3A_362 : vector<1x16xf32> to vector<16xf32>
        %sub3A_364 = arith.subf %get3A_358, %get3A_363 : vector<16xf32>
        %max3A = arith.maximumf %sub3A, %sub3A_364 : vector<16xf32>
        %get3A_365 = arith.constant 2 : i32
        %get3A_366 = arith.index_cast %get3A_365 : i32 to index
        %get3A_367 = arith.index_cast %mul3A_344 : i32 to index
        %get3A_368 = tpu.vector_load %arg12[%get3A_366, %get3A_367] {strides = array<i32>} : memref<64x128xf32, #tpu.memory_space<vmem>>, vector<1x16xf32>,
        %get3A_369 = vector.shape_cast %get3A_368 : vector<1x16xf32> to vector<16xf32>
        %get3A_370 = arith.constant 34 : i32
        %get3A_371 = arith.index_cast %get3A_370 : i32 to index
        %get3A_372 = arith.index_cast %mul3A_344 : i32 to index
        %get3A_373 = tpu.vector_load %arg12[%get3A_371, %get3A_372] {strides = array<i32>} : memref<64x128xf32, #tpu.memory_space<vmem>>, vector<1x16xf32>,
        %get3A_374 = vector.shape_cast %get3A_373 : vector<1x16xf32> to vector<16xf32>
        %sub3A_375 = arith.subf %get3A_369, %get3A_374 : vector<16xf32>
        %max3A_376 = arith.maximumf %max3A, %sub3A_375 : vector<16xf32>
        %get3A_377 = arith.constant 3 : i32
        %get3A_378 = arith.index_cast %get3A_377 : i32 to index
        %get3A_379 = arith.index_cast %mul3A_344 : i32 to index
        %get3A_380 = tpu.vector_load %arg12[%get3A_378, %get3A_379] {strides = array<i32>} : memref<64x128xf32, #tpu.memory_space<vmem>>, vector<1x16xf32>,
        %get3A_381 = vector.shape_cast %get3A_380 : vector<1x16xf32> to vector<16xf32>
        %get3A_382 = arith.constant 35 : i32
        %get3A_383 = arith.index_cast %get3A_382 : i32 to index
        %get3A_384 = arith.index_cast %mul3A_344 : i32 to index
        %get3A_385 = tpu.vector_load %arg12[%get3A_383, %get3A_384] {strides = array<i32>} : memref<64x128xf32, #tpu.memory_space<vmem>>, vector<1x16xf32>,
        %get3A_386 = vector.shape_cast %get3A_385 : vector<1x16xf32> to vector<16xf32>
        %sub3A_387 = arith.subf %get3A_381, %get3A_386 : vector<16xf32>
        %max3A_388 = arith.maximumf %max3A_376, %sub3A_387 : vector<16xf32>
        %get3A_389 = arith.constant 4 : i32
        %get3A_390 = arith.index_cast %get3A_389 : i32 to index
        %get3A_391 = arith.index_cast %mul3A_344 : i32 to index
        %get3A_392 = tpu.vector_load %arg12[%get3A_390, %get3A_391] {strides = array<i32>} : memref<64x128xf32, #tpu.memory_space<vmem>>, vector<1x16xf32>,
        %get3A_393 = vector.shape_cast %get3A_392 : vector<1x16xf32> to vector<16xf32>
        %get3A_394 = arith.constant 36 : i32
        %get3A_395 = arith.index_cast %get3A_394 : i32 to index
        %get3A_396 = arith.index_cast %mul3A_344 : i32 to index
        %get3A_397 = tpu.vector_load %arg12[%get3A_395, %get3A_396] {strides = array<i32>} : memref<64x128xf32, #tpu.memory_space<vmem>>, vector<1x16xf32>,
        %get3A_398 = vector.shape_cast %get3A_397 : vector<1x16xf32> to vector<16xf32>
        %sub3A_399 = arith.subf %get3A_393, %get3A_398 : vector<16xf32>
        %max3A_400 = arith.maximumf %max3A_388, %sub3A_399 : vector<16xf32>
        %get3A_401 = arith.constant 5 : i32
        %get3A_402 = arith.index_cast %get3A_401 : i32 to index
        %get3A_403 = arith.index_cast %mul3A_344 : i32 to index
        %get3A_404 = tpu.vector_load %arg12[%get3A_402, %get3A_403] {strides = array<i32>} : memref<64x128xf32, #tpu.memory_space<vmem>>, vector<1x16xf32>,
        %get3A_405 = vector.shape_cast %get3A_404 : vector<1x16xf32> to vector<16xf32>
        %get3A_406 = arith.constant 37 : i32
        %get3A_407 = arith.index_cast %get3A_406 : i32 to index
        %get3A_408 = arith.index_cast %mul3A_344 : i32 to index
        %get3A_409 = tpu.vector_load %arg12[%get3A_407, %get3A_408] {strides = array<i32>} : memref<64x128xf32, #tpu.memory_space<vmem>>, vector<1x16xf32>,
        %get3A_410 = vector.shape_cast %get3A_409 : vector<1x16xf32> to vector<16xf32>
        %sub3A_411 = arith.subf %get3A_405, %get3A_410 : vector<16xf32>
        %max3A_412 = arith.maximumf %max3A_400, %sub3A_411 : vector<16xf32>
        %get3A_413 = arith.constant 6 : i32
        %get3A_414 = arith.index_cast %get3A_413 : i32 to index
        %get3A_415 = arith.index_cast %mul3A_344 : i32 to index
        %get3A_416 = tpu.vector_load %arg12[%get3A_414, %get3A_415] {strides = array<i32>} : memref<64x128xf32, #tpu.memory_space<vmem>>, vector<1x16xf32>,
        %get3A_417 = vector.shape_cast %get3A_416 : vector<1x16xf32> to vector<16xf32>
        %get3A_418 = arith.constant 38 : i32
        %get3A_419 = arith.index_cast %get3A_418 : i32 to index
        %get3A_420 = arith.index_cast %mul3A_344 : i32 to index
        %get3A_421 = tpu.vector_load %arg12[%get3A_419, %get3A_420] {strides = array<i32>} : memref<64x128xf32, #tpu.memory_space<vmem>>, vector<1x16xf32>,
        %get3A_422 = vector.shape_cast %get3A_421 : vector<1x16xf32> to vector<16xf32>
        %sub3A_423 = arith.subf %get3A_417, %get3A_422 : vector<16xf32>
        %max3A_424 = arith.maximumf %max3A_412, %sub3A_423 : vector<16xf32>
        %get3A_425 = arith.constant 7 : i32
        %get3A_426 = arith.index_cast %get3A_425 : i32 to index
        %get3A_427 = arith.index_cast %mul3A_344 : i32 to index
        %get3A_428 = tpu.vector_load %arg12[%get3A_426, %get3A_427] {strides = array<i32>} : memref<64x128xf32, #tpu.memory_space<vmem>>, vector<1x16xf32>,
        %get3A_429 = vector.shape_cast %get3A_428 : vector<1x16xf32> to vector<16xf32>
        %get3A_430 = arith.constant 39 : i32
        %get3A_431 = arith.index_cast %get3A_430 : i32 to index
        %get3A_432 = arith.index_cast %mul3A_344 : i32 to index
        %get3A_433 = tpu.vector_load %arg12[%get3A_431, %get3A_432] {strides = array<i32>} : memref<64x128xf32, #tpu.memory_space<vmem>>, vector<1x16xf32>,
        %get3A_434 = vector.shape_cast %get3A_433 : vector<1x16xf32> to vector<16xf32>
        %sub3A_435 = arith.subf %get3A_429, %get3A_434 : vector<16xf32>
        %max3A_436 = arith.maximumf %max3A_424, %sub3A_435 : vector<16xf32>
        %get3A_437 = arith.constant 8 : i32
        %get3A_438 = arith.index_cast %get3A_437 : i32 to index
        %get3A_439 = arith.index_cast %mul3A_344 : i32 to index
        %get3A_440 = tpu.vector_load %arg12[%get3A_438, %get3A_439] {strides = array<i32>} : memref<64x128xf32, #tpu.memory_space<vmem>>, vector<1x16xf32>,
        %get3A_441 = vector.shape_cast %get3A_440 : vector<1x16xf32> to vector<16xf32>
        %get3A_442 = arith.constant 40 : i32
        %get3A_443 = arith.index_cast %get3A_442 : i32 to index
        %get3A_444 = arith.index_cast %mul3A_344 : i32 to index
        %get3A_445 = tpu.vector_load %arg12[%get3A_443, %get3A_444] {strides = array<i32>} : memref<64x128xf32, #tpu.memory_space<vmem>>, vector<1x16xf32>,
        %get3A_446 = vector.shape_cast %get3A_445 : vector<1x16xf32> to vector<16xf32>
        %sub3A_447 = arith.subf %get3A_441, %get3A_446 : vector<16xf32>
        %max3A_448 = arith.maximumf %max3A_436, %sub3A_447 : vector<16xf32>
        %get3A_449 = arith.constant 9 : i32
        %get3A_450 = arith.index_cast %get3A_449 : i32 to index
        %get3A_451 = arith.index_cast %mul3A_344 : i32 to index
        %get3A_452 = tpu.vector_load %arg12[%get3A_450, %get3A_451] {strides = array<i32>} : memref<64x128xf32, #tpu.memory_space<vmem>>, vector<1x16xf32>,
        %get3A_453 = vector.shape_cast %get3A_452 : vector<1x16xf32> to vector<16xf32>
        %get3A_454 = arith.constant 41 : i32
        %get3A_455 = arith.index_cast %get3A_454 : i32 to index
        %get3A_456 = arith.index_cast %mul3A_344 : i32 to index
        %get3A_457 = tpu.vector_load %arg12[%get3A_455, %get3A_456] {strides = array<i32>} : memref<64x128xf32, #tpu.memory_space<vmem>>, vector<1x16xf32>,
        %get3A_458 = vector.shape_cast %get3A_457 : vector<1x16xf32> to vector<16xf32>
        %sub3A_459 = arith.subf %get3A_453, %get3A_458 : vector<16xf32>
        %max3A_460 = arith.maximumf %max3A_448, %sub3A_459 : vector<16xf32>
        %get3A_461 = arith.constant 10 : i32
        %get3A_462 = arith.index_cast %get3A_461 : i32 to index
        %get3A_463 = arith.index_cast %mul3A_344 : i32 to index
        %get3A_464 = tpu.vector_load %arg12[%get3A_462, %get3A_463] {strides = array<i32>} : memref<64x128xf32, #tpu.memory_space<vmem>>, vector<1x16xf32>,
        %get3A_465 = vector.shape_cast %get3A_464 : vector<1x16xf32> to vector<16xf32>
        %get3A_466 = arith.constant 42 : i32
        %get3A_467 = arith.index_cast %get3A_466 : i32 to index
        %get3A_468 = arith.index_cast %mul3A_344 : i32 to index
        %get3A_469 = tpu.vector_load %arg12[%get3A_467, %get3A_468] {strides = array<i32>} : memref<64x128xf32, #tpu.memory_space<vmem>>, vector<1x16xf32>,
        %get3A_470 = vector.shape_cast %get3A_469 : vector<1x16xf32> to vector<16xf32>
        %sub3A_471 = arith.subf %get3A_465, %get3A_470 : vector<16xf32>
        %max3A_472 = arith.maximumf %max3A_460, %sub3A_471 : vector<16xf32>
        %get3A_473 = arith.constant 11 : i32
        %get3A_474 = arith.index_cast %get3A_473 : i32 to index
        %get3A_475 = arith.index_cast %mul3A_344 : i32 to index
        %get3A_476 = tpu.vector_load %arg12[%get3A_474, %get3A_475] {strides = array<i32>} : memref<64x128xf32, #tpu.memory_space<vmem>>, vector<1x16xf32>,
        %get3A_477 = vector.shape_cast %get3A_476 : vector<1x16xf32> to vector<16xf32>
        %get3A_478 = arith.constant 43 : i32
        %get3A_479 = arith.index_cast %get3A_478 : i32 to index
        %get3A_480 = arith.index_cast %mul3A_344 : i32 to index
        %get3A_481 = tpu.vector_load %arg12[%get3A_479, %get3A_480] {strides = array<i32>} : memref<64x128xf32, #tpu.memory_space<vmem>>, vector<1x16xf32>,
        %get3A_482 = vector.shape_cast %get3A_481 : vector<1x16xf32> to vector<16xf32>
        %sub3A_483 = arith.subf %get3A_477, %get3A_482 : vector<16xf32>
        %max3A_484 = arith.maximumf %max3A_472, %sub3A_483 : vector<16xf32>
        %get3A_485 = arith.constant 12 : i32
        %get3A_486 = arith.index_cast %get3A_485 : i32 to index
        %get3A_487 = arith.index_cast %mul3A_344 : i32 to index
        %get3A_488 = tpu.vector_load %arg12[%get3A_486, %get3A_487] {strides = array<i32>} : memref<64x128xf32, #tpu.memory_space<vmem>>, vector<1x16xf32>,
        %get3A_489 = vector.shape_cast %get3A_488 : vector<1x16xf32> to vector<16xf32>
        %get3A_490 = arith.constant 44 : i32
        %get3A_491 = arith.index_cast %get3A_490 : i32 to index
        %get3A_492 = arith.index_cast %mul3A_344 : i32 to index
        %get3A_493 = tpu.vector_load %arg12[%get3A_491, %get3A_492] {strides = array<i32>} : memref<64x128xf32, #tpu.memory_space<vmem>>, vector<1x16xf32>,
        %get3A_494 = vector.shape_cast %get3A_493 : vector<1x16xf32> to vector<16xf32>
        %sub3A_495 = arith.subf %get3A_489, %get3A_494 : vector<16xf32>
        %max3A_496 = arith.maximumf %max3A_484, %sub3A_495 : vector<16xf32>
        %get3A_497 = arith.constant 13 : i32
        %get3A_498 = arith.index_cast %get3A_497 : i32 to index
        %get3A_499 = arith.index_cast %mul3A_344 : i32 to index
        %get3A_500 = tpu.vector_load %arg12[%get3A_498, %get3A_499] {strides = array<i32>} : memref<64x128xf32, #tpu.memory_space<vmem>>, vector<1x16xf32>,
        %get3A_501 = vector.shape_cast %get3A_500 : vector<1x16xf32> to vector<16xf32>
        %get3A_502 = arith.constant 45 : i32
        %get3A_503 = arith.index_cast %get3A_502 : i32 to index
        %get3A_504 = arith.index_cast %mul3A_344 : i32 to index
        %get3A_505 = tpu.vector_load %arg12[%get3A_503, %get3A_504] {strides = array<i32>} : memref<64x128xf32, #tpu.memory_space<vmem>>, vector<1x16xf32>,
        %get3A_506 = vector.shape_cast %get3A_505 : vector<1x16xf32> to vector<16xf32>
        %sub3A_507 = arith.subf %get3A_501, %get3A_506 : vector<16xf32>
        %max3A_508 = arith.maximumf %max3A_496, %sub3A_507 : vector<16xf32>
        %get3A_509 = arith.constant 14 : i32
        %get3A_510 = arith.index_cast %get3A_509 : i32 to index
        %get3A_511 = arith.index_cast %mul3A_344 : i32 to index
        %get3A_512 = tpu.vector_load %arg12[%get3A_510, %get3A_511] {strides = array<i32>} : memref<64x128xf32, #tpu.memory_space<vmem>>, vector<1x16xf32>,
        %get3A_513 = vector.shape_cast %get3A_512 : vector<1x16xf32> to vector<16xf32>
        %get3A_514 = arith.constant 46 : i32
        %get3A_515 = arith.index_cast %get3A_514 : i32 to index
        %get3A_516 = arith.index_cast %mul3A_344 : i32 to index
        %get3A_517 = tpu.vector_load %arg12[%get3A_515, %get3A_516] {strides = array<i32>} : memref<64x128xf32, #tpu.memory_space<vmem>>, vector<1x16xf32>,
        %get3A_518 = vector.shape_cast %get3A_517 : vector<1x16xf32> to vector<16xf32>
        %sub3A_519 = arith.subf %get3A_513, %get3A_518 : vector<16xf32>
        %max3A_520 = arith.maximumf %max3A_508, %sub3A_519 : vector<16xf32>
        %get3A_521 = arith.constant 15 : i32
        %get3A_522 = arith.index_cast %get3A_521 : i32 to index
        %get3A_523 = arith.index_cast %mul3A_344 : i32 to index
        %get3A_524 = tpu.vector_load %arg12[%get3A_522, %get3A_523] {strides = array<i32>} : memref<64x128xf32, #tpu.memory_space<vmem>>, vector<1x16xf32>,
        %get3A_525 = vector.shape_cast %get3A_524 : vector<1x16xf32> to vector<16xf32>
        %get3A_526 = arith.constant 47 : i32
        %get3A_527 = arith.index_cast %get3A_526 : i32 to index
        %get3A_528 = arith.index_cast %mul3A_344 : i32 to index
        %get3A_529 = tpu.vector_load %arg12[%get3A_527, %get3A_528] {strides = array<i32>} : memref<64x128xf32, #tpu.memory_space<vmem>>, vector<1x16xf32>,
        %get3A_530 = vector.shape_cast %get3A_529 : vector<1x16xf32> to vector<16xf32>
        %sub3A_531 = arith.subf %get3A_525, %get3A_530 : vector<16xf32>
        %max3A_532 = arith.maximumf %max3A_520, %sub3A_531 : vector<16xf32>
        %get3A_533 = arith.constant 16 : i32
        %get3A_534 = arith.index_cast %get3A_533 : i32 to index
        %get3A_535 = arith.index_cast %mul3A_344 : i32 to index
        %get3A_536 = tpu.vector_load %arg12[%get3A_534, %get3A_535] {strides = array<i32>} : memref<64x128xf32, #tpu.memory_space<vmem>>, vector<1x16xf32>,
        %get3A_537 = vector.shape_cast %get3A_536 : vector<1x16xf32> to vector<16xf32>
        %get3A_538 = arith.constant 48 : i32
        %get3A_539 = arith.index_cast %get3A_538 : i32 to index
        %get3A_540 = arith.index_cast %mul3A_344 : i32 to index
        %get3A_541 = tpu.vector_load %arg12[%get3A_539, %get3A_540] {strides = array<i32>} : memref<64x128xf32, #tpu.memory_space<vmem>>, vector<1x16xf32>,
        %get3A_542 = vector.shape_cast %get3A_541 : vector<1x16xf32> to vector<16xf32>
        %sub3A_543 = arith.subf %get3A_537, %get3A_542 : vector<16xf32>
        %max3A_544 = arith.maximumf %max3A_532, %sub3A_543 : vector<16xf32>
        %get3A_545 = arith.constant 17 : i32
        %get3A_546 = arith.index_cast %get3A_545 : i32 to index
        %get3A_547 = arith.index_cast %mul3A_344 : i32 to index
        %get3A_548 = tpu.vector_load %arg12[%get3A_546, %get3A_547] {strides = array<i32>} : memref<64x128xf32, #tpu.memory_space<vmem>>, vector<1x16xf32>,
        %get3A_549 = vector.shape_cast %get3A_548 : vector<1x16xf32> to vector<16xf32>
        %get3A_550 = arith.constant 49 : i32
        %get3A_551 = arith.index_cast %get3A_550 : i32 to index
        %get3A_552 = arith.index_cast %mul3A_344 : i32 to index
        %get3A_553 = tpu.vector_load %arg12[%get3A_551, %get3A_552] {strides = array<i32>} : memref<64x128xf32, #tpu.memory_space<vmem>>, vector<1x16xf32>,
        %get3A_554 = vector.shape_cast %get3A_553 : vector<1x16xf32> to vector<16xf32>
        %sub3A_555 = arith.subf %get3A_549, %get3A_554 : vector<16xf32>
        %max3A_556 = arith.maximumf %max3A_544, %sub3A_555 : vector<16xf32>
        %get3A_557 = arith.constant 18 : i32
        %get3A_558 = arith.index_cast %get3A_557 : i32 to index
        %get3A_559 = arith.index_cast %mul3A_344 : i32 to index
        %get3A_560 = tpu.vector_load %arg12[%get3A_558, %get3A_559] {strides = array<i32>} : memref<64x128xf32, #tpu.memory_space<vmem>>, vector<1x16xf32>,
        %get3A_561 = vector.shape_cast %get3A_560 : vector<1x16xf32> to vector<16xf32>
        %get3A_562 = arith.constant 50 : i32
        %get3A_563 = arith.index_cast %get3A_562 : i32 to index
        %get3A_564 = arith.index_cast %mul3A_344 : i32 to index
        %get3A_565 = tpu.vector_load %arg12[%get3A_563, %get3A_564] {strides = array<i32>} : memref<64x128xf32, #tpu.memory_space<vmem>>, vector<1x16xf32>,
        %get3A_566 = vector.shape_cast %get3A_565 : vector<1x16xf32> to vector<16xf32>
        %sub3A_567 = arith.subf %get3A_561, %get3A_566 : vector<16xf32>
        %max3A_568 = arith.maximumf %max3A_556, %sub3A_567 : vector<16xf32>
        %get3A_569 = arith.constant 19 : i32
        %get3A_570 = arith.index_cast %get3A_569 : i32 to index
        %get3A_571 = arith.index_cast %mul3A_344 : i32 to index
        %get3A_572 = tpu.vector_load %arg12[%get3A_570, %get3A_571] {strides = array<i32>} : memref<64x128xf32, #tpu.memory_space<vmem>>, vector<1x16xf32>,
        %get3A_573 = vector.shape_cast %get3A_572 : vector<1x16xf32> to vector<16xf32>
        %get3A_574 = arith.constant 51 : i32
        %get3A_575 = arith.index_cast %get3A_574 : i32 to index
        %get3A_576 = arith.index_cast %mul3A_344 : i32 to index
        %get3A_577 = tpu.vector_load %arg12[%get3A_575, %get3A_576] {strides = array<i32>} : memref<64x128xf32, #tpu.memory_space<vmem>>, vector<1x16xf32>,
        %get3A_578 = vector.shape_cast %get3A_577 : vector<1x16xf32> to vector<16xf32>
        %sub3A_579 = arith.subf %get3A_573, %get3A_578 : vector<16xf32>
        %max3A_580 = arith.maximumf %max3A_568, %sub3A_579 : vector<16xf32>
        %get3A_581 = arith.constant 20 : i32
        %get3A_582 = arith.index_cast %get3A_581 : i32 to index
        %get3A_583 = arith.index_cast %mul3A_344 : i32 to index
        %get3A_584 = tpu.vector_load %arg12[%get3A_582, %get3A_583] {strides = array<i32>} : memref<64x128xf32, #tpu.memory_space<vmem>>, vector<1x16xf32>,
        %get3A_585 = vector.shape_cast %get3A_584 : vector<1x16xf32> to vector<16xf32>
        %get3A_586 = arith.constant 52 : i32
        %get3A_587 = arith.index_cast %get3A_586 : i32 to index
        %get3A_588 = arith.index_cast %mul3A_344 : i32 to index
        %get3A_589 = tpu.vector_load %arg12[%get3A_587, %get3A_588] {strides = array<i32>} : memref<64x128xf32, #tpu.memory_space<vmem>>, vector<1x16xf32>,
        %get3A_590 = vector.shape_cast %get3A_589 : vector<1x16xf32> to vector<16xf32>
        %sub3A_591 = arith.subf %get3A_585, %get3A_590 : vector<16xf32>
        %max3A_592 = arith.maximumf %max3A_580, %sub3A_591 : vector<16xf32>
        %get3A_593 = arith.constant 21 : i32
        %get3A_594 = arith.index_cast %get3A_593 : i32 to index
        %get3A_595 = arith.index_cast %mul3A_344 : i32 to index
        %get3A_596 = tpu.vector_load %arg12[%get3A_594, %get3A_595] {strides = array<i32>} : memref<64x128xf32, #tpu.memory_space<vmem>>, vector<1x16xf32>,
        %get3A_597 = vector.shape_cast %get3A_596 : vector<1x16xf32> to vector<16xf32>
        %get3A_598 = arith.constant 53 : i32
        %get3A_599 = arith.index_cast %get3A_598 : i32 to index
        %get3A_600 = arith.index_cast %mul3A_344 : i32 to index
        %get3A_601 = tpu.vector_load %arg12[%get3A_599, %get3A_600] {strides = array<i32>} : memref<64x128xf32, #tpu.memory_space<vmem>>, vector<1x16xf32>,
        %get3A_602 = vector.shape_cast %get3A_601 : vector<1x16xf32> to vector<16xf32>
        %sub3A_603 = arith.subf %get3A_597, %get3A_602 : vector<16xf32>
        %max3A_604 = arith.maximumf %max3A_592, %sub3A_603 : vector<16xf32>
        %get3A_605 = arith.constant 22 : i32
        %get3A_606 = arith.index_cast %get3A_605 : i32 to index
        %get3A_607 = arith.index_cast %mul3A_344 : i32 to index
        %get3A_608 = tpu.vector_load %arg12[%get3A_606, %get3A_607] {strides = array<i32>} : memref<64x128xf32, #tpu.memory_space<vmem>>, vector<1x16xf32>,
        %get3A_609 = vector.shape_cast %get3A_608 : vector<1x16xf32> to vector<16xf32>
        %get3A_610 = arith.constant 54 : i32
        %get3A_611 = arith.index_cast %get3A_610 : i32 to index
        %get3A_612 = arith.index_cast %mul3A_344 : i32 to index
        %get3A_613 = tpu.vector_load %arg12[%get3A_611, %get3A_612] {strides = array<i32>} : memref<64x128xf32, #tpu.memory_space<vmem>>, vector<1x16xf32>,
        %get3A_614 = vector.shape_cast %get3A_613 : vector<1x16xf32> to vector<16xf32>
        %sub3A_615 = arith.subf %get3A_609, %get3A_614 : vector<16xf32>
        %max3A_616 = arith.maximumf %max3A_604, %sub3A_615 : vector<16xf32>
        %get3A_617 = arith.constant 23 : i32
        %get3A_618 = arith.index_cast %get3A_617 : i32 to index
        %get3A_619 = arith.index_cast %mul3A_344 : i32 to index
        %get3A_620 = tpu.vector_load %arg12[%get3A_618, %get3A_619] {strides = array<i32>} : memref<64x128xf32, #tpu.memory_space<vmem>>, vector<1x16xf32>,
        %get3A_621 = vector.shape_cast %get3A_620 : vector<1x16xf32> to vector<16xf32>
        %get3A_622 = arith.constant 55 : i32
        %get3A_623 = arith.index_cast %get3A_622 : i32 to index
        %get3A_624 = arith.index_cast %mul3A_344 : i32 to index
        %get3A_625 = tpu.vector_load %arg12[%get3A_623, %get3A_624] {strides = array<i32>} : memref<64x128xf32, #tpu.memory_space<vmem>>, vector<1x16xf32>,
        %get3A_626 = vector.shape_cast %get3A_625 : vector<1x16xf32> to vector<16xf32>
        %sub3A_627 = arith.subf %get3A_621, %get3A_626 : vector<16xf32>
        %max3A_628 = arith.maximumf %max3A_616, %sub3A_627 : vector<16xf32>
        %get3A_629 = arith.constant 24 : i32
        %get3A_630 = arith.index_cast %get3A_629 : i32 to index
        %get3A_631 = arith.index_cast %mul3A_344 : i32 to index
        %get3A_632 = tpu.vector_load %arg12[%get3A_630, %get3A_631] {strides = array<i32>} : memref<64x128xf32, #tpu.memory_space<vmem>>, vector<1x16xf32>,
        %get3A_633 = vector.shape_cast %get3A_632 : vector<1x16xf32> to vector<16xf32>
        %get3A_634 = arith.constant 56 : i32
        %get3A_635 = arith.index_cast %get3A_634 : i32 to index
        %get3A_636 = arith.index_cast %mul3A_344 : i32 to index
        %get3A_637 = tpu.vector_load %arg12[%get3A_635, %get3A_636] {strides = array<i32>} : memref<64x128xf32, #tpu.memory_space<vmem>>, vector<1x16xf32>,
        %get3A_638 = vector.shape_cast %get3A_637 : vector<1x16xf32> to vector<16xf32>
        %sub3A_639 = arith.subf %get3A_633, %get3A_638 : vector<16xf32>
        %max3A_640 = arith.maximumf %max3A_628, %sub3A_639 : vector<16xf32>
        %get3A_641 = arith.constant 25 : i32
        %get3A_642 = arith.index_cast %get3A_641 : i32 to index
        %get3A_643 = arith.index_cast %mul3A_344 : i32 to index
        %get3A_644 = tpu.vector_load %arg12[%get3A_642, %get3A_643] {strides = array<i32>} : memref<64x128xf32, #tpu.memory_space<vmem>>, vector<1x16xf32>,
        %get3A_645 = vector.shape_cast %get3A_644 : vector<1x16xf32> to vector<16xf32>
        %get3A_646 = arith.constant 57 : i32
        %get3A_647 = arith.index_cast %get3A_646 : i32 to index
        %get3A_648 = arith.index_cast %mul3A_344 : i32 to index
        %get3A_649 = tpu.vector_load %arg12[%get3A_647, %get3A_648] {strides = array<i32>} : memref<64x128xf32, #tpu.memory_space<vmem>>, vector<1x16xf32>,
        %get3A_650 = vector.shape_cast %get3A_649 : vector<1x16xf32> to vector<16xf32>
        %sub3A_651 = arith.subf %get3A_645, %get3A_650 : vector<16xf32>
        %max3A_652 = arith.maximumf %max3A_640, %sub3A_651 : vector<16xf32>
        %get3A_653 = arith.constant 26 : i32
        %get3A_654 = arith.index_cast %get3A_653 : i32 to index
        %get3A_655 = arith.index_cast %mul3A_344 : i32 to index
        %get3A_656 = tpu.vector_load %arg12[%get3A_654, %get3A_655] {strides = array<i32>} : memref<64x128xf32, #tpu.memory_space<vmem>>, vector<1x16xf32>,
        %get3A_657 = vector.shape_cast %get3A_656 : vector<1x16xf32> to vector<16xf32>
        %get3A_658 = arith.constant 58 : i32
        %get3A_659 = arith.index_cast %get3A_658 : i32 to index
        %get3A_660 = arith.index_cast %mul3A_344 : i32 to index
        %get3A_661 = tpu.vector_load %arg12[%get3A_659, %get3A_660] {strides = array<i32>} : memref<64x128xf32, #tpu.memory_space<vmem>>, vector<1x16xf32>,
        %get3A_662 = vector.shape_cast %get3A_661 : vector<1x16xf32> to vector<16xf32>
        %sub3A_663 = arith.subf %get3A_657, %get3A_662 : vector<16xf32>
        %max3A_664 = arith.maximumf %max3A_652, %sub3A_663 : vector<16xf32>
        %get3A_665 = arith.constant 27 : i32
        %get3A_666 = arith.index_cast %get3A_665 : i32 to index
        %get3A_667 = arith.index_cast %mul3A_344 : i32 to index
        %get3A_668 = tpu.vector_load %arg12[%get3A_666, %get3A_667] {strides = array<i32>} : memref<64x128xf32, #tpu.memory_space<vmem>>, vector<1x16xf32>,
        %get3A_669 = vector.shape_cast %get3A_668 : vector<1x16xf32> to vector<16xf32>
        %get3A_670 = arith.constant 59 : i32
        %get3A_671 = arith.index_cast %get3A_670 : i32 to index
        %get3A_672 = arith.index_cast %mul3A_344 : i32 to index
        %get3A_673 = tpu.vector_load %arg12[%get3A_671, %get3A_672] {strides = array<i32>} : memref<64x128xf32, #tpu.memory_space<vmem>>, vector<1x16xf32>,
        %get3A_674 = vector.shape_cast %get3A_673 : vector<1x16xf32> to vector<16xf32>
        %sub3A_675 = arith.subf %get3A_669, %get3A_674 : vector<16xf32>
        %max3A_676 = arith.maximumf %max3A_664, %sub3A_675 : vector<16xf32>
        %get3A_677 = arith.constant 28 : i32
        %get3A_678 = arith.index_cast %get3A_677 : i32 to index
        %get3A_679 = arith.index_cast %mul3A_344 : i32 to index
        %get3A_680 = tpu.vector_load %arg12[%get3A_678, %get3A_679] {strides = array<i32>} : memref<64x128xf32, #tpu.memory_space<vmem>>, vector<1x16xf32>,
        %get3A_681 = vector.shape_cast %get3A_680 : vector<1x16xf32> to vector<16xf32>
        %get3A_682 = arith.constant 60 : i32
        %get3A_683 = arith.index_cast %get3A_682 : i32 to index
        %get3A_684 = arith.index_cast %mul3A_344 : i32 to index
        %get3A_685 = tpu.vector_load %arg12[%get3A_683, %get3A_684] {strides = array<i32>} : memref<64x128xf32, #tpu.memory_space<vmem>>, vector<1x16xf32>,
        %get3A_686 = vector.shape_cast %get3A_685 : vector<1x16xf32> to vector<16xf32>
        %sub3A_687 = arith.subf %get3A_681, %get3A_686 : vector<16xf32>
        %max3A_688 = arith.maximumf %max3A_676, %sub3A_687 : vector<16xf32>
        %get3A_689 = arith.constant 29 : i32
        %get3A_690 = arith.index_cast %get3A_689 : i32 to index
        %get3A_691 = arith.index_cast %mul3A_344 : i32 to index
        %get3A_692 = tpu.vector_load %arg12[%get3A_690, %get3A_691] {strides = array<i32>} : memref<64x128xf32, #tpu.memory_space<vmem>>, vector<1x16xf32>,
        %get3A_693 = vector.shape_cast %get3A_692 : vector<1x16xf32> to vector<16xf32>
        %get3A_694 = arith.constant 61 : i32
        %get3A_695 = arith.index_cast %get3A_694 : i32 to index
        %get3A_696 = arith.index_cast %mul3A_344 : i32 to index
        %get3A_697 = tpu.vector_load %arg12[%get3A_695, %get3A_696] {strides = array<i32>} : memref<64x128xf32, #tpu.memory_space<vmem>>, vector<1x16xf32>,
        %get3A_698 = vector.shape_cast %get3A_697 : vector<1x16xf32> to vector<16xf32>
        %sub3A_699 = arith.subf %get3A_693, %get3A_698 : vector<16xf32>
        %max3A_700 = arith.maximumf %max3A_688, %sub3A_699 : vector<16xf32>
        %get3A_701 = arith.constant 30 : i32
        %get3A_702 = arith.index_cast %get3A_701 : i32 to index
        %get3A_703 = arith.index_cast %mul3A_344 : i32 to index
        %get3A_704 = tpu.vector_load %arg12[%get3A_702, %get3A_703] {strides = array<i32>} : memref<64x128xf32, #tpu.memory_space<vmem>>, vector<1x16xf32>,
        %get3A_705 = vector.shape_cast %get3A_704 : vector<1x16xf32> to vector<16xf32>
        %get3A_706 = arith.constant 62 : i32
        %get3A_707 = arith.index_cast %get3A_706 : i32 to index
        %get3A_708 = arith.index_cast %mul3A_344 : i32 to index
        %get3A_709 = tpu.vector_load %arg12[%get3A_707, %get3A_708] {strides = array<i32>} : memref<64x128xf32, #tpu.memory_space<vmem>>, vector<1x16xf32>,
        %get3A_710 = vector.shape_cast %get3A_709 : vector<1x16xf32> to vector<16xf32>
        %sub3A_711 = arith.subf %get3A_705, %get3A_710 : vector<16xf32>
        %max3A_712 = arith.maximumf %max3A_700, %sub3A_711 : vector<16xf32>
        %get3A_713 = arith.constant 31 : i32
        %get3A_714 = arith.index_cast %get3A_713 : i32 to index
        %get3A_715 = arith.index_cast %mul3A_344 : i32 to index
        %get3A_716 = tpu.vector_load %arg12[%get3A_714, %get3A_715] {strides = array<i32>} : memref<64x128xf32, #tpu.memory_space<vmem>>, vector<1x16xf32>,
        %get3A_717 = vector.shape_cast %get3A_716 : vector<1x16xf32> to vector<16xf32>
        %get3A_718 = arith.constant 63 : i32
        %get3A_719 = arith.index_cast %get3A_718 : i32 to index
        %get3A_720 = arith.index_cast %mul3A_344 : i32 to index
        %get3A_721 = tpu.vector_load %arg12[%get3A_719, %get3A_720] {strides = array<i32>} : memref<64x128xf32, #tpu.memory_space<vmem>>, vector<1x16xf32>,
        %get3A_722 = vector.shape_cast %get3A_721 : vector<1x16xf32> to vector<16xf32>
        %sub3A_723 = arith.subf %get3A_717, %get3A_722 : vector<16xf32>
        %max3A_724 = arith.maximumf %max3A_712, %sub3A_723 : vector<16xf32>
        %swap3A = arith.index_cast %mul3A_344 : i32 to index
        %swap3A_725 = tpu.vector_load %arg17[%swap3A] {strides = array<i32>} : memref<128xf32, #tpu.memory_space<vmem>>, vector<16xf32>,
        %swap3A_726 = vector.shape_cast %swap3A_725 : vector<16xf32> to vector<16xf32>
        %swap3A_727 = vector.shape_cast %max3A_724 : vector<16xf32> to vector<16xf32>
        tpu.vector_store %arg17[%swap3A], %swap3A_727 {strides = array<i32>} : memref<128xf32, #tpu.memory_space<vmem>>, vector<16xf32>,
      }
      %scan3A_198 = arith.constant 8 : i32
      %add3A_199 = arith.addi %mul3A_2, %add3A_177 : i32
      %mul3A_200 = arith.constant 128 : i32
      %mul3A_201 = arith.muli %add3A_199, %mul3A_200 : i32
      %dma_start3A_202 = tpu.memref_slice %arg4[%mul3A_201] : memref<1310720xf32, #tpu.memory_space<hbm>> -> memref<128xf32, #tpu.memory_space<hbm>>
      %dma_start3A_203 = tpu.memref_slice %arg4[%mul3A_201] : memref<1310720xf32, #tpu.memory_space<hbm>> -> memref<128xf32, #tpu.memory_space<hbm>>
      tpu.enqueue_dma source(%arg17 : memref<128xf32, #tpu.memory_space<vmem>>) target(%dma_start3A_203 : memref<128xf32, #tpu.memory_space<hbm>>) target_semaphore(%arg32 : memref<!tpu.dma_semaphore, #tpu.memory_space<semaphore_mem>>)
      %add3A_204 = arith.constant 5 : i32
      %add3A_205 = arith.addi %add3A_177, %add3A_204 : i32
      %add3A_206 = arith.addi %mul3A_2, %add3A_205 : i32
      %mul3A_207 = arith.constant 64 : i32
      %mul3A_208 = arith.muli %add3A_206, %mul3A_207 : i32
      %dma_wait3A_209 = tpu.memref_slice %arg3[%mul3A_208] : memref<656384xi32, #tpu.memory_space<hbm>> -> memref<64xi32, #tpu.memory_space<hbm>>
      %dma_wait3A_210 = tpu.memref_slice %arg3[%mul3A_208] : memref<656384xi32, #tpu.memory_space<hbm>> -> memref<64xi32, #tpu.memory_space<hbm>>
      tpu.wait_dma2 semaphore(%arg22 : memref<!tpu.dma_semaphore, #tpu.memory_space<semaphore_mem>>) src(%dma_wait3A_210 : memref<64xi32, #tpu.memory_space<hbm>>) dst(%arg7 : memref<64xi32, #tpu.memory_space<vmem>>)
      %add3A_211 = arith.constant 5 : i32
      %add3A_212 = arith.addi %add3A_177, %add3A_211 : i32
      %dma_start3A_213 = arith.constant 0 : i32
      %dma_start3A_214 = arith.constant 0 : i32
      %dma_start3A_215 = tpu.memref_slice %arg5[%dma_start3A_213, %dma_start3A_214] : memref<10000x128xf32, #tpu.memory_space<vmem_shared>> -> memref<10000x128xf32, #tpu.memory_space<vmem_shared>>
      tpu.enqueue_indirect_dma source(%dma_start3A_215 : memref<10000x128xf32, #tpu.memory_space<vmem_shared>>) target(%arg12 : memref<64x128xf32, #tpu.memory_space<vmem>>) offsets(%arg7 : memref<64xi32, #tpu.memory_space<vmem>>) semaphore(%arg27 : memref<!tpu.dma_semaphore, #tpu.memory_space<semaphore_mem>>)
      %mul3A_216 = arith.constant 5 : i32
      %mul3A_217 = arith.muli %scan3A_132, %mul3A_216 : i32
      %add3A_218 = arith.constant 2 : i32
      %add3A_219 = arith.addi %mul3A_217, %add3A_218 : i32
      %dma_wait3A_220 = arith.constant 0 : i32
      %dma_wait3A_221 = arith.constant 0 : i32
      %dma_wait3A_222 = tpu.memref_slice %arg5[%dma_wait3A_220, %dma_wait3A_221] : memref<10000x128xf32, #tpu.memory_space<vmem_shared>> -> memref<10000x128xf32, #tpu.memory_space<vmem_shared>>
      tpu.wait_indirect_dma semaphore(%arg28 : memref<!tpu.dma_semaphore, #tpu.memory_space<semaphore_mem>>) src(%dma_wait3A_222 : memref<10000x128xf32, #tpu.memory_space<vmem_shared>>) dst(%arg13 : memref<64x128xf32, #tpu.memory_space<vmem>>)
      %add3A_223 = arith.constant 5 : i32
      %add3A_224 = arith.addi %add3A_219, %add3A_223 : i32
      %add3A_225 = arith.addi %mul3A_2, %add3A_224 : i32
      %mul3A_226 = arith.constant 64 : i32
      %mul3A_227 = arith.muli %add3A_225, %mul3A_226 : i32
      %dma_start3A_228 = tpu.memref_slice %arg3[%mul3A_227] : memref<656384xi32, #tpu.memory_space<hbm>> -> memref<64xi32, #tpu.memory_space<hbm>>
      %dma_start3A_229 = tpu.memref_slice %arg3[%mul3A_227] : memref<656384xi32, #tpu.memory_space<hbm>> -> memref<64xi32, #tpu.memory_space<hbm>>
      tpu.enqueue_dma source(%dma_start3A_229 : memref<64xi32, #tpu.memory_space<hbm>>) target(%arg8 : memref<64xi32, #tpu.memory_space<vmem>>) target_semaphore(%arg23 : memref<!tpu.dma_semaphore, #tpu.memory_space<semaphore_mem>>)
      %ge3A_230 = arith.constant 1 : i32
      %ge3A_231 = arith.cmpi sge, %scan3A_132, %ge3A_230 : i32
      %convert_element_type3A_232 = arith.extui %ge3A_231 : i1 to i32
      %cond3A_233 = arith.constant 0 : i32
      %cond3A_234 = arith.cmpi ne, %convert_element_type3A_232, %cond3A_233 : i32
      scf.if %cond3A_234 {
        %sub3A = arith.constant 5 : i32
        %sub3A_342 = arith.subi %add3A_219, %sub3A : i32
        %add3A_343 = arith.addi %mul3A_2, %sub3A_342 : i32
        %mul3A_344 = arith.constant 128 : i32
        %mul3A_345 = arith.muli %add3A_343, %mul3A_344 : i32
        %dma_wait3A_346 = tpu.memref_slice %arg4[%mul3A_345] : memref<1310720xf32, #tpu.memory_space<hbm>> -> memref<128xf32, #tpu.memory_space<hbm>>
        %dma_wait3A_347 = tpu.memref_slice %arg4[%mul3A_345] : memref<1310720xf32, #tpu.memory_space<hbm>> -> memref<128xf32, #tpu.memory_space<hbm>>
        tpu.wait_dma2 semaphore(%arg33 : memref<!tpu.dma_semaphore, #tpu.memory_space<semaphore_mem>>) src(%arg18 : memref<128xf32, #tpu.memory_space<vmem>>) dst(%dma_wait3A_347 : memref<128xf32, #tpu.memory_space<hbm>>)
      } else {
      }
      %scan3A_235 = arith.constant 0 : i32
      %scan3A_236 = arith.constant 0 : i32
      %scan3A_237 = arith.constant 8 : i32
      %scan3A_238 = arith.addi %scan3A_236, %scan3A_237 : i32
      %scan3A_239 = arith.constant 1 : i32
      scf.for %scan3A_342 = %scan3A_236 to %scan3A_238 step %scan3A_239  : i32 {
        %mul3A_343 = arith.constant 16 : i32
        %mul3A_344 = arith.muli %scan3A_342, %mul3A_343 : i32
        %get3A = arith.constant 0 : i32
        %get3A_345 = arith.index_cast %get3A : i32 to index
        %get3A_346 = arith.index_cast %mul3A_344 : i32 to index
        %get3A_347 = tpu.vector_load %arg13[%get3A_345, %get3A_346] {strides = array<i32>} : memref<64x128xf32, #tpu.memory_space<vmem>>, vector<1x16xf32>,
        %get3A_348 = vector.shape_cast %get3A_347 : vector<1x16xf32> to vector<16xf32>
        %get3A_349 = arith.constant 32 : i32
        %get3A_350 = arith.index_cast %get3A_349 : i32 to index
        %get3A_351 = arith.index_cast %mul3A_344 : i32 to index
        %get3A_352 = tpu.vector_load %arg13[%get3A_350, %get3A_351] {strides = array<i32>} : memref<64x128xf32, #tpu.memory_space<vmem>>, vector<1x16xf32>,
        %get3A_353 = vector.shape_cast %get3A_352 : vector<1x16xf32> to vector<16xf32>
        %sub3A = arith.subf %get3A_348, %get3A_353 : vector<16xf32>
        %get3A_354 = arith.constant 1 : i32
        %get3A_355 = arith.index_cast %get3A_354 : i32 to index
        %get3A_356 = arith.index_cast %mul3A_344 : i32 to index
        %get3A_357 = tpu.vector_load %arg13[%get3A_355, %get3A_356] {strides = array<i32>} : memref<64x128xf32, #tpu.memory_space<vmem>>, vector<1x16xf32>,
        %get3A_358 = vector.shape_cast %get3A_357 : vector<1x16xf32> to vector<16xf32>
        %get3A_359 = arith.constant 33 : i32
        %get3A_360 = arith.index_cast %get3A_359 : i32 to index
        %get3A_361 = arith.index_cast %mul3A_344 : i32 to index
        %get3A_362 = tpu.vector_load %arg13[%get3A_360, %get3A_361] {strides = array<i32>} : memref<64x128xf32, #tpu.memory_space<vmem>>, vector<1x16xf32>,
        %get3A_363 = vector.shape_cast %get3A_362 : vector<1x16xf32> to vector<16xf32>
        %sub3A_364 = arith.subf %get3A_358, %get3A_363 : vector<16xf32>
        %max3A = arith.maximumf %sub3A, %sub3A_364 : vector<16xf32>
        %get3A_365 = arith.constant 2 : i32
        %get3A_366 = arith.index_cast %get3A_365 : i32 to index
        %get3A_367 = arith.index_cast %mul3A_344 : i32 to index
        %get3A_368 = tpu.vector_load %arg13[%get3A_366, %get3A_367] {strides = array<i32>} : memref<64x128xf32, #tpu.memory_space<vmem>>, vector<1x16xf32>,
        %get3A_369 = vector.shape_cast %get3A_368 : vector<1x16xf32> to vector<16xf32>
        %get3A_370 = arith.constant 34 : i32
        %get3A_371 = arith.index_cast %get3A_370 : i32 to index
        %get3A_372 = arith.index_cast %mul3A_344 : i32 to index
        %get3A_373 = tpu.vector_load %arg13[%get3A_371, %get3A_372] {strides = array<i32>} : memref<64x128xf32, #tpu.memory_space<vmem>>, vector<1x16xf32>,
        %get3A_374 = vector.shape_cast %get3A_373 : vector<1x16xf32> to vector<16xf32>
        %sub3A_375 = arith.subf %get3A_369, %get3A_374 : vector<16xf32>
        %max3A_376 = arith.maximumf %max3A, %sub3A_375 : vector<16xf32>
        %get3A_377 = arith.constant 3 : i32
        %get3A_378 = arith.index_cast %get3A_377 : i32 to index
        %get3A_379 = arith.index_cast %mul3A_344 : i32 to index
        %get3A_380 = tpu.vector_load %arg13[%get3A_378, %get3A_379] {strides = array<i32>} : memref<64x128xf32, #tpu.memory_space<vmem>>, vector<1x16xf32>,
        %get3A_381 = vector.shape_cast %get3A_380 : vector<1x16xf32> to vector<16xf32>
        %get3A_382 = arith.constant 35 : i32
        %get3A_383 = arith.index_cast %get3A_382 : i32 to index
        %get3A_384 = arith.index_cast %mul3A_344 : i32 to index
        %get3A_385 = tpu.vector_load %arg13[%get3A_383, %get3A_384] {strides = array<i32>} : memref<64x128xf32, #tpu.memory_space<vmem>>, vector<1x16xf32>,
        %get3A_386 = vector.shape_cast %get3A_385 : vector<1x16xf32> to vector<16xf32>
        %sub3A_387 = arith.subf %get3A_381, %get3A_386 : vector<16xf32>
        %max3A_388 = arith.maximumf %max3A_376, %sub3A_387 : vector<16xf32>
        %get3A_389 = arith.constant 4 : i32
        %get3A_390 = arith.index_cast %get3A_389 : i32 to index
        %get3A_391 = arith.index_cast %mul3A_344 : i32 to index
        %get3A_392 = tpu.vector_load %arg13[%get3A_390, %get3A_391] {strides = array<i32>} : memref<64x128xf32, #tpu.memory_space<vmem>>, vector<1x16xf32>,
        %get3A_393 = vector.shape_cast %get3A_392 : vector<1x16xf32> to vector<16xf32>
        %get3A_394 = arith.constant 36 : i32
        %get3A_395 = arith.index_cast %get3A_394 : i32 to index
        %get3A_396 = arith.index_cast %mul3A_344 : i32 to index
        %get3A_397 = tpu.vector_load %arg13[%get3A_395, %get3A_396] {strides = array<i32>} : memref<64x128xf32, #tpu.memory_space<vmem>>, vector<1x16xf32>,
        %get3A_398 = vector.shape_cast %get3A_397 : vector<1x16xf32> to vector<16xf32>
        %sub3A_399 = arith.subf %get3A_393, %get3A_398 : vector<16xf32>
        %max3A_400 = arith.maximumf %max3A_388, %sub3A_399 : vector<16xf32>
        %get3A_401 = arith.constant 5 : i32
        %get3A_402 = arith.index_cast %get3A_401 : i32 to index
        %get3A_403 = arith.index_cast %mul3A_344 : i32 to index
        %get3A_404 = tpu.vector_load %arg13[%get3A_402, %get3A_403] {strides = array<i32>} : memref<64x128xf32, #tpu.memory_space<vmem>>, vector<1x16xf32>,
        %get3A_405 = vector.shape_cast %get3A_404 : vector<1x16xf32> to vector<16xf32>
        %get3A_406 = arith.constant 37 : i32
        %get3A_407 = arith.index_cast %get3A_406 : i32 to index
        %get3A_408 = arith.index_cast %mul3A_344 : i32 to index
        %get3A_409 = tpu.vector_load %arg13[%get3A_407, %get3A_408] {strides = array<i32>} : memref<64x128xf32, #tpu.memory_space<vmem>>, vector<1x16xf32>,
        %get3A_410 = vector.shape_cast %get3A_409 : vector<1x16xf32> to vector<16xf32>
        %sub3A_411 = arith.subf %get3A_405, %get3A_410 : vector<16xf32>
        %max3A_412 = arith.maximumf %max3A_400, %sub3A_411 : vector<16xf32>
        %get3A_413 = arith.constant 6 : i32
        %get3A_414 = arith.index_cast %get3A_413 : i32 to index
        %get3A_415 = arith.index_cast %mul3A_344 : i32 to index
        %get3A_416 = tpu.vector_load %arg13[%get3A_414, %get3A_415] {strides = array<i32>} : memref<64x128xf32, #tpu.memory_space<vmem>>, vector<1x16xf32>,
        %get3A_417 = vector.shape_cast %get3A_416 : vector<1x16xf32> to vector<16xf32>
        %get3A_418 = arith.constant 38 : i32
        %get3A_419 = arith.index_cast %get3A_418 : i32 to index
        %get3A_420 = arith.index_cast %mul3A_344 : i32 to index
        %get3A_421 = tpu.vector_load %arg13[%get3A_419, %get3A_420] {strides = array<i32>} : memref<64x128xf32, #tpu.memory_space<vmem>>, vector<1x16xf32>,
        %get3A_422 = vector.shape_cast %get3A_421 : vector<1x16xf32> to vector<16xf32>
        %sub3A_423 = arith.subf %get3A_417, %get3A_422 : vector<16xf32>
        %max3A_424 = arith.maximumf %max3A_412, %sub3A_423 : vector<16xf32>
        %get3A_425 = arith.constant 7 : i32
        %get3A_426 = arith.index_cast %get3A_425 : i32 to index
        %get3A_427 = arith.index_cast %mul3A_344 : i32 to index
        %get3A_428 = tpu.vector_load %arg13[%get3A_426, %get3A_427] {strides = array<i32>} : memref<64x128xf32, #tpu.memory_space<vmem>>, vector<1x16xf32>,
        %get3A_429 = vector.shape_cast %get3A_428 : vector<1x16xf32> to vector<16xf32>
        %get3A_430 = arith.constant 39 : i32
        %get3A_431 = arith.index_cast %get3A_430 : i32 to index
        %get3A_432 = arith.index_cast %mul3A_344 : i32 to index
        %get3A_433 = tpu.vector_load %arg13[%get3A_431, %get3A_432] {strides = array<i32>} : memref<64x128xf32, #tpu.memory_space<vmem>>, vector<1x16xf32>,
        %get3A_434 = vector.shape_cast %get3A_433 : vector<1x16xf32> to vector<16xf32>
        %sub3A_435 = arith.subf %get3A_429, %get3A_434 : vector<16xf32>
        %max3A_436 = arith.maximumf %max3A_424, %sub3A_435 : vector<16xf32>
        %get3A_437 = arith.constant 8 : i32
        %get3A_438 = arith.index_cast %get3A_437 : i32 to index
        %get3A_439 = arith.index_cast %mul3A_344 : i32 to index
        %get3A_440 = tpu.vector_load %arg13[%get3A_438, %get3A_439] {strides = array<i32>} : memref<64x128xf32, #tpu.memory_space<vmem>>, vector<1x16xf32>,
        %get3A_441 = vector.shape_cast %get3A_440 : vector<1x16xf32> to vector<16xf32>
        %get3A_442 = arith.constant 40 : i32
        %get3A_443 = arith.index_cast %get3A_442 : i32 to index
        %get3A_444 = arith.index_cast %mul3A_344 : i32 to index
        %get3A_445 = tpu.vector_load %arg13[%get3A_443, %get3A_444] {strides = array<i32>} : memref<64x128xf32, #tpu.memory_space<vmem>>, vector<1x16xf32>,
        %get3A_446 = vector.shape_cast %get3A_445 : vector<1x16xf32> to vector<16xf32>
        %sub3A_447 = arith.subf %get3A_441, %get3A_446 : vector<16xf32>
        %max3A_448 = arith.maximumf %max3A_436, %sub3A_447 : vector<16xf32>
        %get3A_449 = arith.constant 9 : i32
        %get3A_450 = arith.index_cast %get3A_449 : i32 to index
        %get3A_451 = arith.index_cast %mul3A_344 : i32 to index
        %get3A_452 = tpu.vector_load %arg13[%get3A_450, %get3A_451] {strides = array<i32>} : memref<64x128xf32, #tpu.memory_space<vmem>>, vector<1x16xf32>,
        %get3A_453 = vector.shape_cast %get3A_452 : vector<1x16xf32> to vector<16xf32>
        %get3A_454 = arith.constant 41 : i32
        %get3A_455 = arith.index_cast %get3A_454 : i32 to index
        %get3A_456 = arith.index_cast %mul3A_344 : i32 to index
        %get3A_457 = tpu.vector_load %arg13[%get3A_455, %get3A_456] {strides = array<i32>} : memref<64x128xf32, #tpu.memory_space<vmem>>, vector<1x16xf32>,
        %get3A_458 = vector.shape_cast %get3A_457 : vector<1x16xf32> to vector<16xf32>
        %sub3A_459 = arith.subf %get3A_453, %get3A_458 : vector<16xf32>
        %max3A_460 = arith.maximumf %max3A_448, %sub3A_459 : vector<16xf32>
        %get3A_461 = arith.constant 10 : i32
        %get3A_462 = arith.index_cast %get3A_461 : i32 to index
        %get3A_463 = arith.index_cast %mul3A_344 : i32 to index
        %get3A_464 = tpu.vector_load %arg13[%get3A_462, %get3A_463] {strides = array<i32>} : memref<64x128xf32, #tpu.memory_space<vmem>>, vector<1x16xf32>,
        %get3A_465 = vector.shape_cast %get3A_464 : vector<1x16xf32> to vector<16xf32>
        %get3A_466 = arith.constant 42 : i32
        %get3A_467 = arith.index_cast %get3A_466 : i32 to index
        %get3A_468 = arith.index_cast %mul3A_344 : i32 to index
        %get3A_469 = tpu.vector_load %arg13[%get3A_467, %get3A_468] {strides = array<i32>} : memref<64x128xf32, #tpu.memory_space<vmem>>, vector<1x16xf32>,
        %get3A_470 = vector.shape_cast %get3A_469 : vector<1x16xf32> to vector<16xf32>
        %sub3A_471 = arith.subf %get3A_465, %get3A_470 : vector<16xf32>
        %max3A_472 = arith.maximumf %max3A_460, %sub3A_471 : vector<16xf32>
        %get3A_473 = arith.constant 11 : i32
        %get3A_474 = arith.index_cast %get3A_473 : i32 to index
        %get3A_475 = arith.index_cast %mul3A_344 : i32 to index
        %get3A_476 = tpu.vector_load %arg13[%get3A_474, %get3A_475] {strides = array<i32>} : memref<64x128xf32, #tpu.memory_space<vmem>>, vector<1x16xf32>,
        %get3A_477 = vector.shape_cast %get3A_476 : vector<1x16xf32> to vector<16xf32>
        %get3A_478 = arith.constant 43 : i32
        %get3A_479 = arith.index_cast %get3A_478 : i32 to index
        %get3A_480 = arith.index_cast %mul3A_344 : i32 to index
        %get3A_481 = tpu.vector_load %arg13[%get3A_479, %get3A_480] {strides = array<i32>} : memref<64x128xf32, #tpu.memory_space<vmem>>, vector<1x16xf32>,
        %get3A_482 = vector.shape_cast %get3A_481 : vector<1x16xf32> to vector<16xf32>
        %sub3A_483 = arith.subf %get3A_477, %get3A_482 : vector<16xf32>
        %max3A_484 = arith.maximumf %max3A_472, %sub3A_483 : vector<16xf32>
        %get3A_485 = arith.constant 12 : i32
        %get3A_486 = arith.index_cast %get3A_485 : i32 to index
        %get3A_487 = arith.index_cast %mul3A_344 : i32 to index
        %get3A_488 = tpu.vector_load %arg13[%get3A_486, %get3A_487] {strides = array<i32>} : memref<64x128xf32, #tpu.memory_space<vmem>>, vector<1x16xf32>,
        %get3A_489 = vector.shape_cast %get3A_488 : vector<1x16xf32> to vector<16xf32>
        %get3A_490 = arith.constant 44 : i32
        %get3A_491 = arith.index_cast %get3A_490 : i32 to index
        %get3A_492 = arith.index_cast %mul3A_344 : i32 to index
        %get3A_493 = tpu.vector_load %arg13[%get3A_491, %get3A_492] {strides = array<i32>} : memref<64x128xf32, #tpu.memory_space<vmem>>, vector<1x16xf32>,
        %get3A_494 = vector.shape_cast %get3A_493 : vector<1x16xf32> to vector<16xf32>
        %sub3A_495 = arith.subf %get3A_489, %get3A_494 : vector<16xf32>
        %max3A_496 = arith.maximumf %max3A_484, %sub3A_495 : vector<16xf32>
        %get3A_497 = arith.constant 13 : i32
        %get3A_498 = arith.index_cast %get3A_497 : i32 to index
        %get3A_499 = arith.index_cast %mul3A_344 : i32 to index
        %get3A_500 = tpu.vector_load %arg13[%get3A_498, %get3A_499] {strides = array<i32>} : memref<64x128xf32, #tpu.memory_space<vmem>>, vector<1x16xf32>,
        %get3A_501 = vector.shape_cast %get3A_500 : vector<1x16xf32> to vector<16xf32>
        %get3A_502 = arith.constant 45 : i32
        %get3A_503 = arith.index_cast %get3A_502 : i32 to index
        %get3A_504 = arith.index_cast %mul3A_344 : i32 to index
        %get3A_505 = tpu.vector_load %arg13[%get3A_503, %get3A_504] {strides = array<i32>} : memref<64x128xf32, #tpu.memory_space<vmem>>, vector<1x16xf32>,
        %get3A_506 = vector.shape_cast %get3A_505 : vector<1x16xf32> to vector<16xf32>
        %sub3A_507 = arith.subf %get3A_501, %get3A_506 : vector<16xf32>
        %max3A_508 = arith.maximumf %max3A_496, %sub3A_507 : vector<16xf32>
        %get3A_509 = arith.constant 14 : i32
        %get3A_510 = arith.index_cast %get3A_509 : i32 to index
        %get3A_511 = arith.index_cast %mul3A_344 : i32 to index
        %get3A_512 = tpu.vector_load %arg13[%get3A_510, %get3A_511] {strides = array<i32>} : memref<64x128xf32, #tpu.memory_space<vmem>>, vector<1x16xf32>,
        %get3A_513 = vector.shape_cast %get3A_512 : vector<1x16xf32> to vector<16xf32>
        %get3A_514 = arith.constant 46 : i32
        %get3A_515 = arith.index_cast %get3A_514 : i32 to index
        %get3A_516 = arith.index_cast %mul3A_344 : i32 to index
        %get3A_517 = tpu.vector_load %arg13[%get3A_515, %get3A_516] {strides = array<i32>} : memref<64x128xf32, #tpu.memory_space<vmem>>, vector<1x16xf32>,
        %get3A_518 = vector.shape_cast %get3A_517 : vector<1x16xf32> to vector<16xf32>
        %sub3A_519 = arith.subf %get3A_513, %get3A_518 : vector<16xf32>
        %max3A_520 = arith.maximumf %max3A_508, %sub3A_519 : vector<16xf32>
        %get3A_521 = arith.constant 15 : i32
        %get3A_522 = arith.index_cast %get3A_521 : i32 to index
        %get3A_523 = arith.index_cast %mul3A_344 : i32 to index
        %get3A_524 = tpu.vector_load %arg13[%get3A_522, %get3A_523] {strides = array<i32>} : memref<64x128xf32, #tpu.memory_space<vmem>>, vector<1x16xf32>,
        %get3A_525 = vector.shape_cast %get3A_524 : vector<1x16xf32> to vector<16xf32>
        %get3A_526 = arith.constant 47 : i32
        %get3A_527 = arith.index_cast %get3A_526 : i32 to index
        %get3A_528 = arith.index_cast %mul3A_344 : i32 to index
        %get3A_529 = tpu.vector_load %arg13[%get3A_527, %get3A_528] {strides = array<i32>} : memref<64x128xf32, #tpu.memory_space<vmem>>, vector<1x16xf32>,
        %get3A_530 = vector.shape_cast %get3A_529 : vector<1x16xf32> to vector<16xf32>
        %sub3A_531 = arith.subf %get3A_525, %get3A_530 : vector<16xf32>
        %max3A_532 = arith.maximumf %max3A_520, %sub3A_531 : vector<16xf32>
        %get3A_533 = arith.constant 16 : i32
        %get3A_534 = arith.index_cast %get3A_533 : i32 to index
        %get3A_535 = arith.index_cast %mul3A_344 : i32 to index
        %get3A_536 = tpu.vector_load %arg13[%get3A_534, %get3A_535] {strides = array<i32>} : memref<64x128xf32, #tpu.memory_space<vmem>>, vector<1x16xf32>,
        %get3A_537 = vector.shape_cast %get3A_536 : vector<1x16xf32> to vector<16xf32>
        %get3A_538 = arith.constant 48 : i32
        %get3A_539 = arith.index_cast %get3A_538 : i32 to index
        %get3A_540 = arith.index_cast %mul3A_344 : i32 to index
        %get3A_541 = tpu.vector_load %arg13[%get3A_539, %get3A_540] {strides = array<i32>} : memref<64x128xf32, #tpu.memory_space<vmem>>, vector<1x16xf32>,
        %get3A_542 = vector.shape_cast %get3A_541 : vector<1x16xf32> to vector<16xf32>
        %sub3A_543 = arith.subf %get3A_537, %get3A_542 : vector<16xf32>
        %max3A_544 = arith.maximumf %max3A_532, %sub3A_543 : vector<16xf32>
        %get3A_545 = arith.constant 17 : i32
        %get3A_546 = arith.index_cast %get3A_545 : i32 to index
        %get3A_547 = arith.index_cast %mul3A_344 : i32 to index
        %get3A_548 = tpu.vector_load %arg13[%get3A_546, %get3A_547] {strides = array<i32>} : memref<64x128xf32, #tpu.memory_space<vmem>>, vector<1x16xf32>,
        %get3A_549 = vector.shape_cast %get3A_548 : vector<1x16xf32> to vector<16xf32>
        %get3A_550 = arith.constant 49 : i32
        %get3A_551 = arith.index_cast %get3A_550 : i32 to index
        %get3A_552 = arith.index_cast %mul3A_344 : i32 to index
        %get3A_553 = tpu.vector_load %arg13[%get3A_551, %get3A_552] {strides = array<i32>} : memref<64x128xf32, #tpu.memory_space<vmem>>, vector<1x16xf32>,
        %get3A_554 = vector.shape_cast %get3A_553 : vector<1x16xf32> to vector<16xf32>
        %sub3A_555 = arith.subf %get3A_549, %get3A_554 : vector<16xf32>
        %max3A_556 = arith.maximumf %max3A_544, %sub3A_555 : vector<16xf32>
        %get3A_557 = arith.constant 18 : i32
        %get3A_558 = arith.index_cast %get3A_557 : i32 to index
        %get3A_559 = arith.index_cast %mul3A_344 : i32 to index
        %get3A_560 = tpu.vector_load %arg13[%get3A_558, %get3A_559] {strides = array<i32>} : memref<64x128xf32, #tpu.memory_space<vmem>>, vector<1x16xf32>,
        %get3A_561 = vector.shape_cast %get3A_560 : vector<1x16xf32> to vector<16xf32>
        %get3A_562 = arith.constant 50 : i32
        %get3A_563 = arith.index_cast %get3A_562 : i32 to index
        %get3A_564 = arith.index_cast %mul3A_344 : i32 to index
        %get3A_565 = tpu.vector_load %arg13[%get3A_563, %get3A_564] {strides = array<i32>} : memref<64x128xf32, #tpu.memory_space<vmem>>, vector<1x16xf32>,
        %get3A_566 = vector.shape_cast %get3A_565 : vector<1x16xf32> to vector<16xf32>
        %sub3A_567 = arith.subf %get3A_561, %get3A_566 : vector<16xf32>
        %max3A_568 = arith.maximumf %max3A_556, %sub3A_567 : vector<16xf32>
        %get3A_569 = arith.constant 19 : i32
        %get3A_570 = arith.index_cast %get3A_569 : i32 to index
        %get3A_571 = arith.index_cast %mul3A_344 : i32 to index
        %get3A_572 = tpu.vector_load %arg13[%get3A_570, %get3A_571] {strides = array<i32>} : memref<64x128xf32, #tpu.memory_space<vmem>>, vector<1x16xf32>,
        %get3A_573 = vector.shape_cast %get3A_572 : vector<1x16xf32> to vector<16xf32>
        %get3A_574 = arith.constant 51 : i32
        %get3A_575 = arith.index_cast %get3A_574 : i32 to index
        %get3A_576 = arith.index_cast %mul3A_344 : i32 to index
        %get3A_577 = tpu.vector_load %arg13[%get3A_575, %get3A_576] {strides = array<i32>} : memref<64x128xf32, #tpu.memory_space<vmem>>, vector<1x16xf32>,
        %get3A_578 = vector.shape_cast %get3A_577 : vector<1x16xf32> to vector<16xf32>
        %sub3A_579 = arith.subf %get3A_573, %get3A_578 : vector<16xf32>
        %max3A_580 = arith.maximumf %max3A_568, %sub3A_579 : vector<16xf32>
        %get3A_581 = arith.constant 20 : i32
        %get3A_582 = arith.index_cast %get3A_581 : i32 to index
        %get3A_583 = arith.index_cast %mul3A_344 : i32 to index
        %get3A_584 = tpu.vector_load %arg13[%get3A_582, %get3A_583] {strides = array<i32>} : memref<64x128xf32, #tpu.memory_space<vmem>>, vector<1x16xf32>,
        %get3A_585 = vector.shape_cast %get3A_584 : vector<1x16xf32> to vector<16xf32>
        %get3A_586 = arith.constant 52 : i32
        %get3A_587 = arith.index_cast %get3A_586 : i32 to index
        %get3A_588 = arith.index_cast %mul3A_344 : i32 to index
        %get3A_589 = tpu.vector_load %arg13[%get3A_587, %get3A_588] {strides = array<i32>} : memref<64x128xf32, #tpu.memory_space<vmem>>, vector<1x16xf32>,
        %get3A_590 = vector.shape_cast %get3A_589 : vector<1x16xf32> to vector<16xf32>
        %sub3A_591 = arith.subf %get3A_585, %get3A_590 : vector<16xf32>
        %max3A_592 = arith.maximumf %max3A_580, %sub3A_591 : vector<16xf32>
        %get3A_593 = arith.constant 21 : i32
        %get3A_594 = arith.index_cast %get3A_593 : i32 to index
        %get3A_595 = arith.index_cast %mul3A_344 : i32 to index
        %get3A_596 = tpu.vector_load %arg13[%get3A_594, %get3A_595] {strides = array<i32>} : memref<64x128xf32, #tpu.memory_space<vmem>>, vector<1x16xf32>,
        %get3A_597 = vector.shape_cast %get3A_596 : vector<1x16xf32> to vector<16xf32>
        %get3A_598 = arith.constant 53 : i32
        %get3A_599 = arith.index_cast %get3A_598 : i32 to index
        %get3A_600 = arith.index_cast %mul3A_344 : i32 to index
        %get3A_601 = tpu.vector_load %arg13[%get3A_599, %get3A_600] {strides = array<i32>} : memref<64x128xf32, #tpu.memory_space<vmem>>, vector<1x16xf32>,
        %get3A_602 = vector.shape_cast %get3A_601 : vector<1x16xf32> to vector<16xf32>
        %sub3A_603 = arith.subf %get3A_597, %get3A_602 : vector<16xf32>
        %max3A_604 = arith.maximumf %max3A_592, %sub3A_603 : vector<16xf32>
        %get3A_605 = arith.constant 22 : i32
        %get3A_606 = arith.index_cast %get3A_605 : i32 to index
        %get3A_607 = arith.index_cast %mul3A_344 : i32 to index
        %get3A_608 = tpu.vector_load %arg13[%get3A_606, %get3A_607] {strides = array<i32>} : memref<64x128xf32, #tpu.memory_space<vmem>>, vector<1x16xf32>,
        %get3A_609 = vector.shape_cast %get3A_608 : vector<1x16xf32> to vector<16xf32>
        %get3A_610 = arith.constant 54 : i32
        %get3A_611 = arith.index_cast %get3A_610 : i32 to index
        %get3A_612 = arith.index_cast %mul3A_344 : i32 to index
        %get3A_613 = tpu.vector_load %arg13[%get3A_611, %get3A_612] {strides = array<i32>} : memref<64x128xf32, #tpu.memory_space<vmem>>, vector<1x16xf32>,
        %get3A_614 = vector.shape_cast %get3A_613 : vector<1x16xf32> to vector<16xf32>
        %sub3A_615 = arith.subf %get3A_609, %get3A_614 : vector<16xf32>
        %max3A_616 = arith.maximumf %max3A_604, %sub3A_615 : vector<16xf32>
        %get3A_617 = arith.constant 23 : i32
        %get3A_618 = arith.index_cast %get3A_617 : i32 to index
        %get3A_619 = arith.index_cast %mul3A_344 : i32 to index
        %get3A_620 = tpu.vector_load %arg13[%get3A_618, %get3A_619] {strides = array<i32>} : memref<64x128xf32, #tpu.memory_space<vmem>>, vector<1x16xf32>,
        %get3A_621 = vector.shape_cast %get3A_620 : vector<1x16xf32> to vector<16xf32>
        %get3A_622 = arith.constant 55 : i32
        %get3A_623 = arith.index_cast %get3A_622 : i32 to index
        %get3A_624 = arith.index_cast %mul3A_344 : i32 to index
        %get3A_625 = tpu.vector_load %arg13[%get3A_623, %get3A_624] {strides = array<i32>} : memref<64x128xf32, #tpu.memory_space<vmem>>, vector<1x16xf32>,
        %get3A_626 = vector.shape_cast %get3A_625 : vector<1x16xf32> to vector<16xf32>
        %sub3A_627 = arith.subf %get3A_621, %get3A_626 : vector<16xf32>
        %max3A_628 = arith.maximumf %max3A_616, %sub3A_627 : vector<16xf32>
        %get3A_629 = arith.constant 24 : i32
        %get3A_630 = arith.index_cast %get3A_629 : i32 to index
        %get3A_631 = arith.index_cast %mul3A_344 : i32 to index
        %get3A_632 = tpu.vector_load %arg13[%get3A_630, %get3A_631] {strides = array<i32>} : memref<64x128xf32, #tpu.memory_space<vmem>>, vector<1x16xf32>,
        %get3A_633 = vector.shape_cast %get3A_632 : vector<1x16xf32> to vector<16xf32>
        %get3A_634 = arith.constant 56 : i32
        %get3A_635 = arith.index_cast %get3A_634 : i32 to index
        %get3A_636 = arith.index_cast %mul3A_344 : i32 to index
        %get3A_637 = tpu.vector_load %arg13[%get3A_635, %get3A_636] {strides = array<i32>} : memref<64x128xf32, #tpu.memory_space<vmem>>, vector<1x16xf32>,
        %get3A_638 = vector.shape_cast %get3A_637 : vector<1x16xf32> to vector<16xf32>
        %sub3A_639 = arith.subf %get3A_633, %get3A_638 : vector<16xf32>
        %max3A_640 = arith.maximumf %max3A_628, %sub3A_639 : vector<16xf32>
        %get3A_641 = arith.constant 25 : i32
        %get3A_642 = arith.index_cast %get3A_641 : i32 to index
        %get3A_643 = arith.index_cast %mul3A_344 : i32 to index
        %get3A_644 = tpu.vector_load %arg13[%get3A_642, %get3A_643] {strides = array<i32>} : memref<64x128xf32, #tpu.memory_space<vmem>>, vector<1x16xf32>,
        %get3A_645 = vector.shape_cast %get3A_644 : vector<1x16xf32> to vector<16xf32>
        %get3A_646 = arith.constant 57 : i32
        %get3A_647 = arith.index_cast %get3A_646 : i32 to index
        %get3A_648 = arith.index_cast %mul3A_344 : i32 to index
        %get3A_649 = tpu.vector_load %arg13[%get3A_647, %get3A_648] {strides = array<i32>} : memref<64x128xf32, #tpu.memory_space<vmem>>, vector<1x16xf32>,
        %get3A_650 = vector.shape_cast %get3A_649 : vector<1x16xf32> to vector<16xf32>
        %sub3A_651 = arith.subf %get3A_645, %get3A_650 : vector<16xf32>
        %max3A_652 = arith.maximumf %max3A_640, %sub3A_651 : vector<16xf32>
        %get3A_653 = arith.constant 26 : i32
        %get3A_654 = arith.index_cast %get3A_653 : i32 to index
        %get3A_655 = arith.index_cast %mul3A_344 : i32 to index
        %get3A_656 = tpu.vector_load %arg13[%get3A_654, %get3A_655] {strides = array<i32>} : memref<64x128xf32, #tpu.memory_space<vmem>>, vector<1x16xf32>,
        %get3A_657 = vector.shape_cast %get3A_656 : vector<1x16xf32> to vector<16xf32>
        %get3A_658 = arith.constant 58 : i32
        %get3A_659 = arith.index_cast %get3A_658 : i32 to index
        %get3A_660 = arith.index_cast %mul3A_344 : i32 to index
        %get3A_661 = tpu.vector_load %arg13[%get3A_659, %get3A_660] {strides = array<i32>} : memref<64x128xf32, #tpu.memory_space<vmem>>, vector<1x16xf32>,
        %get3A_662 = vector.shape_cast %get3A_661 : vector<1x16xf32> to vector<16xf32>
        %sub3A_663 = arith.subf %get3A_657, %get3A_662 : vector<16xf32>
        %max3A_664 = arith.maximumf %max3A_652, %sub3A_663 : vector<16xf32>
        %get3A_665 = arith.constant 27 : i32
        %get3A_666 = arith.index_cast %get3A_665 : i32 to index
        %get3A_667 = arith.index_cast %mul3A_344 : i32 to index
        %get3A_668 = tpu.vector_load %arg13[%get3A_666, %get3A_667] {strides = array<i32>} : memref<64x128xf32, #tpu.memory_space<vmem>>, vector<1x16xf32>,
        %get3A_669 = vector.shape_cast %get3A_668 : vector<1x16xf32> to vector<16xf32>
        %get3A_670 = arith.constant 59 : i32
        %get3A_671 = arith.index_cast %get3A_670 : i32 to index
        %get3A_672 = arith.index_cast %mul3A_344 : i32 to index
        %get3A_673 = tpu.vector_load %arg13[%get3A_671, %get3A_672] {strides = array<i32>} : memref<64x128xf32, #tpu.memory_space<vmem>>, vector<1x16xf32>,
        %get3A_674 = vector.shape_cast %get3A_673 : vector<1x16xf32> to vector<16xf32>
        %sub3A_675 = arith.subf %get3A_669, %get3A_674 : vector<16xf32>
        %max3A_676 = arith.maximumf %max3A_664, %sub3A_675 : vector<16xf32>
        %get3A_677 = arith.constant 28 : i32
        %get3A_678 = arith.index_cast %get3A_677 : i32 to index
        %get3A_679 = arith.index_cast %mul3A_344 : i32 to index
        %get3A_680 = tpu.vector_load %arg13[%get3A_678, %get3A_679] {strides = array<i32>} : memref<64x128xf32, #tpu.memory_space<vmem>>, vector<1x16xf32>,
        %get3A_681 = vector.shape_cast %get3A_680 : vector<1x16xf32> to vector<16xf32>
        %get3A_682 = arith.constant 60 : i32
        %get3A_683 = arith.index_cast %get3A_682 : i32 to index
        %get3A_684 = arith.index_cast %mul3A_344 : i32 to index
        %get3A_685 = tpu.vector_load %arg13[%get3A_683, %get3A_684] {strides = array<i32>} : memref<64x128xf32, #tpu.memory_space<vmem>>, vector<1x16xf32>,
        %get3A_686 = vector.shape_cast %get3A_685 : vector<1x16xf32> to vector<16xf32>
        %sub3A_687 = arith.subf %get3A_681, %get3A_686 : vector<16xf32>
        %max3A_688 = arith.maximumf %max3A_676, %sub3A_687 : vector<16xf32>
        %get3A_689 = arith.constant 29 : i32
        %get3A_690 = arith.index_cast %get3A_689 : i32 to index
        %get3A_691 = arith.index_cast %mul3A_344 : i32 to index
        %get3A_692 = tpu.vector_load %arg13[%get3A_690, %get3A_691] {strides = array<i32>} : memref<64x128xf32, #tpu.memory_space<vmem>>, vector<1x16xf32>,
        %get3A_693 = vector.shape_cast %get3A_692 : vector<1x16xf32> to vector<16xf32>
        %get3A_694 = arith.constant 61 : i32
        %get3A_695 = arith.index_cast %get3A_694 : i32 to index
        %get3A_696 = arith.index_cast %mul3A_344 : i32 to index
        %get3A_697 = tpu.vector_load %arg13[%get3A_695, %get3A_696] {strides = array<i32>} : memref<64x128xf32, #tpu.memory_space<vmem>>, vector<1x16xf32>,
        %get3A_698 = vector.shape_cast %get3A_697 : vector<1x16xf32> to vector<16xf32>
        %sub3A_699 = arith.subf %get3A_693, %get3A_698 : vector<16xf32>
        %max3A_700 = arith.maximumf %max3A_688, %sub3A_699 : vector<16xf32>
        %get3A_701 = arith.constant 30 : i32
        %get3A_702 = arith.index_cast %get3A_701 : i32 to index
        %get3A_703 = arith.index_cast %mul3A_344 : i32 to index
        %get3A_704 = tpu.vector_load %arg13[%get3A_702, %get3A_703] {strides = array<i32>} : memref<64x128xf32, #tpu.memory_space<vmem>>, vector<1x16xf32>,
        %get3A_705 = vector.shape_cast %get3A_704 : vector<1x16xf32> to vector<16xf32>
        %get3A_706 = arith.constant 62 : i32
        %get3A_707 = arith.index_cast %get3A_706 : i32 to index
        %get3A_708 = arith.index_cast %mul3A_344 : i32 to index
        %get3A_709 = tpu.vector_load %arg13[%get3A_707, %get3A_708] {strides = array<i32>} : memref<64x128xf32, #tpu.memory_space<vmem>>, vector<1x16xf32>,
        %get3A_710 = vector.shape_cast %get3A_709 : vector<1x16xf32> to vector<16xf32>
        %sub3A_711 = arith.subf %get3A_705, %get3A_710 : vector<16xf32>
        %max3A_712 = arith.maximumf %max3A_700, %sub3A_711 : vector<16xf32>
        %get3A_713 = arith.constant 31 : i32
        %get3A_714 = arith.index_cast %get3A_713 : i32 to index
        %get3A_715 = arith.index_cast %mul3A_344 : i32 to index
        %get3A_716 = tpu.vector_load %arg13[%get3A_714, %get3A_715] {strides = array<i32>} : memref<64x128xf32, #tpu.memory_space<vmem>>, vector<1x16xf32>,
        %get3A_717 = vector.shape_cast %get3A_716 : vector<1x16xf32> to vector<16xf32>
        %get3A_718 = arith.constant 63 : i32
        %get3A_719 = arith.index_cast %get3A_718 : i32 to index
        %get3A_720 = arith.index_cast %mul3A_344 : i32 to index
        %get3A_721 = tpu.vector_load %arg13[%get3A_719, %get3A_720] {strides = array<i32>} : memref<64x128xf32, #tpu.memory_space<vmem>>, vector<1x16xf32>,
        %get3A_722 = vector.shape_cast %get3A_721 : vector<1x16xf32> to vector<16xf32>
        %sub3A_723 = arith.subf %get3A_717, %get3A_722 : vector<16xf32>
        %max3A_724 = arith.maximumf %max3A_712, %sub3A_723 : vector<16xf32>
        %swap3A = arith.index_cast %mul3A_344 : i32 to index
        %swap3A_725 = tpu.vector_load %arg18[%swap3A] {strides = array<i32>} : memref<128xf32, #tpu.memory_space<vmem>>, vector<16xf32>,
        %swap3A_726 = vector.shape_cast %swap3A_725 : vector<16xf32> to vector<16xf32>
        %swap3A_727 = vector.shape_cast %max3A_724 : vector<16xf32> to vector<16xf32>
        tpu.vector_store %arg18[%swap3A], %swap3A_727 {strides = array<i32>} : memref<128xf32, #tpu.memory_space<vmem>>, vector<16xf32>,
      }
      %scan3A_240 = arith.constant 8 : i32
      %add3A_241 = arith.addi %mul3A_2, %add3A_219 : i32
      %mul3A_242 = arith.constant 128 : i32
      %mul3A_243 = arith.muli %add3A_241, %mul3A_242 : i32
      %dma_start3A_244 = tpu.memref_slice %arg4[%mul3A_243] : memref<1310720xf32, #tpu.memory_space<hbm>> -> memref<128xf32, #tpu.memory_space<hbm>>
      %dma_start3A_245 = tpu.memref_slice %arg4[%mul3A_243] : memref<1310720xf32, #tpu.memory_space<hbm>> -> memref<128xf32, #tpu.memory_space<hbm>>
      tpu.enqueue_dma source(%arg18 : memref<128xf32, #tpu.memory_space<vmem>>) target(%dma_start3A_245 : memref<128xf32, #tpu.memory_space<hbm>>) target_semaphore(%arg33 : memref<!tpu.dma_semaphore, #tpu.memory_space<semaphore_mem>>)
      %add3A_246 = arith.constant 5 : i32
      %add3A_247 = arith.addi %add3A_219, %add3A_246 : i32
      %add3A_248 = arith.addi %mul3A_2, %add3A_247 : i32
      %mul3A_249 = arith.constant 64 : i32
      %mul3A_250 = arith.muli %add3A_248, %mul3A_249 : i32
      %dma_wait3A_251 = tpu.memref_slice %arg3[%mul3A_250] : memref<656384xi32, #tpu.memory_space<hbm>> -> memref<64xi32, #tpu.memory_space<hbm>>
      %dma_wait3A_252 = tpu.memref_slice %arg3[%mul3A_250] : memref<656384xi32, #tpu.memory_space<hbm>> -> memref<64xi32, #tpu.memory_space<hbm>>
      tpu.wait_dma2 semaphore(%arg23 : memref<!tpu.dma_semaphore, #tpu.memory_space<semaphore_mem>>) src(%dma_wait3A_252 : memref<64xi32, #tpu.memory_space<hbm>>) dst(%arg8 : memref<64xi32, #tpu.memory_space<vmem>>)
      %add3A_253 = arith.constant 5 : i32
      %add3A_254 = arith.addi %add3A_219, %add3A_253 : i32
      %dma_start3A_255 = arith.constant 0 : i32
      %dma_start3A_256 = arith.constant 0 : i32
      %dma_start3A_257 = tpu.memref_slice %arg5[%dma_start3A_255, %dma_start3A_256] : memref<10000x128xf32, #tpu.memory_space<vmem_shared>> -> memref<10000x128xf32, #tpu.memory_space<vmem_shared>>
      tpu.enqueue_indirect_dma source(%dma_start3A_257 : memref<10000x128xf32, #tpu.memory_space<vmem_shared>>) target(%arg13 : memref<64x128xf32, #tpu.memory_space<vmem>>) offsets(%arg8 : memref<64xi32, #tpu.memory_space<vmem>>) semaphore(%arg28 : memref<!tpu.dma_semaphore, #tpu.memory_space<semaphore_mem>>)
      %mul3A_258 = arith.constant 5 : i32
      %mul3A_259 = arith.muli %scan3A_132, %mul3A_258 : i32
      %add3A_260 = arith.constant 3 : i32
      %add3A_261 = arith.addi %mul3A_259, %add3A_260 : i32
      %dma_wait3A_262 = arith.constant 0 : i32
      %dma_wait3A_263 = arith.constant 0 : i32
      %dma_wait3A_264 = tpu.memref_slice %arg5[%dma_wait3A_262, %dma_wait3A_263] : memref<10000x128xf32, #tpu.memory_space<vmem_shared>> -> memref<10000x128xf32, #tpu.memory_space<vmem_shared>>
      tpu.wait_indirect_dma semaphore(%arg29 : memref<!tpu.dma_semaphore, #tpu.memory_space<semaphore_mem>>) src(%dma_wait3A_264 : memref<10000x128xf32, #tpu.memory_space<vmem_shared>>) dst(%arg14 : memref<64x128xf32, #tpu.memory_space<vmem>>)
      %add3A_265 = arith.constant 5 : i32
      %add3A_266 = arith.addi %add3A_261, %add3A_265 : i32
      %add3A_267 = arith.addi %mul3A_2, %add3A_266 : i32
      %mul3A_268 = arith.constant 64 : i32
      %mul3A_269 = arith.muli %add3A_267, %mul3A_268 : i32
      %dma_start3A_270 = tpu.memref_slice %arg3[%mul3A_269] : memref<656384xi32, #tpu.memory_space<hbm>> -> memref<64xi32, #tpu.memory_space<hbm>>
      %dma_start3A_271 = tpu.memref_slice %arg3[%mul3A_269] : memref<656384xi32, #tpu.memory_space<hbm>> -> memref<64xi32, #tpu.memory_space<hbm>>
      tpu.enqueue_dma source(%dma_start3A_271 : memref<64xi32, #tpu.memory_space<hbm>>) target(%arg9 : memref<64xi32, #tpu.memory_space<vmem>>) target_semaphore(%arg24 : memref<!tpu.dma_semaphore, #tpu.memory_space<semaphore_mem>>)
      %ge3A_272 = arith.constant 1 : i32
      %ge3A_273 = arith.cmpi sge, %scan3A_132, %ge3A_272 : i32
      %convert_element_type3A_274 = arith.extui %ge3A_273 : i1 to i32
      %cond3A_275 = arith.constant 0 : i32
      %cond3A_276 = arith.cmpi ne, %convert_element_type3A_274, %cond3A_275 : i32
      scf.if %cond3A_276 {
        %sub3A = arith.constant 5 : i32
        %sub3A_342 = arith.subi %add3A_261, %sub3A : i32
        %add3A_343 = arith.addi %mul3A_2, %sub3A_342 : i32
        %mul3A_344 = arith.constant 128 : i32
        %mul3A_345 = arith.muli %add3A_343, %mul3A_344 : i32
        %dma_wait3A_346 = tpu.memref_slice %arg4[%mul3A_345] : memref<1310720xf32, #tpu.memory_space<hbm>> -> memref<128xf32, #tpu.memory_space<hbm>>
        %dma_wait3A_347 = tpu.memref_slice %arg4[%mul3A_345] : memref<1310720xf32, #tpu.memory_space<hbm>> -> memref<128xf32, #tpu.memory_space<hbm>>
        tpu.wait_dma2 semaphore(%arg34 : memref<!tpu.dma_semaphore, #tpu.memory_space<semaphore_mem>>) src(%arg19 : memref<128xf32, #tpu.memory_space<vmem>>) dst(%dma_wait3A_347 : memref<128xf32, #tpu.memory_space<hbm>>)
      } else {
      }
      %scan3A_277 = arith.constant 0 : i32
      %scan3A_278 = arith.constant 0 : i32
      %scan3A_279 = arith.constant 8 : i32
      %scan3A_280 = arith.addi %scan3A_278, %scan3A_279 : i32
      %scan3A_281 = arith.constant 1 : i32
      scf.for %scan3A_342 = %scan3A_278 to %scan3A_280 step %scan3A_281  : i32 {
        %mul3A_343 = arith.constant 16 : i32
        %mul3A_344 = arith.muli %scan3A_342, %mul3A_343 : i32
        %get3A = arith.constant 0 : i32
        %get3A_345 = arith.index_cast %get3A : i32 to index
        %get3A_346 = arith.index_cast %mul3A_344 : i32 to index
        %get3A_347 = tpu.vector_load %arg14[%get3A_345, %get3A_346] {strides = array<i32>} : memref<64x128xf32, #tpu.memory_space<vmem>>, vector<1x16xf32>,
        %get3A_348 = vector.shape_cast %get3A_347 : vector<1x16xf32> to vector<16xf32>
        %get3A_349 = arith.constant 32 : i32
        %get3A_350 = arith.index_cast %get3A_349 : i32 to index
        %get3A_351 = arith.index_cast %mul3A_344 : i32 to index
        %get3A_352 = tpu.vector_load %arg14[%get3A_350, %get3A_351] {strides = array<i32>} : memref<64x128xf32, #tpu.memory_space<vmem>>, vector<1x16xf32>,
        %get3A_353 = vector.shape_cast %get3A_352 : vector<1x16xf32> to vector<16xf32>
        %sub3A = arith.subf %get3A_348, %get3A_353 : vector<16xf32>
        %get3A_354 = arith.constant 1 : i32
        %get3A_355 = arith.index_cast %get3A_354 : i32 to index
        %get3A_356 = arith.index_cast %mul3A_344 : i32 to index
        %get3A_357 = tpu.vector_load %arg14[%get3A_355, %get3A_356] {strides = array<i32>} : memref<64x128xf32, #tpu.memory_space<vmem>>, vector<1x16xf32>,
        %get3A_358 = vector.shape_cast %get3A_357 : vector<1x16xf32> to vector<16xf32>
        %get3A_359 = arith.constant 33 : i32
        %get3A_360 = arith.index_cast %get3A_359 : i32 to index
        %get3A_361 = arith.index_cast %mul3A_344 : i32 to index
        %get3A_362 = tpu.vector_load %arg14[%get3A_360, %get3A_361] {strides = array<i32>} : memref<64x128xf32, #tpu.memory_space<vmem>>, vector<1x16xf32>,
        %get3A_363 = vector.shape_cast %get3A_362 : vector<1x16xf32> to vector<16xf32>
        %sub3A_364 = arith.subf %get3A_358, %get3A_363 : vector<16xf32>
        %max3A = arith.maximumf %sub3A, %sub3A_364 : vector<16xf32>
        %get3A_365 = arith.constant 2 : i32
        %get3A_366 = arith.index_cast %get3A_365 : i32 to index
        %get3A_367 = arith.index_cast %mul3A_344 : i32 to index
        %get3A_368 = tpu.vector_load %arg14[%get3A_366, %get3A_367] {strides = array<i32>} : memref<64x128xf32, #tpu.memory_space<vmem>>, vector<1x16xf32>,
        %get3A_369 = vector.shape_cast %get3A_368 : vector<1x16xf32> to vector<16xf32>
        %get3A_370 = arith.constant 34 : i32
        %get3A_371 = arith.index_cast %get3A_370 : i32 to index
        %get3A_372 = arith.index_cast %mul3A_344 : i32 to index
        %get3A_373 = tpu.vector_load %arg14[%get3A_371, %get3A_372] {strides = array<i32>} : memref<64x128xf32, #tpu.memory_space<vmem>>, vector<1x16xf32>,
        %get3A_374 = vector.shape_cast %get3A_373 : vector<1x16xf32> to vector<16xf32>
        %sub3A_375 = arith.subf %get3A_369, %get3A_374 : vector<16xf32>
        %max3A_376 = arith.maximumf %max3A, %sub3A_375 : vector<16xf32>
        %get3A_377 = arith.constant 3 : i32
        %get3A_378 = arith.index_cast %get3A_377 : i32 to index
        %get3A_379 = arith.index_cast %mul3A_344 : i32 to index
        %get3A_380 = tpu.vector_load %arg14[%get3A_378, %get3A_379] {strides = array<i32>} : memref<64x128xf32, #tpu.memory_space<vmem>>, vector<1x16xf32>,
        %get3A_381 = vector.shape_cast %get3A_380 : vector<1x16xf32> to vector<16xf32>
        %get3A_382 = arith.constant 35 : i32
        %get3A_383 = arith.index_cast %get3A_382 : i32 to index
        %get3A_384 = arith.index_cast %mul3A_344 : i32 to index
        %get3A_385 = tpu.vector_load %arg14[%get3A_383, %get3A_384] {strides = array<i32>} : memref<64x128xf32, #tpu.memory_space<vmem>>, vector<1x16xf32>,
        %get3A_386 = vector.shape_cast %get3A_385 : vector<1x16xf32> to vector<16xf32>
        %sub3A_387 = arith.subf %get3A_381, %get3A_386 : vector<16xf32>
        %max3A_388 = arith.maximumf %max3A_376, %sub3A_387 : vector<16xf32>
        %get3A_389 = arith.constant 4 : i32
        %get3A_390 = arith.index_cast %get3A_389 : i32 to index
        %get3A_391 = arith.index_cast %mul3A_344 : i32 to index
        %get3A_392 = tpu.vector_load %arg14[%get3A_390, %get3A_391] {strides = array<i32>} : memref<64x128xf32, #tpu.memory_space<vmem>>, vector<1x16xf32>,
        %get3A_393 = vector.shape_cast %get3A_392 : vector<1x16xf32> to vector<16xf32>
        %get3A_394 = arith.constant 36 : i32
        %get3A_395 = arith.index_cast %get3A_394 : i32 to index
        %get3A_396 = arith.index_cast %mul3A_344 : i32 to index
        %get3A_397 = tpu.vector_load %arg14[%get3A_395, %get3A_396] {strides = array<i32>} : memref<64x128xf32, #tpu.memory_space<vmem>>, vector<1x16xf32>,
        %get3A_398 = vector.shape_cast %get3A_397 : vector<1x16xf32> to vector<16xf32>
        %sub3A_399 = arith.subf %get3A_393, %get3A_398 : vector<16xf32>
        %max3A_400 = arith.maximumf %max3A_388, %sub3A_399 : vector<16xf32>
        %get3A_401 = arith.constant 5 : i32
        %get3A_402 = arith.index_cast %get3A_401 : i32 to index
        %get3A_403 = arith.index_cast %mul3A_344 : i32 to index
        %get3A_404 = tpu.vector_load %arg14[%get3A_402, %get3A_403] {strides = array<i32>} : memref<64x128xf32, #tpu.memory_space<vmem>>, vector<1x16xf32>,
        %get3A_405 = vector.shape_cast %get3A_404 : vector<1x16xf32> to vector<16xf32>
        %get3A_406 = arith.constant 37 : i32
        %get3A_407 = arith.index_cast %get3A_406 : i32 to index
        %get3A_408 = arith.index_cast %mul3A_344 : i32 to index
        %get3A_409 = tpu.vector_load %arg14[%get3A_407, %get3A_408] {strides = array<i32>} : memref<64x128xf32, #tpu.memory_space<vmem>>, vector<1x16xf32>,
        %get3A_410 = vector.shape_cast %get3A_409 : vector<1x16xf32> to vector<16xf32>
        %sub3A_411 = arith.subf %get3A_405, %get3A_410 : vector<16xf32>
        %max3A_412 = arith.maximumf %max3A_400, %sub3A_411 : vector<16xf32>
        %get3A_413 = arith.constant 6 : i32
        %get3A_414 = arith.index_cast %get3A_413 : i32 to index
        %get3A_415 = arith.index_cast %mul3A_344 : i32 to index
        %get3A_416 = tpu.vector_load %arg14[%get3A_414, %get3A_415] {strides = array<i32>} : memref<64x128xf32, #tpu.memory_space<vmem>>, vector<1x16xf32>,
        %get3A_417 = vector.shape_cast %get3A_416 : vector<1x16xf32> to vector<16xf32>
        %get3A_418 = arith.constant 38 : i32
        %get3A_419 = arith.index_cast %get3A_418 : i32 to index
        %get3A_420 = arith.index_cast %mul3A_344 : i32 to index
        %get3A_421 = tpu.vector_load %arg14[%get3A_419, %get3A_420] {strides = array<i32>} : memref<64x128xf32, #tpu.memory_space<vmem>>, vector<1x16xf32>,
        %get3A_422 = vector.shape_cast %get3A_421 : vector<1x16xf32> to vector<16xf32>
        %sub3A_423 = arith.subf %get3A_417, %get3A_422 : vector<16xf32>
        %max3A_424 = arith.maximumf %max3A_412, %sub3A_423 : vector<16xf32>
        %get3A_425 = arith.constant 7 : i32
        %get3A_426 = arith.index_cast %get3A_425 : i32 to index
        %get3A_427 = arith.index_cast %mul3A_344 : i32 to index
        %get3A_428 = tpu.vector_load %arg14[%get3A_426, %get3A_427] {strides = array<i32>} : memref<64x128xf32, #tpu.memory_space<vmem>>, vector<1x16xf32>,
        %get3A_429 = vector.shape_cast %get3A_428 : vector<1x16xf32> to vector<16xf32>
        %get3A_430 = arith.constant 39 : i32
        %get3A_431 = arith.index_cast %get3A_430 : i32 to index
        %get3A_432 = arith.index_cast %mul3A_344 : i32 to index
        %get3A_433 = tpu.vector_load %arg14[%get3A_431, %get3A_432] {strides = array<i32>} : memref<64x128xf32, #tpu.memory_space<vmem>>, vector<1x16xf32>,
        %get3A_434 = vector.shape_cast %get3A_433 : vector<1x16xf32> to vector<16xf32>
        %sub3A_435 = arith.subf %get3A_429, %get3A_434 : vector<16xf32>
        %max3A_436 = arith.maximumf %max3A_424, %sub3A_435 : vector<16xf32>
        %get3A_437 = arith.constant 8 : i32
        %get3A_438 = arith.index_cast %get3A_437 : i32 to index
        %get3A_439 = arith.index_cast %mul3A_344 : i32 to index
        %get3A_440 = tpu.vector_load %arg14[%get3A_438, %get3A_439] {strides = array<i32>} : memref<64x128xf32, #tpu.memory_space<vmem>>, vector<1x16xf32>,
        %get3A_441 = vector.shape_cast %get3A_440 : vector<1x16xf32> to vector<16xf32>
        %get3A_442 = arith.constant 40 : i32
        %get3A_443 = arith.index_cast %get3A_442 : i32 to index
        %get3A_444 = arith.index_cast %mul3A_344 : i32 to index
        %get3A_445 = tpu.vector_load %arg14[%get3A_443, %get3A_444] {strides = array<i32>} : memref<64x128xf32, #tpu.memory_space<vmem>>, vector<1x16xf32>,
        %get3A_446 = vector.shape_cast %get3A_445 : vector<1x16xf32> to vector<16xf32>
        %sub3A_447 = arith.subf %get3A_441, %get3A_446 : vector<16xf32>
        %max3A_448 = arith.maximumf %max3A_436, %sub3A_447 : vector<16xf32>
        %get3A_449 = arith.constant 9 : i32
        %get3A_450 = arith.index_cast %get3A_449 : i32 to index
        %get3A_451 = arith.index_cast %mul3A_344 : i32 to index
        %get3A_452 = tpu.vector_load %arg14[%get3A_450, %get3A_451] {strides = array<i32>} : memref<64x128xf32, #tpu.memory_space<vmem>>, vector<1x16xf32>,
        %get3A_453 = vector.shape_cast %get3A_452 : vector<1x16xf32> to vector<16xf32>
        %get3A_454 = arith.constant 41 : i32
        %get3A_455 = arith.index_cast %get3A_454 : i32 to index
        %get3A_456 = arith.index_cast %mul3A_344 : i32 to index
        %get3A_457 = tpu.vector_load %arg14[%get3A_455, %get3A_456] {strides = array<i32>} : memref<64x128xf32, #tpu.memory_space<vmem>>, vector<1x16xf32>,
        %get3A_458 = vector.shape_cast %get3A_457 : vector<1x16xf32> to vector<16xf32>
        %sub3A_459 = arith.subf %get3A_453, %get3A_458 : vector<16xf32>
        %max3A_460 = arith.maximumf %max3A_448, %sub3A_459 : vector<16xf32>
        %get3A_461 = arith.constant 10 : i32
        %get3A_462 = arith.index_cast %get3A_461 : i32 to index
        %get3A_463 = arith.index_cast %mul3A_344 : i32 to index
        %get3A_464 = tpu.vector_load %arg14[%get3A_462, %get3A_463] {strides = array<i32>} : memref<64x128xf32, #tpu.memory_space<vmem>>, vector<1x16xf32>,
        %get3A_465 = vector.shape_cast %get3A_464 : vector<1x16xf32> to vector<16xf32>
        %get3A_466 = arith.constant 42 : i32
        %get3A_467 = arith.index_cast %get3A_466 : i32 to index
        %get3A_468 = arith.index_cast %mul3A_344 : i32 to index
        %get3A_469 = tpu.vector_load %arg14[%get3A_467, %get3A_468] {strides = array<i32>} : memref<64x128xf32, #tpu.memory_space<vmem>>, vector<1x16xf32>,
        %get3A_470 = vector.shape_cast %get3A_469 : vector<1x16xf32> to vector<16xf32>
        %sub3A_471 = arith.subf %get3A_465, %get3A_470 : vector<16xf32>
        %max3A_472 = arith.maximumf %max3A_460, %sub3A_471 : vector<16xf32>
        %get3A_473 = arith.constant 11 : i32
        %get3A_474 = arith.index_cast %get3A_473 : i32 to index
        %get3A_475 = arith.index_cast %mul3A_344 : i32 to index
        %get3A_476 = tpu.vector_load %arg14[%get3A_474, %get3A_475] {strides = array<i32>} : memref<64x128xf32, #tpu.memory_space<vmem>>, vector<1x16xf32>,
        %get3A_477 = vector.shape_cast %get3A_476 : vector<1x16xf32> to vector<16xf32>
        %get3A_478 = arith.constant 43 : i32
        %get3A_479 = arith.index_cast %get3A_478 : i32 to index
        %get3A_480 = arith.index_cast %mul3A_344 : i32 to index
        %get3A_481 = tpu.vector_load %arg14[%get3A_479, %get3A_480] {strides = array<i32>} : memref<64x128xf32, #tpu.memory_space<vmem>>, vector<1x16xf32>,
        %get3A_482 = vector.shape_cast %get3A_481 : vector<1x16xf32> to vector<16xf32>
        %sub3A_483 = arith.subf %get3A_477, %get3A_482 : vector<16xf32>
        %max3A_484 = arith.maximumf %max3A_472, %sub3A_483 : vector<16xf32>
        %get3A_485 = arith.constant 12 : i32
        %get3A_486 = arith.index_cast %get3A_485 : i32 to index
        %get3A_487 = arith.index_cast %mul3A_344 : i32 to index
        %get3A_488 = tpu.vector_load %arg14[%get3A_486, %get3A_487] {strides = array<i32>} : memref<64x128xf32, #tpu.memory_space<vmem>>, vector<1x16xf32>,
        %get3A_489 = vector.shape_cast %get3A_488 : vector<1x16xf32> to vector<16xf32>
        %get3A_490 = arith.constant 44 : i32
        %get3A_491 = arith.index_cast %get3A_490 : i32 to index
        %get3A_492 = arith.index_cast %mul3A_344 : i32 to index
        %get3A_493 = tpu.vector_load %arg14[%get3A_491, %get3A_492] {strides = array<i32>} : memref<64x128xf32, #tpu.memory_space<vmem>>, vector<1x16xf32>,
        %get3A_494 = vector.shape_cast %get3A_493 : vector<1x16xf32> to vector<16xf32>
        %sub3A_495 = arith.subf %get3A_489, %get3A_494 : vector<16xf32>
        %max3A_496 = arith.maximumf %max3A_484, %sub3A_495 : vector<16xf32>
        %get3A_497 = arith.constant 13 : i32
        %get3A_498 = arith.index_cast %get3A_497 : i32 to index
        %get3A_499 = arith.index_cast %mul3A_344 : i32 to index
        %get3A_500 = tpu.vector_load %arg14[%get3A_498, %get3A_499] {strides = array<i32>} : memref<64x128xf32, #tpu.memory_space<vmem>>, vector<1x16xf32>,
        %get3A_501 = vector.shape_cast %get3A_500 : vector<1x16xf32> to vector<16xf32>
        %get3A_502 = arith.constant 45 : i32
        %get3A_503 = arith.index_cast %get3A_502 : i32 to index
        %get3A_504 = arith.index_cast %mul3A_344 : i32 to index
        %get3A_505 = tpu.vector_load %arg14[%get3A_503, %get3A_504] {strides = array<i32>} : memref<64x128xf32, #tpu.memory_space<vmem>>, vector<1x16xf32>,
        %get3A_506 = vector.shape_cast %get3A_505 : vector<1x16xf32> to vector<16xf32>
        %sub3A_507 = arith.subf %get3A_501, %get3A_506 : vector<16xf32>
        %max3A_508 = arith.maximumf %max3A_496, %sub3A_507 : vector<16xf32>
        %get3A_509 = arith.constant 14 : i32
        %get3A_510 = arith.index_cast %get3A_509 : i32 to index
        %get3A_511 = arith.index_cast %mul3A_344 : i32 to index
        %get3A_512 = tpu.vector_load %arg14[%get3A_510, %get3A_511] {strides = array<i32>} : memref<64x128xf32, #tpu.memory_space<vmem>>, vector<1x16xf32>,
        %get3A_513 = vector.shape_cast %get3A_512 : vector<1x16xf32> to vector<16xf32>
        %get3A_514 = arith.constant 46 : i32
        %get3A_515 = arith.index_cast %get3A_514 : i32 to index
        %get3A_516 = arith.index_cast %mul3A_344 : i32 to index
        %get3A_517 = tpu.vector_load %arg14[%get3A_515, %get3A_516] {strides = array<i32>} : memref<64x128xf32, #tpu.memory_space<vmem>>, vector<1x16xf32>,
        %get3A_518 = vector.shape_cast %get3A_517 : vector<1x16xf32> to vector<16xf32>
        %sub3A_519 = arith.subf %get3A_513, %get3A_518 : vector<16xf32>
        %max3A_520 = arith.maximumf %max3A_508, %sub3A_519 : vector<16xf32>
        %get3A_521 = arith.constant 15 : i32
        %get3A_522 = arith.index_cast %get3A_521 : i32 to index
        %get3A_523 = arith.index_cast %mul3A_344 : i32 to index
        %get3A_524 = tpu.vector_load %arg14[%get3A_522, %get3A_523] {strides = array<i32>} : memref<64x128xf32, #tpu.memory_space<vmem>>, vector<1x16xf32>,
        %get3A_525 = vector.shape_cast %get3A_524 : vector<1x16xf32> to vector<16xf32>
        %get3A_526 = arith.constant 47 : i32
        %get3A_527 = arith.index_cast %get3A_526 : i32 to index
        %get3A_528 = arith.index_cast %mul3A_344 : i32 to index
        %get3A_529 = tpu.vector_load %arg14[%get3A_527, %get3A_528] {strides = array<i32>} : memref<64x128xf32, #tpu.memory_space<vmem>>, vector<1x16xf32>,
        %get3A_530 = vector.shape_cast %get3A_529 : vector<1x16xf32> to vector<16xf32>
        %sub3A_531 = arith.subf %get3A_525, %get3A_530 : vector<16xf32>
        %max3A_532 = arith.maximumf %max3A_520, %sub3A_531 : vector<16xf32>
        %get3A_533 = arith.constant 16 : i32
        %get3A_534 = arith.index_cast %get3A_533 : i32 to index
        %get3A_535 = arith.index_cast %mul3A_344 : i32 to index
        %get3A_536 = tpu.vector_load %arg14[%get3A_534, %get3A_535] {strides = array<i32>} : memref<64x128xf32, #tpu.memory_space<vmem>>, vector<1x16xf32>,
        %get3A_537 = vector.shape_cast %get3A_536 : vector<1x16xf32> to vector<16xf32>
        %get3A_538 = arith.constant 48 : i32
        %get3A_539 = arith.index_cast %get3A_538 : i32 to index
        %get3A_540 = arith.index_cast %mul3A_344 : i32 to index
        %get3A_541 = tpu.vector_load %arg14[%get3A_539, %get3A_540] {strides = array<i32>} : memref<64x128xf32, #tpu.memory_space<vmem>>, vector<1x16xf32>,
        %get3A_542 = vector.shape_cast %get3A_541 : vector<1x16xf32> to vector<16xf32>
        %sub3A_543 = arith.subf %get3A_537, %get3A_542 : vector<16xf32>
        %max3A_544 = arith.maximumf %max3A_532, %sub3A_543 : vector<16xf32>
        %get3A_545 = arith.constant 17 : i32
        %get3A_546 = arith.index_cast %get3A_545 : i32 to index
        %get3A_547 = arith.index_cast %mul3A_344 : i32 to index
        %get3A_548 = tpu.vector_load %arg14[%get3A_546, %get3A_547] {strides = array<i32>} : memref<64x128xf32, #tpu.memory_space<vmem>>, vector<1x16xf32>,
        %get3A_549 = vector.shape_cast %get3A_548 : vector<1x16xf32> to vector<16xf32>
        %get3A_550 = arith.constant 49 : i32
        %get3A_551 = arith.index_cast %get3A_550 : i32 to index
        %get3A_552 = arith.index_cast %mul3A_344 : i32 to index
        %get3A_553 = tpu.vector_load %arg14[%get3A_551, %get3A_552] {strides = array<i32>} : memref<64x128xf32, #tpu.memory_space<vmem>>, vector<1x16xf32>,
        %get3A_554 = vector.shape_cast %get3A_553 : vector<1x16xf32> to vector<16xf32>
        %sub3A_555 = arith.subf %get3A_549, %get3A_554 : vector<16xf32>
        %max3A_556 = arith.maximumf %max3A_544, %sub3A_555 : vector<16xf32>
        %get3A_557 = arith.constant 18 : i32
        %get3A_558 = arith.index_cast %get3A_557 : i32 to index
        %get3A_559 = arith.index_cast %mul3A_344 : i32 to index
        %get3A_560 = tpu.vector_load %arg14[%get3A_558, %get3A_559] {strides = array<i32>} : memref<64x128xf32, #tpu.memory_space<vmem>>, vector<1x16xf32>,
        %get3A_561 = vector.shape_cast %get3A_560 : vector<1x16xf32> to vector<16xf32>
        %get3A_562 = arith.constant 50 : i32
        %get3A_563 = arith.index_cast %get3A_562 : i32 to index
        %get3A_564 = arith.index_cast %mul3A_344 : i32 to index
        %get3A_565 = tpu.vector_load %arg14[%get3A_563, %get3A_564] {strides = array<i32>} : memref<64x128xf32, #tpu.memory_space<vmem>>, vector<1x16xf32>,
        %get3A_566 = vector.shape_cast %get3A_565 : vector<1x16xf32> to vector<16xf32>
        %sub3A_567 = arith.subf %get3A_561, %get3A_566 : vector<16xf32>
        %max3A_568 = arith.maximumf %max3A_556, %sub3A_567 : vector<16xf32>
        %get3A_569 = arith.constant 19 : i32
        %get3A_570 = arith.index_cast %get3A_569 : i32 to index
        %get3A_571 = arith.index_cast %mul3A_344 : i32 to index
        %get3A_572 = tpu.vector_load %arg14[%get3A_570, %get3A_571] {strides = array<i32>} : memref<64x128xf32, #tpu.memory_space<vmem>>, vector<1x16xf32>,
        %get3A_573 = vector.shape_cast %get3A_572 : vector<1x16xf32> to vector<16xf32>
        %get3A_574 = arith.constant 51 : i32
        %get3A_575 = arith.index_cast %get3A_574 : i32 to index
        %get3A_576 = arith.index_cast %mul3A_344 : i32 to index
        %get3A_577 = tpu.vector_load %arg14[%get3A_575, %get3A_576] {strides = array<i32>} : memref<64x128xf32, #tpu.memory_space<vmem>>, vector<1x16xf32>,
        %get3A_578 = vector.shape_cast %get3A_577 : vector<1x16xf32> to vector<16xf32>
        %sub3A_579 = arith.subf %get3A_573, %get3A_578 : vector<16xf32>
        %max3A_580 = arith.maximumf %max3A_568, %sub3A_579 : vector<16xf32>
        %get3A_581 = arith.constant 20 : i32
        %get3A_582 = arith.index_cast %get3A_581 : i32 to index
        %get3A_583 = arith.index_cast %mul3A_344 : i32 to index
        %get3A_584 = tpu.vector_load %arg14[%get3A_582, %get3A_583] {strides = array<i32>} : memref<64x128xf32, #tpu.memory_space<vmem>>, vector<1x16xf32>,
        %get3A_585 = vector.shape_cast %get3A_584 : vector<1x16xf32> to vector<16xf32>
        %get3A_586 = arith.constant 52 : i32
        %get3A_587 = arith.index_cast %get3A_586 : i32 to index
        %get3A_588 = arith.index_cast %mul3A_344 : i32 to index
        %get3A_589 = tpu.vector_load %arg14[%get3A_587, %get3A_588] {strides = array<i32>} : memref<64x128xf32, #tpu.memory_space<vmem>>, vector<1x16xf32>,
        %get3A_590 = vector.shape_cast %get3A_589 : vector<1x16xf32> to vector<16xf32>
        %sub3A_591 = arith.subf %get3A_585, %get3A_590 : vector<16xf32>
        %max3A_592 = arith.maximumf %max3A_580, %sub3A_591 : vector<16xf32>
        %get3A_593 = arith.constant 21 : i32
        %get3A_594 = arith.index_cast %get3A_593 : i32 to index
        %get3A_595 = arith.index_cast %mul3A_344 : i32 to index
        %get3A_596 = tpu.vector_load %arg14[%get3A_594, %get3A_595] {strides = array<i32>} : memref<64x128xf32, #tpu.memory_space<vmem>>, vector<1x16xf32>,
        %get3A_597 = vector.shape_cast %get3A_596 : vector<1x16xf32> to vector<16xf32>
        %get3A_598 = arith.constant 53 : i32
        %get3A_599 = arith.index_cast %get3A_598 : i32 to index
        %get3A_600 = arith.index_cast %mul3A_344 : i32 to index
        %get3A_601 = tpu.vector_load %arg14[%get3A_599, %get3A_600] {strides = array<i32>} : memref<64x128xf32, #tpu.memory_space<vmem>>, vector<1x16xf32>,
        %get3A_602 = vector.shape_cast %get3A_601 : vector<1x16xf32> to vector<16xf32>
        %sub3A_603 = arith.subf %get3A_597, %get3A_602 : vector<16xf32>
        %max3A_604 = arith.maximumf %max3A_592, %sub3A_603 : vector<16xf32>
        %get3A_605 = arith.constant 22 : i32
        %get3A_606 = arith.index_cast %get3A_605 : i32 to index
        %get3A_607 = arith.index_cast %mul3A_344 : i32 to index
        %get3A_608 = tpu.vector_load %arg14[%get3A_606, %get3A_607] {strides = array<i32>} : memref<64x128xf32, #tpu.memory_space<vmem>>, vector<1x16xf32>,
        %get3A_609 = vector.shape_cast %get3A_608 : vector<1x16xf32> to vector<16xf32>
        %get3A_610 = arith.constant 54 : i32
        %get3A_611 = arith.index_cast %get3A_610 : i32 to index
        %get3A_612 = arith.index_cast %mul3A_344 : i32 to index
        %get3A_613 = tpu.vector_load %arg14[%get3A_611, %get3A_612] {strides = array<i32>} : memref<64x128xf32, #tpu.memory_space<vmem>>, vector<1x16xf32>,
        %get3A_614 = vector.shape_cast %get3A_613 : vector<1x16xf32> to vector<16xf32>
        %sub3A_615 = arith.subf %get3A_609, %get3A_614 : vector<16xf32>
        %max3A_616 = arith.maximumf %max3A_604, %sub3A_615 : vector<16xf32>
        %get3A_617 = arith.constant 23 : i32
        %get3A_618 = arith.index_cast %get3A_617 : i32 to index
        %get3A_619 = arith.index_cast %mul3A_344 : i32 to index
        %get3A_620 = tpu.vector_load %arg14[%get3A_618, %get3A_619] {strides = array<i32>} : memref<64x128xf32, #tpu.memory_space<vmem>>, vector<1x16xf32>,
        %get3A_621 = vector.shape_cast %get3A_620 : vector<1x16xf32> to vector<16xf32>
        %get3A_622 = arith.constant 55 : i32
        %get3A_623 = arith.index_cast %get3A_622 : i32 to index
        %get3A_624 = arith.index_cast %mul3A_344 : i32 to index
        %get3A_625 = tpu.vector_load %arg14[%get3A_623, %get3A_624] {strides = array<i32>} : memref<64x128xf32, #tpu.memory_space<vmem>>, vector<1x16xf32>,
        %get3A_626 = vector.shape_cast %get3A_625 : vector<1x16xf32> to vector<16xf32>
        %sub3A_627 = arith.subf %get3A_621, %get3A_626 : vector<16xf32>
        %max3A_628 = arith.maximumf %max3A_616, %sub3A_627 : vector<16xf32>
        %get3A_629 = arith.constant 24 : i32
        %get3A_630 = arith.index_cast %get3A_629 : i32 to index
        %get3A_631 = arith.index_cast %mul3A_344 : i32 to index
        %get3A_632 = tpu.vector_load %arg14[%get3A_630, %get3A_631] {strides = array<i32>} : memref<64x128xf32, #tpu.memory_space<vmem>>, vector<1x16xf32>,
        %get3A_633 = vector.shape_cast %get3A_632 : vector<1x16xf32> to vector<16xf32>
        %get3A_634 = arith.constant 56 : i32
        %get3A_635 = arith.index_cast %get3A_634 : i32 to index
        %get3A_636 = arith.index_cast %mul3A_344 : i32 to index
        %get3A_637 = tpu.vector_load %arg14[%get3A_635, %get3A_636] {strides = array<i32>} : memref<64x128xf32, #tpu.memory_space<vmem>>, vector<1x16xf32>,
        %get3A_638 = vector.shape_cast %get3A_637 : vector<1x16xf32> to vector<16xf32>
        %sub3A_639 = arith.subf %get3A_633, %get3A_638 : vector<16xf32>
        %max3A_640 = arith.maximumf %max3A_628, %sub3A_639 : vector<16xf32>
        %get3A_641 = arith.constant 25 : i32
        %get3A_642 = arith.index_cast %get3A_641 : i32 to index
        %get3A_643 = arith.index_cast %mul3A_344 : i32 to index
        %get3A_644 = tpu.vector_load %arg14[%get3A_642, %get3A_643] {strides = array<i32>} : memref<64x128xf32, #tpu.memory_space<vmem>>, vector<1x16xf32>,
        %get3A_645 = vector.shape_cast %get3A_644 : vector<1x16xf32> to vector<16xf32>
        %get3A_646 = arith.constant 57 : i32
        %get3A_647 = arith.index_cast %get3A_646 : i32 to index
        %get3A_648 = arith.index_cast %mul3A_344 : i32 to index
        %get3A_649 = tpu.vector_load %arg14[%get3A_647, %get3A_648] {strides = array<i32>} : memref<64x128xf32, #tpu.memory_space<vmem>>, vector<1x16xf32>,
        %get3A_650 = vector.shape_cast %get3A_649 : vector<1x16xf32> to vector<16xf32>
        %sub3A_651 = arith.subf %get3A_645, %get3A_650 : vector<16xf32>
        %max3A_652 = arith.maximumf %max3A_640, %sub3A_651 : vector<16xf32>
        %get3A_653 = arith.constant 26 : i32
        %get3A_654 = arith.index_cast %get3A_653 : i32 to index
        %get3A_655 = arith.index_cast %mul3A_344 : i32 to index
        %get3A_656 = tpu.vector_load %arg14[%get3A_654, %get3A_655] {strides = array<i32>} : memref<64x128xf32, #tpu.memory_space<vmem>>, vector<1x16xf32>,
        %get3A_657 = vector.shape_cast %get3A_656 : vector<1x16xf32> to vector<16xf32>
        %get3A_658 = arith.constant 58 : i32
        %get3A_659 = arith.index_cast %get3A_658 : i32 to index
        %get3A_660 = arith.index_cast %mul3A_344 : i32 to index
        %get3A_661 = tpu.vector_load %arg14[%get3A_659, %get3A_660] {strides = array<i32>} : memref<64x128xf32, #tpu.memory_space<vmem>>, vector<1x16xf32>,
        %get3A_662 = vector.shape_cast %get3A_661 : vector<1x16xf32> to vector<16xf32>
        %sub3A_663 = arith.subf %get3A_657, %get3A_662 : vector<16xf32>
        %max3A_664 = arith.maximumf %max3A_652, %sub3A_663 : vector<16xf32>
        %get3A_665 = arith.constant 27 : i32
        %get3A_666 = arith.index_cast %get3A_665 : i32 to index
        %get3A_667 = arith.index_cast %mul3A_344 : i32 to index
        %get3A_668 = tpu.vector_load %arg14[%get3A_666, %get3A_667] {strides = array<i32>} : memref<64x128xf32, #tpu.memory_space<vmem>>, vector<1x16xf32>,
        %get3A_669 = vector.shape_cast %get3A_668 : vector<1x16xf32> to vector<16xf32>
        %get3A_670 = arith.constant 59 : i32
        %get3A_671 = arith.index_cast %get3A_670 : i32 to index
        %get3A_672 = arith.index_cast %mul3A_344 : i32 to index
        %get3A_673 = tpu.vector_load %arg14[%get3A_671, %get3A_672] {strides = array<i32>} : memref<64x128xf32, #tpu.memory_space<vmem>>, vector<1x16xf32>,
        %get3A_674 = vector.shape_cast %get3A_673 : vector<1x16xf32> to vector<16xf32>
        %sub3A_675 = arith.subf %get3A_669, %get3A_674 : vector<16xf32>
        %max3A_676 = arith.maximumf %max3A_664, %sub3A_675 : vector<16xf32>
        %get3A_677 = arith.constant 28 : i32
        %get3A_678 = arith.index_cast %get3A_677 : i32 to index
        %get3A_679 = arith.index_cast %mul3A_344 : i32 to index
        %get3A_680 = tpu.vector_load %arg14[%get3A_678, %get3A_679] {strides = array<i32>} : memref<64x128xf32, #tpu.memory_space<vmem>>, vector<1x16xf32>,
        %get3A_681 = vector.shape_cast %get3A_680 : vector<1x16xf32> to vector<16xf32>
        %get3A_682 = arith.constant 60 : i32
        %get3A_683 = arith.index_cast %get3A_682 : i32 to index
        %get3A_684 = arith.index_cast %mul3A_344 : i32 to index
        %get3A_685 = tpu.vector_load %arg14[%get3A_683, %get3A_684] {strides = array<i32>} : memref<64x128xf32, #tpu.memory_space<vmem>>, vector<1x16xf32>,
        %get3A_686 = vector.shape_cast %get3A_685 : vector<1x16xf32> to vector<16xf32>
        %sub3A_687 = arith.subf %get3A_681, %get3A_686 : vector<16xf32>
        %max3A_688 = arith.maximumf %max3A_676, %sub3A_687 : vector<16xf32>
        %get3A_689 = arith.constant 29 : i32
        %get3A_690 = arith.index_cast %get3A_689 : i32 to index
        %get3A_691 = arith.index_cast %mul3A_344 : i32 to index
        %get3A_692 = tpu.vector_load %arg14[%get3A_690, %get3A_691] {strides = array<i32>} : memref<64x128xf32, #tpu.memory_space<vmem>>, vector<1x16xf32>,
        %get3A_693 = vector.shape_cast %get3A_692 : vector<1x16xf32> to vector<16xf32>
        %get3A_694 = arith.constant 61 : i32
        %get3A_695 = arith.index_cast %get3A_694 : i32 to index
        %get3A_696 = arith.index_cast %mul3A_344 : i32 to index
        %get3A_697 = tpu.vector_load %arg14[%get3A_695, %get3A_696] {strides = array<i32>} : memref<64x128xf32, #tpu.memory_space<vmem>>, vector<1x16xf32>,
        %get3A_698 = vector.shape_cast %get3A_697 : vector<1x16xf32> to vector<16xf32>
        %sub3A_699 = arith.subf %get3A_693, %get3A_698 : vector<16xf32>
        %max3A_700 = arith.maximumf %max3A_688, %sub3A_699 : vector<16xf32>
        %get3A_701 = arith.constant 30 : i32
        %get3A_702 = arith.index_cast %get3A_701 : i32 to index
        %get3A_703 = arith.index_cast %mul3A_344 : i32 to index
        %get3A_704 = tpu.vector_load %arg14[%get3A_702, %get3A_703] {strides = array<i32>} : memref<64x128xf32, #tpu.memory_space<vmem>>, vector<1x16xf32>,
        %get3A_705 = vector.shape_cast %get3A_704 : vector<1x16xf32> to vector<16xf32>
        %get3A_706 = arith.constant 62 : i32
        %get3A_707 = arith.index_cast %get3A_706 : i32 to index
        %get3A_708 = arith.index_cast %mul3A_344 : i32 to index
        %get3A_709 = tpu.vector_load %arg14[%get3A_707, %get3A_708] {strides = array<i32>} : memref<64x128xf32, #tpu.memory_space<vmem>>, vector<1x16xf32>,
        %get3A_710 = vector.shape_cast %get3A_709 : vector<1x16xf32> to vector<16xf32>
        %sub3A_711 = arith.subf %get3A_705, %get3A_710 : vector<16xf32>
        %max3A_712 = arith.maximumf %max3A_700, %sub3A_711 : vector<16xf32>
        %get3A_713 = arith.constant 31 : i32
        %get3A_714 = arith.index_cast %get3A_713 : i32 to index
        %get3A_715 = arith.index_cast %mul3A_344 : i32 to index
        %get3A_716 = tpu.vector_load %arg14[%get3A_714, %get3A_715] {strides = array<i32>} : memref<64x128xf32, #tpu.memory_space<vmem>>, vector<1x16xf32>,
        %get3A_717 = vector.shape_cast %get3A_716 : vector<1x16xf32> to vector<16xf32>
        %get3A_718 = arith.constant 63 : i32
        %get3A_719 = arith.index_cast %get3A_718 : i32 to index
        %get3A_720 = arith.index_cast %mul3A_344 : i32 to index
        %get3A_721 = tpu.vector_load %arg14[%get3A_719, %get3A_720] {strides = array<i32>} : memref<64x128xf32, #tpu.memory_space<vmem>>, vector<1x16xf32>,
        %get3A_722 = vector.shape_cast %get3A_721 : vector<1x16xf32> to vector<16xf32>
        %sub3A_723 = arith.subf %get3A_717, %get3A_722 : vector<16xf32>
        %max3A_724 = arith.maximumf %max3A_712, %sub3A_723 : vector<16xf32>
        %swap3A = arith.index_cast %mul3A_344 : i32 to index
        %swap3A_725 = tpu.vector_load %arg19[%swap3A] {strides = array<i32>} : memref<128xf32, #tpu.memory_space<vmem>>, vector<16xf32>,
        %swap3A_726 = vector.shape_cast %swap3A_725 : vector<16xf32> to vector<16xf32>
        %swap3A_727 = vector.shape_cast %max3A_724 : vector<16xf32> to vector<16xf32>
        tpu.vector_store %arg19[%swap3A], %swap3A_727 {strides = array<i32>} : memref<128xf32, #tpu.memory_space<vmem>>, vector<16xf32>,
      }
      %scan3A_282 = arith.constant 8 : i32
      %add3A_283 = arith.addi %mul3A_2, %add3A_261 : i32
      %mul3A_284 = arith.constant 128 : i32
      %mul3A_285 = arith.muli %add3A_283, %mul3A_284 : i32
      %dma_start3A_286 = tpu.memref_slice %arg4[%mul3A_285] : memref<1310720xf32, #tpu.memory_space<hbm>> -> memref<128xf32, #tpu.memory_space<hbm>>
      %dma_start3A_287 = tpu.memref_slice %arg4[%mul3A_285] : memref<1310720xf32, #tpu.memory_space<hbm>> -> memref<128xf32, #tpu.memory_space<hbm>>
      tpu.enqueue_dma source(%arg19 : memref<128xf32, #tpu.memory_space<vmem>>) target(%dma_start3A_287 : memref<128xf32, #tpu.memory_space<hbm>>) target_semaphore(%arg34 : memref<!tpu.dma_semaphore, #tpu.memory_space<semaphore_mem>>)
      %add3A_288 = arith.constant 5 : i32
      %add3A_289 = arith.addi %add3A_261, %add3A_288 : i32
      %add3A_290 = arith.addi %mul3A_2, %add3A_289 : i32
      %mul3A_291 = arith.constant 64 : i32
      %mul3A_292 = arith.muli %add3A_290, %mul3A_291 : i32
      %dma_wait3A_293 = tpu.memref_slice %arg3[%mul3A_292] : memref<656384xi32, #tpu.memory_space<hbm>> -> memref<64xi32, #tpu.memory_space<hbm>>
      %dma_wait3A_294 = tpu.memref_slice %arg3[%mul3A_292] : memref<656384xi32, #tpu.memory_space<hbm>> -> memref<64xi32, #tpu.memory_space<hbm>>
      tpu.wait_dma2 semaphore(%arg24 : memref<!tpu.dma_semaphore, #tpu.memory_space<semaphore_mem>>) src(%dma_wait3A_294 : memref<64xi32, #tpu.memory_space<hbm>>) dst(%arg9 : memref<64xi32, #tpu.memory_space<vmem>>)
      %add3A_295 = arith.constant 5 : i32
      %add3A_296 = arith.addi %add3A_261, %add3A_295 : i32
      %dma_start3A_297 = arith.constant 0 : i32
      %dma_start3A_298 = arith.constant 0 : i32
      %dma_start3A_299 = tpu.memref_slice %arg5[%dma_start3A_297, %dma_start3A_298] : memref<10000x128xf32, #tpu.memory_space<vmem_shared>> -> memref<10000x128xf32, #tpu.memory_space<vmem_shared>>
      tpu.enqueue_indirect_dma source(%dma_start3A_299 : memref<10000x128xf32, #tpu.memory_space<vmem_shared>>) target(%arg14 : memref<64x128xf32, #tpu.memory_space<vmem>>) offsets(%arg9 : memref<64xi32, #tpu.memory_space<vmem>>) semaphore(%arg29 : memref<!tpu.dma_semaphore, #tpu.memory_space<semaphore_mem>>)
      %mul3A_300 = arith.constant 5 : i32
      %mul3A_301 = arith.muli %scan3A_132, %mul3A_300 : i32
      %add3A_302 = arith.constant 4 : i32
      %add3A_303 = arith.addi %mul3A_301, %add3A_302 : i32
      %dma_wait3A_304 = arith.constant 0 : i32
      %dma_wait3A_305 = arith.constant 0 : i32
      %dma_wait3A_306 = tpu.memref_slice %arg5[%dma_wait3A_304, %dma_wait3A_305] : memref<10000x128xf32, #tpu.memory_space<vmem_shared>> -> memref<10000x128xf32, #tpu.memory_space<vmem_shared>>
      tpu.wait_indirect_dma semaphore(%arg30 : memref<!tpu.dma_semaphore, #tpu.memory_space<semaphore_mem>>) src(%dma_wait3A_306 : memref<10000x128xf32, #tpu.memory_space<vmem_shared>>) dst(%arg15 : memref<64x128xf32, #tpu.memory_space<vmem>>)
      %add3A_307 = arith.constant 5 : i32
      %add3A_308 = arith.addi %add3A_303, %add3A_307 : i32
      %add3A_309 = arith.addi %mul3A_2, %add3A_308 : i32
      %mul3A_310 = arith.constant 64 : i32
      %mul3A_311 = arith.muli %add3A_309, %mul3A_310 : i32
      %dma_start3A_312 = tpu.memref_slice %arg3[%mul3A_311] : memref<656384xi32, #tpu.memory_space<hbm>> -> memref<64xi32, #tpu.memory_space<hbm>>
      %dma_start3A_313 = tpu.memref_slice %arg3[%mul3A_311] : memref<656384xi32, #tpu.memory_space<hbm>> -> memref<64xi32, #tpu.memory_space<hbm>>
      tpu.enqueue_dma source(%dma_start3A_313 : memref<64xi32, #tpu.memory_space<hbm>>) target(%arg10 : memref<64xi32, #tpu.memory_space<vmem>>) target_semaphore(%arg25 : memref<!tpu.dma_semaphore, #tpu.memory_space<semaphore_mem>>)
      %ge3A_314 = arith.constant 1 : i32
      %ge3A_315 = arith.cmpi sge, %scan3A_132, %ge3A_314 : i32
      %convert_element_type3A_316 = arith.extui %ge3A_315 : i1 to i32
      %cond3A_317 = arith.constant 0 : i32
      %cond3A_318 = arith.cmpi ne, %convert_element_type3A_316, %cond3A_317 : i32
      scf.if %cond3A_318 {
        %sub3A = arith.constant 5 : i32
        %sub3A_342 = arith.subi %add3A_303, %sub3A : i32
        %add3A_343 = arith.addi %mul3A_2, %sub3A_342 : i32
        %mul3A_344 = arith.constant 128 : i32
        %mul3A_345 = arith.muli %add3A_343, %mul3A_344 : i32
        %dma_wait3A_346 = tpu.memref_slice %arg4[%mul3A_345] : memref<1310720xf32, #tpu.memory_space<hbm>> -> memref<128xf32, #tpu.memory_space<hbm>>
        %dma_wait3A_347 = tpu.memref_slice %arg4[%mul3A_345] : memref<1310720xf32, #tpu.memory_space<hbm>> -> memref<128xf32, #tpu.memory_space<hbm>>
        tpu.wait_dma2 semaphore(%arg35 : memref<!tpu.dma_semaphore, #tpu.memory_space<semaphore_mem>>) src(%arg20 : memref<128xf32, #tpu.memory_space<vmem>>) dst(%dma_wait3A_347 : memref<128xf32, #tpu.memory_space<hbm>>)
      } else {
      }
      %scan3A_319 = arith.constant 0 : i32
      %scan3A_320 = arith.constant 0 : i32
      %scan3A_321 = arith.constant 8 : i32
      %scan3A_322 = arith.addi %scan3A_320, %scan3A_321 : i32
      %scan3A_323 = arith.constant 1 : i32
      scf.for %scan3A_342 = %scan3A_320 to %scan3A_322 step %scan3A_323  : i32 {
        %mul3A_343 = arith.constant 16 : i32
        %mul3A_344 = arith.muli %scan3A_342, %mul3A_343 : i32
        %get3A = arith.constant 0 : i32
        %get3A_345 = arith.index_cast %get3A : i32 to index
        %get3A_346 = arith.index_cast %mul3A_344 : i32 to index
        %get3A_347 = tpu.vector_load %arg15[%get3A_345, %get3A_346] {strides = array<i32>} : memref<64x128xf32, #tpu.memory_space<vmem>>, vector<1x16xf32>,
        %get3A_348 = vector.shape_cast %get3A_347 : vector<1x16xf32> to vector<16xf32>
        %get3A_349 = arith.constant 32 : i32
        %get3A_350 = arith.index_cast %get3A_349 : i32 to index
        %get3A_351 = arith.index_cast %mul3A_344 : i32 to index
        %get3A_352 = tpu.vector_load %arg15[%get3A_350, %get3A_351] {strides = array<i32>} : memref<64x128xf32, #tpu.memory_space<vmem>>, vector<1x16xf32>,
        %get3A_353 = vector.shape_cast %get3A_352 : vector<1x16xf32> to vector<16xf32>
        %sub3A = arith.subf %get3A_348, %get3A_353 : vector<16xf32>
        %get3A_354 = arith.constant 1 : i32
        %get3A_355 = arith.index_cast %get3A_354 : i32 to index
        %get3A_356 = arith.index_cast %mul3A_344 : i32 to index
        %get3A_357 = tpu.vector_load %arg15[%get3A_355, %get3A_356] {strides = array<i32>} : memref<64x128xf32, #tpu.memory_space<vmem>>, vector<1x16xf32>,
        %get3A_358 = vector.shape_cast %get3A_357 : vector<1x16xf32> to vector<16xf32>
        %get3A_359 = arith.constant 33 : i32
        %get3A_360 = arith.index_cast %get3A_359 : i32 to index
        %get3A_361 = arith.index_cast %mul3A_344 : i32 to index
        %get3A_362 = tpu.vector_load %arg15[%get3A_360, %get3A_361] {strides = array<i32>} : memref<64x128xf32, #tpu.memory_space<vmem>>, vector<1x16xf32>,
        %get3A_363 = vector.shape_cast %get3A_362 : vector<1x16xf32> to vector<16xf32>
        %sub3A_364 = arith.subf %get3A_358, %get3A_363 : vector<16xf32>
        %max3A = arith.maximumf %sub3A, %sub3A_364 : vector<16xf32>
        %get3A_365 = arith.constant 2 : i32
        %get3A_366 = arith.index_cast %get3A_365 : i32 to index
        %get3A_367 = arith.index_cast %mul3A_344 : i32 to index
        %get3A_368 = tpu.vector_load %arg15[%get3A_366, %get3A_367] {strides = array<i32>} : memref<64x128xf32, #tpu.memory_space<vmem>>, vector<1x16xf32>,
        %get3A_369 = vector.shape_cast %get3A_368 : vector<1x16xf32> to vector<16xf32>
        %get3A_370 = arith.constant 34 : i32
        %get3A_371 = arith.index_cast %get3A_370 : i32 to index
        %get3A_372 = arith.index_cast %mul3A_344 : i32 to index
        %get3A_373 = tpu.vector_load %arg15[%get3A_371, %get3A_372] {strides = array<i32>} : memref<64x128xf32, #tpu.memory_space<vmem>>, vector<1x16xf32>,
        %get3A_374 = vector.shape_cast %get3A_373 : vector<1x16xf32> to vector<16xf32>
        %sub3A_375 = arith.subf %get3A_369, %get3A_374 : vector<16xf32>
        %max3A_376 = arith.maximumf %max3A, %sub3A_375 : vector<16xf32>
        %get3A_377 = arith.constant 3 : i32
        %get3A_378 = arith.index_cast %get3A_377 : i32 to index
        %get3A_379 = arith.index_cast %mul3A_344 : i32 to index
        %get3A_380 = tpu.vector_load %arg15[%get3A_378, %get3A_379] {strides = array<i32>} : memref<64x128xf32, #tpu.memory_space<vmem>>, vector<1x16xf32>,
        %get3A_381 = vector.shape_cast %get3A_380 : vector<1x16xf32> to vector<16xf32>
        %get3A_382 = arith.constant 35 : i32
        %get3A_383 = arith.index_cast %get3A_382 : i32 to index
        %get3A_384 = arith.index_cast %mul3A_344 : i32 to index
        %get3A_385 = tpu.vector_load %arg15[%get3A_383, %get3A_384] {strides = array<i32>} : memref<64x128xf32, #tpu.memory_space<vmem>>, vector<1x16xf32>,
        %get3A_386 = vector.shape_cast %get3A_385 : vector<1x16xf32> to vector<16xf32>
        %sub3A_387 = arith.subf %get3A_381, %get3A_386 : vector<16xf32>
        %max3A_388 = arith.maximumf %max3A_376, %sub3A_387 : vector<16xf32>
        %get3A_389 = arith.constant 4 : i32
        %get3A_390 = arith.index_cast %get3A_389 : i32 to index
        %get3A_391 = arith.index_cast %mul3A_344 : i32 to index
        %get3A_392 = tpu.vector_load %arg15[%get3A_390, %get3A_391] {strides = array<i32>} : memref<64x128xf32, #tpu.memory_space<vmem>>, vector<1x16xf32>,
        %get3A_393 = vector.shape_cast %get3A_392 : vector<1x16xf32> to vector<16xf32>
        %get3A_394 = arith.constant 36 : i32
        %get3A_395 = arith.index_cast %get3A_394 : i32 to index
        %get3A_396 = arith.index_cast %mul3A_344 : i32 to index
        %get3A_397 = tpu.vector_load %arg15[%get3A_395, %get3A_396] {strides = array<i32>} : memref<64x128xf32, #tpu.memory_space<vmem>>, vector<1x16xf32>,
        %get3A_398 = vector.shape_cast %get3A_397 : vector<1x16xf32> to vector<16xf32>
        %sub3A_399 = arith.subf %get3A_393, %get3A_398 : vector<16xf32>
        %max3A_400 = arith.maximumf %max3A_388, %sub3A_399 : vector<16xf32>
        %get3A_401 = arith.constant 5 : i32
        %get3A_402 = arith.index_cast %get3A_401 : i32 to index
        %get3A_403 = arith.index_cast %mul3A_344 : i32 to index
        %get3A_404 = tpu.vector_load %arg15[%get3A_402, %get3A_403] {strides = array<i32>} : memref<64x128xf32, #tpu.memory_space<vmem>>, vector<1x16xf32>,
        %get3A_405 = vector.shape_cast %get3A_404 : vector<1x16xf32> to vector<16xf32>
        %get3A_406 = arith.constant 37 : i32
        %get3A_407 = arith.index_cast %get3A_406 : i32 to index
        %get3A_408 = arith.index_cast %mul3A_344 : i32 to index
        %get3A_409 = tpu.vector_load %arg15[%get3A_407, %get3A_408] {strides = array<i32>} : memref<64x128xf32, #tpu.memory_space<vmem>>, vector<1x16xf32>,
        %get3A_410 = vector.shape_cast %get3A_409 : vector<1x16xf32> to vector<16xf32>
        %sub3A_411 = arith.subf %get3A_405, %get3A_410 : vector<16xf32>
        %max3A_412 = arith.maximumf %max3A_400, %sub3A_411 : vector<16xf32>
        %get3A_413 = arith.constant 6 : i32
        %get3A_414 = arith.index_cast %get3A_413 : i32 to index
        %get3A_415 = arith.index_cast %mul3A_344 : i32 to index
        %get3A_416 = tpu.vector_load %arg15[%get3A_414, %get3A_415] {strides = array<i32>} : memref<64x128xf32, #tpu.memory_space<vmem>>, vector<1x16xf32>,
        %get3A_417 = vector.shape_cast %get3A_416 : vector<1x16xf32> to vector<16xf32>
        %get3A_418 = arith.constant 38 : i32
        %get3A_419 = arith.index_cast %get3A_418 : i32 to index
        %get3A_420 = arith.index_cast %mul3A_344 : i32 to index
        %get3A_421 = tpu.vector_load %arg15[%get3A_419, %get3A_420] {strides = array<i32>} : memref<64x128xf32, #tpu.memory_space<vmem>>, vector<1x16xf32>,
        %get3A_422 = vector.shape_cast %get3A_421 : vector<1x16xf32> to vector<16xf32>
        %sub3A_423 = arith.subf %get3A_417, %get3A_422 : vector<16xf32>
        %max3A_424 = arith.maximumf %max3A_412, %sub3A_423 : vector<16xf32>
        %get3A_425 = arith.constant 7 : i32
        %get3A_426 = arith.index_cast %get3A_425 : i32 to index
        %get3A_427 = arith.index_cast %mul3A_344 : i32 to index
        %get3A_428 = tpu.vector_load %arg15[%get3A_426, %get3A_427] {strides = array<i32>} : memref<64x128xf32, #tpu.memory_space<vmem>>, vector<1x16xf32>,
        %get3A_429 = vector.shape_cast %get3A_428 : vector<1x16xf32> to vector<16xf32>
        %get3A_430 = arith.constant 39 : i32
        %get3A_431 = arith.index_cast %get3A_430 : i32 to index
        %get3A_432 = arith.index_cast %mul3A_344 : i32 to index
        %get3A_433 = tpu.vector_load %arg15[%get3A_431, %get3A_432] {strides = array<i32>} : memref<64x128xf32, #tpu.memory_space<vmem>>, vector<1x16xf32>,
        %get3A_434 = vector.shape_cast %get3A_433 : vector<1x16xf32> to vector<16xf32>
        %sub3A_435 = arith.subf %get3A_429, %get3A_434 : vector<16xf32>
        %max3A_436 = arith.maximumf %max3A_424, %sub3A_435 : vector<16xf32>
        %get3A_437 = arith.constant 8 : i32
        %get3A_438 = arith.index_cast %get3A_437 : i32 to index
        %get3A_439 = arith.index_cast %mul3A_344 : i32 to index
        %get3A_440 = tpu.vector_load %arg15[%get3A_438, %get3A_439] {strides = array<i32>} : memref<64x128xf32, #tpu.memory_space<vmem>>, vector<1x16xf32>,
        %get3A_441 = vector.shape_cast %get3A_440 : vector<1x16xf32> to vector<16xf32>
        %get3A_442 = arith.constant 40 : i32
        %get3A_443 = arith.index_cast %get3A_442 : i32 to index
        %get3A_444 = arith.index_cast %mul3A_344 : i32 to index
        %get3A_445 = tpu.vector_load %arg15[%get3A_443, %get3A_444] {strides = array<i32>} : memref<64x128xf32, #tpu.memory_space<vmem>>, vector<1x16xf32>,
        %get3A_446 = vector.shape_cast %get3A_445 : vector<1x16xf32> to vector<16xf32>
        %sub3A_447 = arith.subf %get3A_441, %get3A_446 : vector<16xf32>
        %max3A_448 = arith.maximumf %max3A_436, %sub3A_447 : vector<16xf32>
        %get3A_449 = arith.constant 9 : i32
        %get3A_450 = arith.index_cast %get3A_449 : i32 to index
        %get3A_451 = arith.index_cast %mul3A_344 : i32 to index
        %get3A_452 = tpu.vector_load %arg15[%get3A_450, %get3A_451] {strides = array<i32>} : memref<64x128xf32, #tpu.memory_space<vmem>>, vector<1x16xf32>,
        %get3A_453 = vector.shape_cast %get3A_452 : vector<1x16xf32> to vector<16xf32>
        %get3A_454 = arith.constant 41 : i32
        %get3A_455 = arith.index_cast %get3A_454 : i32 to index
        %get3A_456 = arith.index_cast %mul3A_344 : i32 to index
        %get3A_457 = tpu.vector_load %arg15[%get3A_455, %get3A_456] {strides = array<i32>} : memref<64x128xf32, #tpu.memory_space<vmem>>, vector<1x16xf32>,
        %get3A_458 = vector.shape_cast %get3A_457 : vector<1x16xf32> to vector<16xf32>
        %sub3A_459 = arith.subf %get3A_453, %get3A_458 : vector<16xf32>
        %max3A_460 = arith.maximumf %max3A_448, %sub3A_459 : vector<16xf32>
        %get3A_461 = arith.constant 10 : i32
        %get3A_462 = arith.index_cast %get3A_461 : i32 to index
        %get3A_463 = arith.index_cast %mul3A_344 : i32 to index
        %get3A_464 = tpu.vector_load %arg15[%get3A_462, %get3A_463] {strides = array<i32>} : memref<64x128xf32, #tpu.memory_space<vmem>>, vector<1x16xf32>,
        %get3A_465 = vector.shape_cast %get3A_464 : vector<1x16xf32> to vector<16xf32>
        %get3A_466 = arith.constant 42 : i32
        %get3A_467 = arith.index_cast %get3A_466 : i32 to index
        %get3A_468 = arith.index_cast %mul3A_344 : i32 to index
        %get3A_469 = tpu.vector_load %arg15[%get3A_467, %get3A_468] {strides = array<i32>} : memref<64x128xf32, #tpu.memory_space<vmem>>, vector<1x16xf32>,
        %get3A_470 = vector.shape_cast %get3A_469 : vector<1x16xf32> to vector<16xf32>
        %sub3A_471 = arith.subf %get3A_465, %get3A_470 : vector<16xf32>
        %max3A_472 = arith.maximumf %max3A_460, %sub3A_471 : vector<16xf32>
        %get3A_473 = arith.constant 11 : i32
        %get3A_474 = arith.index_cast %get3A_473 : i32 to index
        %get3A_475 = arith.index_cast %mul3A_344 : i32 to index
        %get3A_476 = tpu.vector_load %arg15[%get3A_474, %get3A_475] {strides = array<i32>} : memref<64x128xf32, #tpu.memory_space<vmem>>, vector<1x16xf32>,
        %get3A_477 = vector.shape_cast %get3A_476 : vector<1x16xf32> to vector<16xf32>
        %get3A_478 = arith.constant 43 : i32
        %get3A_479 = arith.index_cast %get3A_478 : i32 to index
        %get3A_480 = arith.index_cast %mul3A_344 : i32 to index
        %get3A_481 = tpu.vector_load %arg15[%get3A_479, %get3A_480] {strides = array<i32>} : memref<64x128xf32, #tpu.memory_space<vmem>>, vector<1x16xf32>,
        %get3A_482 = vector.shape_cast %get3A_481 : vector<1x16xf32> to vector<16xf32>
        %sub3A_483 = arith.subf %get3A_477, %get3A_482 : vector<16xf32>
        %max3A_484 = arith.maximumf %max3A_472, %sub3A_483 : vector<16xf32>
        %get3A_485 = arith.constant 12 : i32
        %get3A_486 = arith.index_cast %get3A_485 : i32 to index
        %get3A_487 = arith.index_cast %mul3A_344 : i32 to index
        %get3A_488 = tpu.vector_load %arg15[%get3A_486, %get3A_487] {strides = array<i32>} : memref<64x128xf32, #tpu.memory_space<vmem>>, vector<1x16xf32>,
        %get3A_489 = vector.shape_cast %get3A_488 : vector<1x16xf32> to vector<16xf32>
        %get3A_490 = arith.constant 44 : i32
        %get3A_491 = arith.index_cast %get3A_490 : i32 to index
        %get3A_492 = arith.index_cast %mul3A_344 : i32 to index
        %get3A_493 = tpu.vector_load %arg15[%get3A_491, %get3A_492] {strides = array<i32>} : memref<64x128xf32, #tpu.memory_space<vmem>>, vector<1x16xf32>,
        %get3A_494 = vector.shape_cast %get3A_493 : vector<1x16xf32> to vector<16xf32>
        %sub3A_495 = arith.subf %get3A_489, %get3A_494 : vector<16xf32>
        %max3A_496 = arith.maximumf %max3A_484, %sub3A_495 : vector<16xf32>
        %get3A_497 = arith.constant 13 : i32
        %get3A_498 = arith.index_cast %get3A_497 : i32 to index
        %get3A_499 = arith.index_cast %mul3A_344 : i32 to index
        %get3A_500 = tpu.vector_load %arg15[%get3A_498, %get3A_499] {strides = array<i32>} : memref<64x128xf32, #tpu.memory_space<vmem>>, vector<1x16xf32>,
        %get3A_501 = vector.shape_cast %get3A_500 : vector<1x16xf32> to vector<16xf32>
        %get3A_502 = arith.constant 45 : i32
        %get3A_503 = arith.index_cast %get3A_502 : i32 to index
        %get3A_504 = arith.index_cast %mul3A_344 : i32 to index
        %get3A_505 = tpu.vector_load %arg15[%get3A_503, %get3A_504] {strides = array<i32>} : memref<64x128xf32, #tpu.memory_space<vmem>>, vector<1x16xf32>,
        %get3A_506 = vector.shape_cast %get3A_505 : vector<1x16xf32> to vector<16xf32>
        %sub3A_507 = arith.subf %get3A_501, %get3A_506 : vector<16xf32>
        %max3A_508 = arith.maximumf %max3A_496, %sub3A_507 : vector<16xf32>
        %get3A_509 = arith.constant 14 : i32
        %get3A_510 = arith.index_cast %get3A_509 : i32 to index
        %get3A_511 = arith.index_cast %mul3A_344 : i32 to index
        %get3A_512 = tpu.vector_load %arg15[%get3A_510, %get3A_511] {strides = array<i32>} : memref<64x128xf32, #tpu.memory_space<vmem>>, vector<1x16xf32>,
        %get3A_513 = vector.shape_cast %get3A_512 : vector<1x16xf32> to vector<16xf32>
        %get3A_514 = arith.constant 46 : i32
        %get3A_515 = arith.index_cast %get3A_514 : i32 to index
        %get3A_516 = arith.index_cast %mul3A_344 : i32 to index
        %get3A_517 = tpu.vector_load %arg15[%get3A_515, %get3A_516] {strides = array<i32>} : memref<64x128xf32, #tpu.memory_space<vmem>>, vector<1x16xf32>,
        %get3A_518 = vector.shape_cast %get3A_517 : vector<1x16xf32> to vector<16xf32>
        %sub3A_519 = arith.subf %get3A_513, %get3A_518 : vector<16xf32>
        %max3A_520 = arith.maximumf %max3A_508, %sub3A_519 : vector<16xf32>
        %get3A_521 = arith.constant 15 : i32
        %get3A_522 = arith.index_cast %get3A_521 : i32 to index
        %get3A_523 = arith.index_cast %mul3A_344 : i32 to index
        %get3A_524 = tpu.vector_load %arg15[%get3A_522, %get3A_523] {strides = array<i32>} : memref<64x128xf32, #tpu.memory_space<vmem>>, vector<1x16xf32>,
        %get3A_525 = vector.shape_cast %get3A_524 : vector<1x16xf32> to vector<16xf32>
        %get3A_526 = arith.constant 47 : i32
        %get3A_527 = arith.index_cast %get3A_526 : i32 to index
        %get3A_528 = arith.index_cast %mul3A_344 : i32 to index
        %get3A_529 = tpu.vector_load %arg15[%get3A_527, %get3A_528] {strides = array<i32>} : memref<64x128xf32, #tpu.memory_space<vmem>>, vector<1x16xf32>,
        %get3A_530 = vector.shape_cast %get3A_529 : vector<1x16xf32> to vector<16xf32>
        %sub3A_531 = arith.subf %get3A_525, %get3A_530 : vector<16xf32>
        %max3A_532 = arith.maximumf %max3A_520, %sub3A_531 : vector<16xf32>
        %get3A_533 = arith.constant 16 : i32
        %get3A_534 = arith.index_cast %get3A_533 : i32 to index
        %get3A_535 = arith.index_cast %mul3A_344 : i32 to index
        %get3A_536 = tpu.vector_load %arg15[%get3A_534, %get3A_535] {strides = array<i32>} : memref<64x128xf32, #tpu.memory_space<vmem>>, vector<1x16xf32>,
        %get3A_537 = vector.shape_cast %get3A_536 : vector<1x16xf32> to vector<16xf32>
        %get3A_538 = arith.constant 48 : i32
        %get3A_539 = arith.index_cast %get3A_538 : i32 to index
        %get3A_540 = arith.index_cast %mul3A_344 : i32 to index
        %get3A_541 = tpu.vector_load %arg15[%get3A_539, %get3A_540] {strides = array<i32>} : memref<64x128xf32, #tpu.memory_space<vmem>>, vector<1x16xf32>,
        %get3A_542 = vector.shape_cast %get3A_541 : vector<1x16xf32> to vector<16xf32>
        %sub3A_543 = arith.subf %get3A_537, %get3A_542 : vector<16xf32>
        %max3A_544 = arith.maximumf %max3A_532, %sub3A_543 : vector<16xf32>
        %get3A_545 = arith.constant 17 : i32
        %get3A_546 = arith.index_cast %get3A_545 : i32 to index
        %get3A_547 = arith.index_cast %mul3A_344 : i32 to index
        %get3A_548 = tpu.vector_load %arg15[%get3A_546, %get3A_547] {strides = array<i32>} : memref<64x128xf32, #tpu.memory_space<vmem>>, vector<1x16xf32>,
        %get3A_549 = vector.shape_cast %get3A_548 : vector<1x16xf32> to vector<16xf32>
        %get3A_550 = arith.constant 49 : i32
        %get3A_551 = arith.index_cast %get3A_550 : i32 to index
        %get3A_552 = arith.index_cast %mul3A_344 : i32 to index
        %get3A_553 = tpu.vector_load %arg15[%get3A_551, %get3A_552] {strides = array<i32>} : memref<64x128xf32, #tpu.memory_space<vmem>>, vector<1x16xf32>,
        %get3A_554 = vector.shape_cast %get3A_553 : vector<1x16xf32> to vector<16xf32>
        %sub3A_555 = arith.subf %get3A_549, %get3A_554 : vector<16xf32>
        %max3A_556 = arith.maximumf %max3A_544, %sub3A_555 : vector<16xf32>
        %get3A_557 = arith.constant 18 : i32
        %get3A_558 = arith.index_cast %get3A_557 : i32 to index
        %get3A_559 = arith.index_cast %mul3A_344 : i32 to index
        %get3A_560 = tpu.vector_load %arg15[%get3A_558, %get3A_559] {strides = array<i32>} : memref<64x128xf32, #tpu.memory_space<vmem>>, vector<1x16xf32>,
        %get3A_561 = vector.shape_cast %get3A_560 : vector<1x16xf32> to vector<16xf32>
        %get3A_562 = arith.constant 50 : i32
        %get3A_563 = arith.index_cast %get3A_562 : i32 to index
        %get3A_564 = arith.index_cast %mul3A_344 : i32 to index
        %get3A_565 = tpu.vector_load %arg15[%get3A_563, %get3A_564] {strides = array<i32>} : memref<64x128xf32, #tpu.memory_space<vmem>>, vector<1x16xf32>,
        %get3A_566 = vector.shape_cast %get3A_565 : vector<1x16xf32> to vector<16xf32>
        %sub3A_567 = arith.subf %get3A_561, %get3A_566 : vector<16xf32>
        %max3A_568 = arith.maximumf %max3A_556, %sub3A_567 : vector<16xf32>
        %get3A_569 = arith.constant 19 : i32
        %get3A_570 = arith.index_cast %get3A_569 : i32 to index
        %get3A_571 = arith.index_cast %mul3A_344 : i32 to index
        %get3A_572 = tpu.vector_load %arg15[%get3A_570, %get3A_571] {strides = array<i32>} : memref<64x128xf32, #tpu.memory_space<vmem>>, vector<1x16xf32>,
        %get3A_573 = vector.shape_cast %get3A_572 : vector<1x16xf32> to vector<16xf32>
        %get3A_574 = arith.constant 51 : i32
        %get3A_575 = arith.index_cast %get3A_574 : i32 to index
        %get3A_576 = arith.index_cast %mul3A_344 : i32 to index
        %get3A_577 = tpu.vector_load %arg15[%get3A_575, %get3A_576] {strides = array<i32>} : memref<64x128xf32, #tpu.memory_space<vmem>>, vector<1x16xf32>,
        %get3A_578 = vector.shape_cast %get3A_577 : vector<1x16xf32> to vector<16xf32>
        %sub3A_579 = arith.subf %get3A_573, %get3A_578 : vector<16xf32>
        %max3A_580 = arith.maximumf %max3A_568, %sub3A_579 : vector<16xf32>
        %get3A_581 = arith.constant 20 : i32
        %get3A_582 = arith.index_cast %get3A_581 : i32 to index
        %get3A_583 = arith.index_cast %mul3A_344 : i32 to index
        %get3A_584 = tpu.vector_load %arg15[%get3A_582, %get3A_583] {strides = array<i32>} : memref<64x128xf32, #tpu.memory_space<vmem>>, vector<1x16xf32>,
        %get3A_585 = vector.shape_cast %get3A_584 : vector<1x16xf32> to vector<16xf32>
        %get3A_586 = arith.constant 52 : i32
        %get3A_587 = arith.index_cast %get3A_586 : i32 to index
        %get3A_588 = arith.index_cast %mul3A_344 : i32 to index
        %get3A_589 = tpu.vector_load %arg15[%get3A_587, %get3A_588] {strides = array<i32>} : memref<64x128xf32, #tpu.memory_space<vmem>>, vector<1x16xf32>,
        %get3A_590 = vector.shape_cast %get3A_589 : vector<1x16xf32> to vector<16xf32>
        %sub3A_591 = arith.subf %get3A_585, %get3A_590 : vector<16xf32>
        %max3A_592 = arith.maximumf %max3A_580, %sub3A_591 : vector<16xf32>
        %get3A_593 = arith.constant 21 : i32
        %get3A_594 = arith.index_cast %get3A_593 : i32 to index
        %get3A_595 = arith.index_cast %mul3A_344 : i32 to index
        %get3A_596 = tpu.vector_load %arg15[%get3A_594, %get3A_595] {strides = array<i32>} : memref<64x128xf32, #tpu.memory_space<vmem>>, vector<1x16xf32>,
        %get3A_597 = vector.shape_cast %get3A_596 : vector<1x16xf32> to vector<16xf32>
        %get3A_598 = arith.constant 53 : i32
        %get3A_599 = arith.index_cast %get3A_598 : i32 to index
        %get3A_600 = arith.index_cast %mul3A_344 : i32 to index
        %get3A_601 = tpu.vector_load %arg15[%get3A_599, %get3A_600] {strides = array<i32>} : memref<64x128xf32, #tpu.memory_space<vmem>>, vector<1x16xf32>,
        %get3A_602 = vector.shape_cast %get3A_601 : vector<1x16xf32> to vector<16xf32>
        %sub3A_603 = arith.subf %get3A_597, %get3A_602 : vector<16xf32>
        %max3A_604 = arith.maximumf %max3A_592, %sub3A_603 : vector<16xf32>
        %get3A_605 = arith.constant 22 : i32
        %get3A_606 = arith.index_cast %get3A_605 : i32 to index
        %get3A_607 = arith.index_cast %mul3A_344 : i32 to index
        %get3A_608 = tpu.vector_load %arg15[%get3A_606, %get3A_607] {strides = array<i32>} : memref<64x128xf32, #tpu.memory_space<vmem>>, vector<1x16xf32>,
        %get3A_609 = vector.shape_cast %get3A_608 : vector<1x16xf32> to vector<16xf32>
        %get3A_610 = arith.constant 54 : i32
        %get3A_611 = arith.index_cast %get3A_610 : i32 to index
        %get3A_612 = arith.index_cast %mul3A_344 : i32 to index
        %get3A_613 = tpu.vector_load %arg15[%get3A_611, %get3A_612] {strides = array<i32>} : memref<64x128xf32, #tpu.memory_space<vmem>>, vector<1x16xf32>,
        %get3A_614 = vector.shape_cast %get3A_613 : vector<1x16xf32> to vector<16xf32>
        %sub3A_615 = arith.subf %get3A_609, %get3A_614 : vector<16xf32>
        %max3A_616 = arith.maximumf %max3A_604, %sub3A_615 : vector<16xf32>
        %get3A_617 = arith.constant 23 : i32
        %get3A_618 = arith.index_cast %get3A_617 : i32 to index
        %get3A_619 = arith.index_cast %mul3A_344 : i32 to index
        %get3A_620 = tpu.vector_load %arg15[%get3A_618, %get3A_619] {strides = array<i32>} : memref<64x128xf32, #tpu.memory_space<vmem>>, vector<1x16xf32>,
        %get3A_621 = vector.shape_cast %get3A_620 : vector<1x16xf32> to vector<16xf32>
        %get3A_622 = arith.constant 55 : i32
        %get3A_623 = arith.index_cast %get3A_622 : i32 to index
        %get3A_624 = arith.index_cast %mul3A_344 : i32 to index
        %get3A_625 = tpu.vector_load %arg15[%get3A_623, %get3A_624] {strides = array<i32>} : memref<64x128xf32, #tpu.memory_space<vmem>>, vector<1x16xf32>,
        %get3A_626 = vector.shape_cast %get3A_625 : vector<1x16xf32> to vector<16xf32>
        %sub3A_627 = arith.subf %get3A_621, %get3A_626 : vector<16xf32>
        %max3A_628 = arith.maximumf %max3A_616, %sub3A_627 : vector<16xf32>
        %get3A_629 = arith.constant 24 : i32
        %get3A_630 = arith.index_cast %get3A_629 : i32 to index
        %get3A_631 = arith.index_cast %mul3A_344 : i32 to index
        %get3A_632 = tpu.vector_load %arg15[%get3A_630, %get3A_631] {strides = array<i32>} : memref<64x128xf32, #tpu.memory_space<vmem>>, vector<1x16xf32>,
        %get3A_633 = vector.shape_cast %get3A_632 : vector<1x16xf32> to vector<16xf32>
        %get3A_634 = arith.constant 56 : i32
        %get3A_635 = arith.index_cast %get3A_634 : i32 to index
        %get3A_636 = arith.index_cast %mul3A_344 : i32 to index
        %get3A_637 = tpu.vector_load %arg15[%get3A_635, %get3A_636] {strides = array<i32>} : memref<64x128xf32, #tpu.memory_space<vmem>>, vector<1x16xf32>,
        %get3A_638 = vector.shape_cast %get3A_637 : vector<1x16xf32> to vector<16xf32>
        %sub3A_639 = arith.subf %get3A_633, %get3A_638 : vector<16xf32>
        %max3A_640 = arith.maximumf %max3A_628, %sub3A_639 : vector<16xf32>
        %get3A_641 = arith.constant 25 : i32
        %get3A_642 = arith.index_cast %get3A_641 : i32 to index
        %get3A_643 = arith.index_cast %mul3A_344 : i32 to index
        %get3A_644 = tpu.vector_load %arg15[%get3A_642, %get3A_643] {strides = array<i32>} : memref<64x128xf32, #tpu.memory_space<vmem>>, vector<1x16xf32>,
        %get3A_645 = vector.shape_cast %get3A_644 : vector<1x16xf32> to vector<16xf32>
        %get3A_646 = arith.constant 57 : i32
        %get3A_647 = arith.index_cast %get3A_646 : i32 to index
        %get3A_648 = arith.index_cast %mul3A_344 : i32 to index
        %get3A_649 = tpu.vector_load %arg15[%get3A_647, %get3A_648] {strides = array<i32>} : memref<64x128xf32, #tpu.memory_space<vmem>>, vector<1x16xf32>,
        %get3A_650 = vector.shape_cast %get3A_649 : vector<1x16xf32> to vector<16xf32>
        %sub3A_651 = arith.subf %get3A_645, %get3A_650 : vector<16xf32>
        %max3A_652 = arith.maximumf %max3A_640, %sub3A_651 : vector<16xf32>
        %get3A_653 = arith.constant 26 : i32
        %get3A_654 = arith.index_cast %get3A_653 : i32 to index
        %get3A_655 = arith.index_cast %mul3A_344 : i32 to index
        %get3A_656 = tpu.vector_load %arg15[%get3A_654, %get3A_655] {strides = array<i32>} : memref<64x128xf32, #tpu.memory_space<vmem>>, vector<1x16xf32>,
        %get3A_657 = vector.shape_cast %get3A_656 : vector<1x16xf32> to vector<16xf32>
        %get3A_658 = arith.constant 58 : i32
        %get3A_659 = arith.index_cast %get3A_658 : i32 to index
        %get3A_660 = arith.index_cast %mul3A_344 : i32 to index
        %get3A_661 = tpu.vector_load %arg15[%get3A_659, %get3A_660] {strides = array<i32>} : memref<64x128xf32, #tpu.memory_space<vmem>>, vector<1x16xf32>,
        %get3A_662 = vector.shape_cast %get3A_661 : vector<1x16xf32> to vector<16xf32>
        %sub3A_663 = arith.subf %get3A_657, %get3A_662 : vector<16xf32>
        %max3A_664 = arith.maximumf %max3A_652, %sub3A_663 : vector<16xf32>
        %get3A_665 = arith.constant 27 : i32
        %get3A_666 = arith.index_cast %get3A_665 : i32 to index
        %get3A_667 = arith.index_cast %mul3A_344 : i32 to index
        %get3A_668 = tpu.vector_load %arg15[%get3A_666, %get3A_667] {strides = array<i32>} : memref<64x128xf32, #tpu.memory_space<vmem>>, vector<1x16xf32>,
        %get3A_669 = vector.shape_cast %get3A_668 : vector<1x16xf32> to vector<16xf32>
        %get3A_670 = arith.constant 59 : i32
        %get3A_671 = arith.index_cast %get3A_670 : i32 to index
        %get3A_672 = arith.index_cast %mul3A_344 : i32 to index
        %get3A_673 = tpu.vector_load %arg15[%get3A_671, %get3A_672] {strides = array<i32>} : memref<64x128xf32, #tpu.memory_space<vmem>>, vector<1x16xf32>,
        %get3A_674 = vector.shape_cast %get3A_673 : vector<1x16xf32> to vector<16xf32>
        %sub3A_675 = arith.subf %get3A_669, %get3A_674 : vector<16xf32>
        %max3A_676 = arith.maximumf %max3A_664, %sub3A_675 : vector<16xf32>
        %get3A_677 = arith.constant 28 : i32
        %get3A_678 = arith.index_cast %get3A_677 : i32 to index
        %get3A_679 = arith.index_cast %mul3A_344 : i32 to index
        %get3A_680 = tpu.vector_load %arg15[%get3A_678, %get3A_679] {strides = array<i32>} : memref<64x128xf32, #tpu.memory_space<vmem>>, vector<1x16xf32>,
        %get3A_681 = vector.shape_cast %get3A_680 : vector<1x16xf32> to vector<16xf32>
        %get3A_682 = arith.constant 60 : i32
        %get3A_683 = arith.index_cast %get3A_682 : i32 to index
        %get3A_684 = arith.index_cast %mul3A_344 : i32 to index
        %get3A_685 = tpu.vector_load %arg15[%get3A_683, %get3A_684] {strides = array<i32>} : memref<64x128xf32, #tpu.memory_space<vmem>>, vector<1x16xf32>,
        %get3A_686 = vector.shape_cast %get3A_685 : vector<1x16xf32> to vector<16xf32>
        %sub3A_687 = arith.subf %get3A_681, %get3A_686 : vector<16xf32>
        %max3A_688 = arith.maximumf %max3A_676, %sub3A_687 : vector<16xf32>
        %get3A_689 = arith.constant 29 : i32
        %get3A_690 = arith.index_cast %get3A_689 : i32 to index
        %get3A_691 = arith.index_cast %mul3A_344 : i32 to index
        %get3A_692 = tpu.vector_load %arg15[%get3A_690, %get3A_691] {strides = array<i32>} : memref<64x128xf32, #tpu.memory_space<vmem>>, vector<1x16xf32>,
        %get3A_693 = vector.shape_cast %get3A_692 : vector<1x16xf32> to vector<16xf32>
        %get3A_694 = arith.constant 61 : i32
        %get3A_695 = arith.index_cast %get3A_694 : i32 to index
        %get3A_696 = arith.index_cast %mul3A_344 : i32 to index
        %get3A_697 = tpu.vector_load %arg15[%get3A_695, %get3A_696] {strides = array<i32>} : memref<64x128xf32, #tpu.memory_space<vmem>>, vector<1x16xf32>,
        %get3A_698 = vector.shape_cast %get3A_697 : vector<1x16xf32> to vector<16xf32>
        %sub3A_699 = arith.subf %get3A_693, %get3A_698 : vector<16xf32>
        %max3A_700 = arith.maximumf %max3A_688, %sub3A_699 : vector<16xf32>
        %get3A_701 = arith.constant 30 : i32
        %get3A_702 = arith.index_cast %get3A_701 : i32 to index
        %get3A_703 = arith.index_cast %mul3A_344 : i32 to index
        %get3A_704 = tpu.vector_load %arg15[%get3A_702, %get3A_703] {strides = array<i32>} : memref<64x128xf32, #tpu.memory_space<vmem>>, vector<1x16xf32>,
        %get3A_705 = vector.shape_cast %get3A_704 : vector<1x16xf32> to vector<16xf32>
        %get3A_706 = arith.constant 62 : i32
        %get3A_707 = arith.index_cast %get3A_706 : i32 to index
        %get3A_708 = arith.index_cast %mul3A_344 : i32 to index
        %get3A_709 = tpu.vector_load %arg15[%get3A_707, %get3A_708] {strides = array<i32>} : memref<64x128xf32, #tpu.memory_space<vmem>>, vector<1x16xf32>,
        %get3A_710 = vector.shape_cast %get3A_709 : vector<1x16xf32> to vector<16xf32>
        %sub3A_711 = arith.subf %get3A_705, %get3A_710 : vector<16xf32>
        %max3A_712 = arith.maximumf %max3A_700, %sub3A_711 : vector<16xf32>
        %get3A_713 = arith.constant 31 : i32
        %get3A_714 = arith.index_cast %get3A_713 : i32 to index
        %get3A_715 = arith.index_cast %mul3A_344 : i32 to index
        %get3A_716 = tpu.vector_load %arg15[%get3A_714, %get3A_715] {strides = array<i32>} : memref<64x128xf32, #tpu.memory_space<vmem>>, vector<1x16xf32>,
        %get3A_717 = vector.shape_cast %get3A_716 : vector<1x16xf32> to vector<16xf32>
        %get3A_718 = arith.constant 63 : i32
        %get3A_719 = arith.index_cast %get3A_718 : i32 to index
        %get3A_720 = arith.index_cast %mul3A_344 : i32 to index
        %get3A_721 = tpu.vector_load %arg15[%get3A_719, %get3A_720] {strides = array<i32>} : memref<64x128xf32, #tpu.memory_space<vmem>>, vector<1x16xf32>,
        %get3A_722 = vector.shape_cast %get3A_721 : vector<1x16xf32> to vector<16xf32>
        %sub3A_723 = arith.subf %get3A_717, %get3A_722 : vector<16xf32>
        %max3A_724 = arith.maximumf %max3A_712, %sub3A_723 : vector<16xf32>
        %swap3A = arith.index_cast %mul3A_344 : i32 to index
        %swap3A_725 = tpu.vector_load %arg20[%swap3A] {strides = array<i32>} : memref<128xf32, #tpu.memory_space<vmem>>, vector<16xf32>,
        %swap3A_726 = vector.shape_cast %swap3A_725 : vector<16xf32> to vector<16xf32>
        %swap3A_727 = vector.shape_cast %max3A_724 : vector<16xf32> to vector<16xf32>
        tpu.vector_store %arg20[%swap3A], %swap3A_727 {strides = array<i32>} : memref<128xf32, #tpu.memory_space<vmem>>, vector<16xf32>,
      }
      %scan3A_324 = arith.constant 8 : i32
      %add3A_325 = arith.addi %mul3A_2, %add3A_303 : i32
      %mul3A_326 = arith.constant 128 : i32
      %mul3A_327 = arith.muli %add3A_325, %mul3A_326 : i32
      %dma_start3A_328 = tpu.memref_slice %arg4[%mul3A_327] : memref<1310720xf32, #tpu.memory_space<hbm>> -> memref<128xf32, #tpu.memory_space<hbm>>
      %dma_start3A_329 = tpu.memref_slice %arg4[%mul3A_327] : memref<1310720xf32, #tpu.memory_space<hbm>> -> memref<128xf32, #tpu.memory_space<hbm>>
      tpu.enqueue_dma source(%arg20 : memref<128xf32, #tpu.memory_space<vmem>>) target(%dma_start3A_329 : memref<128xf32, #tpu.memory_space<hbm>>) target_semaphore(%arg35 : memref<!tpu.dma_semaphore, #tpu.memory_space<semaphore_mem>>)
      %add3A_330 = arith.constant 5 : i32
      %add3A_331 = arith.addi %add3A_303, %add3A_330 : i32
      %add3A_332 = arith.addi %mul3A_2, %add3A_331 : i32
      %mul3A_333 = arith.constant 64 : i32
      %mul3A_334 = arith.muli %add3A_332, %mul3A_333 : i32
      %dma_wait3A_335 = tpu.memref_slice %arg3[%mul3A_334] : memref<656384xi32, #tpu.memory_space<hbm>> -> memref<64xi32, #tpu.memory_space<hbm>>
      %dma_wait3A_336 = tpu.memref_slice %arg3[%mul3A_334] : memref<656384xi32, #tpu.memory_space<hbm>> -> memref<64xi32, #tpu.memory_space<hbm>>
      tpu.wait_dma2 semaphore(%arg25 : memref<!tpu.dma_semaphore, #tpu.memory_space<semaphore_mem>>) src(%dma_wait3A_336 : memref<64xi32, #tpu.memory_space<hbm>>) dst(%arg10 : memref<64xi32, #tpu.memory_space<vmem>>)
      %add3A_337 = arith.constant 5 : i32
      %add3A_338 = arith.addi %add3A_303, %add3A_337 : i32
      %dma_start3A_339 = arith.constant 0 : i32
      %dma_start3A_340 = arith.constant 0 : i32
      %dma_start3A_341 = tpu.memref_slice %arg5[%dma_start3A_339, %dma_start3A_340] : memref<10000x128xf32, #tpu.memory_space<vmem_shared>> -> memref<10000x128xf32, #tpu.memory_space<vmem_shared>>
      tpu.enqueue_indirect_dma source(%dma_start3A_341 : memref<10000x128xf32, #tpu.memory_space<vmem_shared>>) target(%arg15 : memref<64x128xf32, #tpu.memory_space<vmem>>) offsets(%arg10 : memref<64xi32, #tpu.memory_space<vmem>>) semaphore(%arg30 : memref<!tpu.dma_semaphore, #tpu.memory_space<semaphore_mem>>)
    }
    %scan3A_86 = arith.constant 64 : i32
    %add3A_87 = arith.constant 315 : i32
    %add3A_88 = arith.addi %mul3A_2, %add3A_87 : i32
    %mul3A_89 = arith.constant 128 : i32
    %mul3A_90 = arith.muli %add3A_88, %mul3A_89 : i32
    %dma_wait3A_91 = tpu.memref_slice %arg4[%mul3A_90] : memref<1310720xf32, #tpu.memory_space<hbm>> -> memref<128xf32, #tpu.memory_space<hbm>>
    %dma_wait3A_92 = tpu.memref_slice %arg4[%mul3A_90] : memref<1310720xf32, #tpu.memory_space<hbm>> -> memref<128xf32, #tpu.memory_space<hbm>>
    tpu.wait_dma2 semaphore(%arg31 : memref<!tpu.dma_semaphore, #tpu.memory_space<semaphore_mem>>) src(%arg16 : memref<128xf32, #tpu.memory_space<vmem>>) dst(%dma_wait3A_92 : memref<128xf32, #tpu.memory_space<hbm>>)
    %add3A_93 = arith.constant 316 : i32
    %add3A_94 = arith.addi %mul3A_2, %add3A_93 : i32
    %mul3A_95 = arith.constant 128 : i32
    %mul3A_96 = arith.muli %add3A_94, %mul3A_95 : i32
    %dma_wait3A_97 = tpu.memref_slice %arg4[%mul3A_96] : memref<1310720xf32, #tpu.memory_space<hbm>> -> memref<128xf32, #tpu.memory_space<hbm>>
    %dma_wait3A_98 = tpu.memref_slice %arg4[%mul3A_96] : memref<1310720xf32, #tpu.memory_space<hbm>> -> memref<128xf32, #tpu.memory_space<hbm>>
    tpu.wait_dma2 semaphore(%arg32 : memref<!tpu.dma_semaphore, #tpu.memory_space<semaphore_mem>>) src(%arg17 : memref<128xf32, #tpu.memory_space<vmem>>) dst(%dma_wait3A_98 : memref<128xf32, #tpu.memory_space<hbm>>)
    %add3A_99 = arith.constant 317 : i32
    %add3A_100 = arith.addi %mul3A_2, %add3A_99 : i32
    %mul3A_101 = arith.constant 128 : i32
    %mul3A_102 = arith.muli %add3A_100, %mul3A_101 : i32
    %dma_wait3A_103 = tpu.memref_slice %arg4[%mul3A_102] : memref<1310720xf32, #tpu.memory_space<hbm>> -> memref<128xf32, #tpu.memory_space<hbm>>
    %dma_wait3A_104 = tpu.memref_slice %arg4[%mul3A_102] : memref<1310720xf32, #tpu.memory_space<hbm>> -> memref<128xf32, #tpu.memory_space<hbm>>
    tpu.wait_dma2 semaphore(%arg33 : memref<!tpu.dma_semaphore, #tpu.memory_space<semaphore_mem>>) src(%arg18 : memref<128xf32, #tpu.memory_space<vmem>>) dst(%dma_wait3A_104 : memref<128xf32, #tpu.memory_space<hbm>>)
    %add3A_105 = arith.constant 318 : i32
    %add3A_106 = arith.addi %mul3A_2, %add3A_105 : i32
    %mul3A_107 = arith.constant 128 : i32
    %mul3A_108 = arith.muli %add3A_106, %mul3A_107 : i32
    %dma_wait3A_109 = tpu.memref_slice %arg4[%mul3A_108] : memref<1310720xf32, #tpu.memory_space<hbm>> -> memref<128xf32, #tpu.memory_space<hbm>>
    %dma_wait3A_110 = tpu.memref_slice %arg4[%mul3A_108] : memref<1310720xf32, #tpu.memory_space<hbm>> -> memref<128xf32, #tpu.memory_space<hbm>>
    tpu.wait_dma2 semaphore(%arg34 : memref<!tpu.dma_semaphore, #tpu.memory_space<semaphore_mem>>) src(%arg19 : memref<128xf32, #tpu.memory_space<vmem>>) dst(%dma_wait3A_110 : memref<128xf32, #tpu.memory_space<hbm>>)
    %add3A_111 = arith.constant 319 : i32
    %add3A_112 = arith.addi %mul3A_2, %add3A_111 : i32
    %mul3A_113 = arith.constant 128 : i32
    %mul3A_114 = arith.muli %add3A_112, %mul3A_113 : i32
    %dma_wait3A_115 = tpu.memref_slice %arg4[%mul3A_114] : memref<1310720xf32, #tpu.memory_space<hbm>> -> memref<128xf32, #tpu.memory_space<hbm>>
    %dma_wait3A_116 = tpu.memref_slice %arg4[%mul3A_114] : memref<1310720xf32, #tpu.memory_space<hbm>> -> memref<128xf32, #tpu.memory_space<hbm>>
    tpu.wait_dma2 semaphore(%arg35 : memref<!tpu.dma_semaphore, #tpu.memory_space<semaphore_mem>>) src(%arg20 : memref<128xf32, #tpu.memory_space<vmem>>) dst(%dma_wait3A_116 : memref<128xf32, #tpu.memory_space<hbm>>)
    %dma_wait3A_117 = arith.constant 0 : i32
    %dma_wait3A_118 = arith.constant 0 : i32
    %dma_wait3A_119 = tpu.memref_slice %arg5[%dma_wait3A_117, %dma_wait3A_118] : memref<10000x128xf32, #tpu.memory_space<vmem_shared>> -> memref<10000x128xf32, #tpu.memory_space<vmem_shared>>
    tpu.wait_indirect_dma semaphore(%arg26 : memref<!tpu.dma_semaphore, #tpu.memory_space<semaphore_mem>>) src(%dma_wait3A_119 : memref<10000x128xf32, #tpu.memory_space<vmem_shared>>) dst(%arg11 : memref<64x128xf32, #tpu.memory_space<vmem>>)
    %dma_wait3A_120 = arith.constant 0 : i32
    %dma_wait3A_121 = arith.constant 0 : i32
    %dma_wait3A_122 = tpu.memref_slice %arg5[%dma_wait3A_120, %dma_wait3A_121] : memref<10000x128xf32, #tpu.memory_space<vmem_shared>> -> memref<10000x128xf32, #tpu.memory_space<vmem_shared>>
    tpu.wait_indirect_dma semaphore(%arg27 : memref<!tpu.dma_semaphore, #tpu.memory_space<semaphore_mem>>) src(%dma_wait3A_122 : memref<10000x128xf32, #tpu.memory_space<vmem_shared>>) dst(%arg12 : memref<64x128xf32, #tpu.memory_space<vmem>>)
    %dma_wait3A_123 = arith.constant 0 : i32
    %dma_wait3A_124 = arith.constant 0 : i32
    %dma_wait3A_125 = tpu.memref_slice %arg5[%dma_wait3A_123, %dma_wait3A_124] : memref<10000x128xf32, #tpu.memory_space<vmem_shared>> -> memref<10000x128xf32, #tpu.memory_space<vmem_shared>>
    tpu.wait_indirect_dma semaphore(%arg28 : memref<!tpu.dma_semaphore, #tpu.memory_space<semaphore_mem>>) src(%dma_wait3A_125 : memref<10000x128xf32, #tpu.memory_space<vmem_shared>>) dst(%arg13 : memref<64x128xf32, #tpu.memory_space<vmem>>)
    %dma_wait3A_126 = arith.constant 0 : i32
    %dma_wait3A_127 = arith.constant 0 : i32
    %dma_wait3A_128 = tpu.memref_slice %arg5[%dma_wait3A_126, %dma_wait3A_127] : memref<10000x128xf32, #tpu.memory_space<vmem_shared>> -> memref<10000x128xf32, #tpu.memory_space<vmem_shared>>
    tpu.wait_indirect_dma semaphore(%arg29 : memref<!tpu.dma_semaphore, #tpu.memory_space<semaphore_mem>>) src(%dma_wait3A_128 : memref<10000x128xf32, #tpu.memory_space<vmem_shared>>) dst(%arg14 : memref<64x128xf32, #tpu.memory_space<vmem>>)
    %dma_wait3A_129 = arith.constant 0 : i32
    %dma_wait3A_130 = arith.constant 0 : i32
    %dma_wait3A_131 = tpu.memref_slice %arg5[%dma_wait3A_129, %dma_wait3A_130] : memref<10000x128xf32, #tpu.memory_space<vmem_shared>> -> memref<10000x128xf32, #tpu.memory_space<vmem_shared>>
    tpu.wait_indirect_dma semaphore(%arg30 : memref<!tpu.dma_semaphore, #tpu.memory_space<semaphore_mem>>) src(%dma_wait3A_131 : memref<10000x128xf32, #tpu.memory_space<vmem_shared>>) dst(%arg15 : memref<64x128xf32, #tpu.memory_space<vmem>>)
    return
  }
}

module attributes {stable_mosaic.version = 14 : i64} {
  func.func @body(%arg0: memref<128x10000xf32, #tpu.memory_space<vmem>>, %arg1: memref<10240x128xf32, #tpu.memory_space<vmem>>, %arg2: memref<128x128xf32, #tpu.memory_space<vmem>>, %arg3: memref<128x128xf32, #tpu.memory_space<vmem>>, %arg4: memref<128x1xf32, #tpu.memory_space<vmem>>, %arg5: memref<128x1xf32, #tpu.memory_space<vmem>>, %arg6: memref<128x1xf32, #tpu.memory_space<vmem>>, %arg7: memref<128x10000xf32, #tpu.memory_space<vmem>>) attributes {dimension_semantics = [], scalar_prefetch = 0 : i64, scratch_operands = 0 : i64, tpu.core_type = #tpu.core_type<tc>} {
    %get3A = arith.constant 0 : index
    %get3A_0 = arith.constant 0 : index
    %get3A_1 = vector.load %arg0[%get3A, %get3A_0] : memref<128x10000xf32, #tpu.memory_space<vmem>>, vector<128x10000xf32>
    %get3A_2 = arith.constant 0 : index
    %get3A_3 = arith.constant 0 : index
    %get3A_4 = vector.load %arg1[%get3A_2, %get3A_3] : memref<10240x128xf32, #tpu.memory_space<vmem>>, vector<10000x128xf32>
    %get3A_5 = arith.constant 0 : index
    %get3A_6 = arith.constant 0 : index
    %get3A_7 = vector.load %arg2[%get3A_5, %get3A_6] : memref<128x128xf32, #tpu.memory_space<vmem>>, vector<128x128xf32>
    %get3A_8 = arith.constant 0 : index
    %get3A_9 = arith.constant 0 : index
    %get3A_10 = vector.load %arg3[%get3A_8, %get3A_9] : memref<128x128xf32, #tpu.memory_space<vmem>>, vector<128x128xf32>
    %dot_general3A = arith.constant dense<0.000000e+00> : vector<128x10000xf32>
    %dot_general3A_11 = tpu.matmul %get3A_7, %get3A_1, %dot_general3A {dimension_numbers = #tpu.dot_dimension_numbers<[1], [0], [0], [1], [0, 0, 1, 1], [], []>, transpose_lhs_hint = false} : vector<128x128xf32>, vector<128x10000xf32>, vector<128x10000xf32> -> vector<128x10000xf32>
    %dot_general3A_12 = arith.constant dense<0.000000e+00> : vector<128x10000xf32>
    %dot_general3A_13 = tpu.matmul %get3A_10, %get3A_4, %dot_general3A_12 {dimension_numbers = #tpu.dot_dimension_numbers<[1], [1], [0], [0], [0, 0, 1, 0], [], []>, transpose_lhs_hint = false} : vector<128x128xf32>, vector<10000x128xf32>, vector<128x10000xf32> -> vector<128x10000xf32>
    %add3A = arith.addf %dot_general3A_11, %dot_general3A_13 : vector<128x10000xf32>
    %get3A_14 = arith.constant 0 : index
    %get3A_15 = arith.constant 0 : index
    %get3A_16 = vector.load %arg4[%get3A_14, %get3A_15] : memref<128x1xf32, #tpu.memory_space<vmem>>, vector<128x1xf32>
    %add3A_17 = vector.broadcast %get3A_16 : vector<128x1xf32> to vector<128x10000xf32>
    %add3A_18 = arith.addf %add3A, %add3A_17 : vector<128x10000xf32>
    %reduce_sum3A = arith.constant dense<0.000000e+00> : vector<128xf32>
    %reduce_sum3A_19 = vector.multi_reduction <add>, %add3A_18, %reduce_sum3A [1] : vector<128x10000xf32> to vector<128xf32>
    %broadcast_in_dim3A = vector.shape_cast %reduce_sum3A_19 : vector<128xf32> to vector<128x1xf32>
    %div3A = arith.constant 1.000000e+04 : f32
    %div3A_20 = vector.broadcast %div3A : f32 to vector<128x1xf32>
    %div3A_21 = arith.divf %broadcast_in_dim3A, %div3A_20 : vector<128x1xf32>
    %sub3A = vector.broadcast %div3A_21 : vector<128x1xf32> to vector<128x10000xf32>
    %sub3A_22 = arith.subf %add3A_18, %sub3A : vector<128x10000xf32>
    %mul3A = arith.mulf %sub3A_22, %sub3A_22 : vector<128x10000xf32>
    %reduce_sum3A_23 = arith.constant dense<0.000000e+00> : vector<128xf32>
    %reduce_sum3A_24 = vector.multi_reduction <add>, %mul3A, %reduce_sum3A_23 [1] : vector<128x10000xf32> to vector<128xf32>
    %broadcast_in_dim3A_25 = vector.shape_cast %reduce_sum3A_24 : vector<128xf32> to vector<128x1xf32>
    %div3A_26 = arith.constant 1.000000e+04 : f32
    %div3A_27 = vector.broadcast %div3A_26 : f32 to vector<128x1xf32>
    %div3A_28 = arith.divf %broadcast_in_dim3A_25, %div3A_27 : vector<128x1xf32>
    %add3A_29 = arith.constant 9.99999974E-6 : f32
    %add3A_30 = vector.broadcast %add3A_29 : f32 to vector<128x1xf32>
    %add3A_31 = arith.addf %div3A_28, %add3A_30 : vector<128x1xf32>
    %rsqrt3A = math.rsqrt %add3A_31 : vector<128x1xf32>
    %mul3A_32 = vector.broadcast %rsqrt3A : vector<128x1xf32> to vector<128x10000xf32>
    %mul3A_33 = arith.mulf %sub3A_22, %mul3A_32 : vector<128x10000xf32>
    %get3A_34 = arith.constant 0 : index
    %get3A_35 = arith.constant 0 : index
    %get3A_36 = vector.load %arg5[%get3A_34, %get3A_35] : memref<128x1xf32, #tpu.memory_space<vmem>>, vector<128x1xf32>
    %mul3A_37 = vector.broadcast %get3A_36 : vector<128x1xf32> to vector<128x10000xf32>
    %mul3A_38 = arith.mulf %mul3A_33, %mul3A_37 : vector<128x10000xf32>
    %get3A_39 = arith.constant 0 : index
    %get3A_40 = arith.constant 0 : index
    %get3A_41 = vector.load %arg6[%get3A_39, %get3A_40] : memref<128x1xf32, #tpu.memory_space<vmem>>, vector<128x1xf32>
    %add3A_42 = vector.broadcast %get3A_41 : vector<128x1xf32> to vector<128x10000xf32>
    %add3A_43 = arith.addf %mul3A_38, %add3A_42 : vector<128x10000xf32>
    %mul3A_44 = arith.constant 5.000000e-01 : f32
    %mul3A_45 = vector.broadcast %mul3A_44 : f32 to vector<128x10000xf32>
    %mul3A_46 = arith.mulf %mul3A_45, %add3A_43 : vector<128x10000xf32>
    %mul3A_47 = arith.constant 0.707106769 : f32
    %mul3A_48 = vector.broadcast %mul3A_47 : f32 to vector<128x10000xf32>
    %mul3A_49 = arith.mulf %add3A_43, %mul3A_48 : vector<128x10000xf32>
    %erf3A = math.erf %mul3A_49 : vector<128x10000xf32>
    %add3A_50 = arith.constant 1.000000e+00 : f32
    %add3A_51 = vector.broadcast %add3A_50 : f32 to vector<128x10000xf32>
    %add3A_52 = arith.addf %add3A_51, %erf3A : vector<128x10000xf32>
    %mul3A_53 = arith.mulf %mul3A_46, %add3A_52 : vector<128x10000xf32>
    %swap3A = arith.constant 0 : index
    %swap3A_54 = arith.constant 0 : index
    %swap3A_55 = vector.load %arg7[%swap3A, %swap3A_54] : memref<128x10000xf32, #tpu.memory_space<vmem>>, vector<128x10000xf32>
    tpu.vector_store %arg7[%swap3A, %swap3A_54], %mul3A_53 {strides = array<i32>} : memref<128x10000xf32, #tpu.memory_space<vmem>>, vector<128x10000xf32>,
    return
  }
}

</mosaic_0001>

<sc_bundles>
// kernel: kernel.4.cloned.1.call-start
scs
__scs_entry_jumppad:
0x0: {  	(pc) =	sbr.rel $0x88, $3  }
0x1: {  	(tag) =	ssettag $0x0;
	lr =	simm.s32 $0x1  }
0x2: {  	[smem:$0x3F9B] =	sst lr;
	_ =	strace $0xD0000000  }
0x3: {  	_ = 	snop  }
0x4: {  	_ = 	snop  }
0x5: {  	_ = 	snop  }
0x6: {  	_ = 	snop  }
0x7: {  	_ = 	snop  }
__scs_overlays_trampoline_lowered:
0x8: {  	[smem:$0x3FAA] =	sst s0  }
0x9: {  	[smem:$0x3FAB] =	sst s1  }
0xa: {  	[smem:$0x3FAC] =	sst s2  }
0xb: {  	[smem:$0x3FAD] =	sst s3  }
0xc: {  	[smem:$0x3FAE] =	sst s4  }
0xd: {  	[smem:$0x3FAF] =	sst s5  }
0xe: {  	[smem:$0x3FB0] =	sst s6  }
0xf: {  	[smem:$0x3FB1] =	sst s7  }
0x10: {  	[smem:$0x3FB2] =	sst s8  }
0x11: {  	[smem:$0x3FB3] =	sst s9;
	s0 =	simm.s32 @!p0 $0x0  }
0x12: {  	s1 =	sld [smem:$0x3F99];
	s0 =	simm.s32 @p0 $0x1  }
0x13: {  	[smem:$0x3FB4] =	sst s0;
	s0 =	simm.s32 @!p1 $0x0  }
0x14: {  	s2 =	sld [smem:$0x3F98];
	s0 =	simm.s32 @p1 $0x1  }
0x15: {  	[smem:$0x3FB5] =	sst s0;
	s0 =	simm.s32 @!p2 $0x0  }
0x16: {  	s3 =	sld [smem:$0x3FDB];
	s0 =	simm.s32 @p2 $0x1  }
0x17: {  	s4 =	simm.s32 $0x1BF5;
	[smem:$0x3FB7] =	sst s0  }
0x18: {  	s0 =	sld [smem:$0x3F9A];
	_ =	swait.ge [sflag:s4], $0x0  }
0x19: {  	s7 =	sld [smem:$0x3F9B]  }
0x1a: {  	s8 =	sadd.s32 $0xFFFFE003, lr  }
0x1b: {  	s9 =	sadd.s32 $0xFFFFFEF7, lr;
	s5 =	simm.s32 $0xFFFFFFFF;
	p2 =	slt.u32 s8, $0xFFFFF086  }
0x1c: {  	p1 =	slt.u32 s9, $0xF7A;
	s5 =	simm.s32 @!p2 $0x0  }
0x1d: {  	s5 =	simm.s32 @p1 $0x1;
	p0 =	seq.s32 s7, s2  }
0x1e: {  	s7 =	smul.u32 @!p0 $0xF7A, s2;
	p2 =	seq.s32 @!p0 s5, $0x0  }
0x1f: {  	s9 =	smul.u32 $0xF7A, s1;
	s8 =	simm.s32 @!p0 $0x1BF5;
	p2 =	por !p2, p0  }
0x20: {  	[sflag:s8] =	ssyncset.s32 @!p0 $0xFFFFF086;
	s6 =	sadd.s32 @!p0 s3, s7;
	s7 =	simm.s32 @!p0 $0x108  }
0x21: {  	s3 =	sadd.s32 s3, s9;
	s6 =	sadd.s32 @!p0 $0x88, s6;
	s7 =	simm.s32 @p2 $0x1082  }
0x22: {  	[simem:s7], [sflag:s8] =	dma.local @!p0 [hbm:s6], $0xF7A  }
0x23: {  	s9 =	sor.u32 $0xD0000000, s2;
	s6 =	simm.s32 $0x108;
	_ =	swait.ge @!p0 [sflag:s8], $0x0  }
0x24: {  	s3 =	sadd.s32 $0x88, s3;
	s6 =	simm.s32 @!p1 $0x1082;
	[sflag:s4] =	ssyncset.s32 $0xFFFFF086  }
0x25: {  	[simem:s6], [sflag:s4] =	dma.local [hbm:s3], $0xF7A  }
0x26: {  	[smem:$0x3F9B] =	sst s1;
	(tag) =	ssettag s2;
	_ =	strace s9  }
0x27: {  	s1 =	sld [smem:$0x3FAB]  }
0x28: {  	s2 =	sld [smem:$0x3FAC]  }
0x29: {  	s4 =	sld [smem:$0x3FAE]  }
0x2a: {  	p0 =	seq.s32 s5, $0x0;
	s5 =	sld [smem:$0x3FAF]  }
0x2b: {  	s6 =	sld [smem:$0x3FB0]  }
0x2c: {  	s7 =	sld [smem:$0x3FB1]  }
0x2d: {  	s3 =	simm.s32 $0x108;
	s8 =	sld [smem:$0x3FB2]  }
0x2e: {  	s3 =	simm.s32 @!p0 $0x1082;
	s9 =	sld [smem:$0x3FB3]  }
0x2f: {  	lr =	sadd.s32 s0, s3;
	s0 =	sld [smem:$0x3FAA]  }
0x30: {  	s3 =	sld [smem:$0x3FAD]  }
0x31: {  	[smem:$0x3FB6] =	sst s10  }
0x32: {  	s10 =	sld [smem:$0x3FB4];
	_ =	sdelay $0x3  }
0x33: {  	p0 =	seq.s32 s10, $0x1;
	s10 =	sld [smem:$0x3FB6];
	_ =	sdelay $0x3  }
0x34: {  	[smem:$0x3FB6] =	sst s10  }
0x35: {  	s10 =	sld [smem:$0x3FB5];
	_ =	sdelay $0x3  }
0x36: {  	p1 =	seq.s32 s10, $0x1;
	s10 =	sld [smem:$0x3FB6];
	_ =	sdelay $0x3  }
0x37: {  	[smem:$0x3FB6] =	sst s10  }
0x38: {  	s10 =	sld [smem:$0x3FB7]  }
0x39: {  	_ = 	snop;
	(pc) =	sbr.ind lr, $3  }
0x3a: {  	_ = 	snop  }
0x3b: {  	_ = 	snop  }
0x3c: {  	p2 =	seq.s32 s10, $0x1;
	s10 =	sld [smem:$0x3FB6]  }
0x3d: {  	_ =	shalt  }
0x3e: {  	_ =	shalt  }
0x3f: {  	_ =	shalt  }
0x40: {  	_ =	shalt  }
0x41: {  	_ =	shalt  }
0x42: {  	_ =	shalt  }
0x43: {  	_ =	shalt  }
0x44: {  	_ =	shalt  }
0x45: {  	_ =	shalt  }
0x46: {  	_ =	shalt  }
0x47: {  	_ =	shalt  }
0x48: {  	_ =	shalt  }
0x49: {  	_ =	shalt  }
0x4a: {  	_ =	shalt  }
0x4b: {  	_ =	shalt  }
0x4c: {  	_ =	shalt  }
0x4d: {  	_ =	shalt  }
0x4e: {  	_ =	shalt  }
0x4f: {  	_ =	shalt  }
0x50: {  	_ =	shalt  }
0x51: {  	_ =	shalt  }
0x52: {  	_ =	shalt  }
0x53: {  	_ =	shalt  }
0x54: {  	_ =	shalt  }
0x55: {  	_ =	shalt  }
0x56: {  	_ =	shalt  }
0x57: {  	_ =	shalt  }
0x58: {  	_ =	shalt  }
0x59: {  	_ =	shalt  }
0x5a: {  	_ =	shalt  }
0x5b: {  	_ =	shalt  }
0x5c: {  	_ =	shalt  }
0x5d: {  	_ =	shalt  }
0x5e: {  	_ =	shalt  }
0x5f: {  	_ =	shalt  }
0x60: {  	_ =	shalt  }
0x61: {  	_ =	shalt  }
0x62: {  	_ =	shalt  }
0x63: {  	_ =	shalt  }
0x64: {  	_ =	shalt  }
0x65: {  	_ =	shalt  }
0x66: {  	_ =	shalt  }
0x67: {  	_ =	shalt  }
0x68: {  	_ =	shalt  }
0x69: {  	_ =	shalt  }
0x6a: {  	_ =	shalt  }
0x6b: {  	_ =	shalt  }
0x6c: {  	_ =	shalt  }
0x6d: {  	_ =	shalt  }
0x6e: {  	_ =	shalt  }
0x6f: {  	_ =	shalt  }
0x70: {  	_ =	shalt  }
0x71: {  	_ =	shalt  }
0x72: {  	_ =	shalt  }
0x73: {  	_ =	shalt  }
0x74: {  	_ =	shalt  }
0x75: {  	_ =	shalt  }
0x76: {  	_ =	shalt  }
0x77: {  	_ =	shalt  }
0x78: {  	_ =	shalt  }
0x79: {  	_ =	shalt  }
0x7a: {  	_ =	shalt  }
0x7b: {  	_ =	shalt  }
0x7c: {  	_ =	shalt  }
0x7d: {  	_ =	shalt  }
0x7e: {  	_ =	shalt  }
0x7f: {  	_ =	shalt  }
0x80: {  	_ =	shalt  }
0x81: {  	_ =	shalt  }
0x82: {  	_ =	shalt  }
0x83: {  	_ =	shalt  }
0x84: {  	_ =	shalt  }
0x85: {  	_ =	shalt  }
0x86: {  	_ =	shalt  }
0x87: {  	_ =	shalt  }
.Lfunc_end0:
.L_simem_size_0:
called_computation_lowered:
.L_overlay_start_0:
0x88: {  	s2 =	sld [smem:$0x3FD9]  }
0x89: {  	s3 =	sld [smem:$0x3FFE];
	_ =	sdelay $0x1  }
0x8a: {  	s1 =	srdreg.scid  }
0x8b: {  	s0 =	sand.u32 $0x1, s1  }
0x8c: {  	s17 =	sshll.u32 s0, $0xA;
	s2 =	sadd.s32 s3, s2  }
0x8d: {  	s2 =	sadd.s32 s2, s17  }
0x8e: {  	[smem:$0x3FC2] =	sst s2  }
0x8f: {  	_ = 	snop  }
0x90: {  	s2 =	sld [smem:$0x3FC9]  }
0x91: {  	s18 =	sld [smem:$0x3FD0];
	(tm) =	ssettm $0x1  }
0x92: {  	s4 =	sld [smem:$0x3FFB];
	_ =	sdelay $0x3  }
0x93: {  	_ =	strace s4  }
0x94: {  	s4 =	sld [smem:$0x3FFC];
	_ =	sdelay $0x3  }
0x95: {  	_ =	strace s4  }
0x96: {  	s4 =	sld [smem:$0x3FFD];
	_ =	sdelay $0x3  }
0x97: {  	_ =	strace s4  }
0x98: {  	_ =	strace $0x8FFFFFFF  }
0x99: {  	s19 =	sld [smem:$0x3FDB];
	_ =	sdelay $0x1  }
0x9a: {  	s5 =	simm.s32 $_scs_section_size  }
0x9b: {  	s6 =	simm.s32 $_size__tile_overlayer_lowered;
	s7 =	simm.s32 $_tile_overlayer_lowered  }
0x9c: {  	s22 =	simm.s32 $0x1BFF;
	s21 =	sshll.u32 s7, $0x1;
	s4 =	sadd.s32 s5, s19  }
0x9d: {  	s8 =	simm.s32 $0x0;
	s20 =	sshll.u32 s6, $0x1;
	s6 =	sadd.s32 s21, s4  }
0x9e: {  	[timem:s8], [sflag:s22] =	dma.local [hbm:s6], s20  }
0x9f: {  	_ =	swait.ge [sflag:s22], s20  }
0xa0: {  	s5 =	ssub.s32 $0x0, s20;
	[sflag:s22] =	ssyncset.done $0x0  }
0xa1: {  	[sflag:s22] =	ssyncadd.s32 s5;
	_ =	sdelay $0x1  }
0xa2: {  	s23 =	simm.s32 $0x1B8B  }
0xa3: {  	_ =	swait.ge [sflag:s23], $0x1  }
0xa4: {  	[sflag:s23] =	ssyncset.done $0x0  }
0xa5: {  	s25 =	simm.s32 $0x1B8E;
	s24 =	sld [smem:$0x3FFE];
	[sflag:s23] =	ssyncadd.s32 $0xFFFFFFFF  }
0xa6: {  	s26 =	simm.s32 $execute0_lowered;
	[smem:$0x3FD2] =	sst s25  }
0xa7: {  	s6 =	sshll.u32 s26, $0x1;
	_ =	strace $0x80000046;
	[dreg:$0x1] =	wrdreg $0xFFFFFFFF  }
0xa8: {  	s28 =	simm.s32 $_size_execute0_lowered;
	s4 =	sadd.s32 s4, s6;
	[dreg:$0x0] =	wrdreg $0x0  }
0xa9: {  	s6 =	sshll.u32 s28, $0x1;
	[dreg:$0x2] =	wrdreg s4  }
0xaa: {  	[dreg:$0x3] =	wrdreg s6  }
0xab: {  	[dreg:$0x4] =	wrdreg $0xC0  }
0xac: {  	_ =	task [dreg:s8], $0x5FFFF  }
0xad: {  	[dreg:$0x1] =	wrdreg $0xFFFFFFFF  }
0xae: {  	[dreg:$0x0] =	wrdreg $0x60  }
0xaf: {  	[dreg:$0x2] =	wrdreg s2  }
0xb0: {  	[dreg:$0x3] =	wrdreg s18  }
0xb1: {  	[dreg:$0x4] =	wrdreg s24  }
0xb2: {  	[dreg:$0x5] =	wrdreg $0x0  }
0xb3: {  	[dreg:$0x6] =	wrdreg $0x9  }
0xb4: {  	_ =	task.clear_ibuf [dreg:s8], $0x7FFFF;
	_ =	strace $0x90000046  }
0xb5: {  	s29 =	simm.s32 $0x9;
	_ =	strace $0x80000048  }
0xb6: {  	_ =	swait.ge [sflag:s29], $0x1  }
0xb7: {  	[sflag:s29] =	ssyncadd.s32 $0xFFFFFFFF  }
0xb8: {  	_ =	strace $0x90000048  }
0xb9: {  	_ =	sfence  }
0xba: {  	s30 =	sld [smem:$0x0];
	_ =	sdelay $0x2  }
0xbb: {  	s31 =	sshll.u32 s1, $0xD;
	s1 =	sshrl.u32 s1, $0x2  }
0xbc: {  	s3 =	sand.u32 $0x4000, s31;
	s1 =	sadd.s32 s1, s30  }
0xbd: {  	s0 =	sor.u32 s3, s0;
	s1 =	sshll.u32 s1, $0x11  }
0xbe: {  	s0 =	sor.u32 s1, s0  }
0xbf: {  	s0 =	sadd.s32 $0x8F2B, s0  }
0xc0: {  	[sflag:s0] =	ssyncadd.remote.s32 $0x1  }
0xc1: {  	_ =	sfence.sel $0xFFFF  }
0xc2: {  	[dreg:$0x0] =	wrdreg $0xFFFFFFFF;
	(pc) =	sbr.abs _section_cstart, $3  }
0xc3: {  	[dreg:$0x1] =	wrdreg $0xFFFFFFFF  }
0xc4: {  	_ =	task.clear_ibuf [dreg:s8], $0x2FFFF;
	_ =	strace $0x9FFFFFFF  }
0xc5: {  	(tm) =	ssettm $0x7FFFFFFF  }
tec
execute0_lowered:
.L_overlay_start_1:
0x0: {  	(tag) =	ssettag $0x1  }
0x1: {  	s0 =	rddreg [dreg:$0x0]  }
0x2: {  	s1 =	rddreg [dreg:$0x1]  }
0x3: {  	s4 =	rddreg [dreg:$0x2]  }
0x4: {  	s2 =	rddreg [dreg:$0x3];
	s3 =	simm.s32 $0x0  }
0x5: {  	s6 =	srdreg.scid;
	s11 =	stileid.u32;
	s28 =	simm.s32 $0x13880  }
0x6: {  	s29 =	simm.s32 $0x13900;
	s30 =	simm.s32 $0x13980;
	s31 =	simm.s32 $0x13A00  }
0x7: {  	s12 =	simm.s32 $0x3;
	s13 =	simm.s32 $0x9;
	s15 =	simm.s32 $0x0  }
0x8: {  	[smem:$0x7FF] =	sst s3;
	s5 =	sadd.s32 $0x1800, s4;
	s8 =	smul.u32 $0x4F000, s11  }
0x9: {  	s16 =	sand.u32 $0x1, s6;
	s7 =	sshll.u32 s11, $0x1;
	s17 =	smul.u32 $0x2780, s11  }
0xa: {  	p0 =	seq.s32 s11, $0xF;
	_ =	strace $0x80000047;
	s4 =	sor.u32 s16, s7  }
0xb: {  	s6 =	ssub.s32 $0x2, s16;
	s10 =	smul.u32 $0xA00, s4;
	s7 =	sadd.s32 s0, s17  }
0xc: {  	s9 =	sshrl.u32 s6, $0x1;
	s0 =	sadd.s32 $0x25080, s0;
	[dreg:$0x5] =	wrdreg s7  }
0xd: {  	s9 =	ssub.s32 s6, s9;
	[dreg:$0x6] =	wrdreg s0;
	s18 =	sadd.s32 s1, s10  }
0xe: {  	s7 =	sadd.s32 $0x128400, s2;
	s26 =	smax.u32 s9, $0x1;
	[dreg:$0x7] =	wrdreg s18  }
0xf: {  	s8 =	sshrl.u32 s8, $0x2;
	s7 =	sshrl.u32 @p0 s7, $0x3;
	[dreg:$0x10] =	wrdreg s26  }
0x10: {  	s6 =	smul.u32 $0x140, s4;
	s19 =	sadd.s32 $0x8, s18;
	[dreg:$0x11] =	wrdreg s7  }
0x11: {  	s4 =	sadd.s32 s8, s2;
	s20 =	sadd.s32 $0x10, s18;
	[dreg:$0x8] =	wrdreg s19  }
0x12: {  	s8 =	simm.s32 $0x7;
	s21 =	sadd.s32 $0x18, s18;
	[dreg:$0x9] =	wrdreg s20  }
0x13: {  	s10 =	simm.s32 $0x2;
	s0 =	sadd.s32 $0x20, s18;
	[dreg:$0xa] =	wrdreg s21  }
0x14: {  	s9 =	simm.s32 $0x6;
	s22 =	sor.u32 $0x5, s6;
	[dreg:$0xb] =	wrdreg s0  }
0x15: {  	s23 =	sor.u32 $0x6, s6;
	s24 =	sor.u32 $0x1, s6;
	[dreg:$0xc] =	wrdreg s22  }
0x16: {  	s25 =	sor.u32 $0x7, s6;
	s18 =	sor.u32 $0x2, s6;
	[dreg:$0xd] =	wrdreg s23  }
0x17: {  	s26 =	sor.u32 $0x4, s6;
	s7 =	simm.s32 $0x40;
	[dreg:$0xe] =	wrdreg s24  }
0x18: {  	[dreg:$0xf] =	wrdreg s25;
	s19 =	sor.u32 $0x8, s6;
	s20 =	sor.u32 $0x3, s6  }
0x19: {  	s21 =	sor.u32 $0x9, s6;
	s0 =	sshll.u32 @!p0 s11, $0x6;
	s22 =	simm.s32 $0x4  }
0x1a: {  	s24 =	simm.s32 $0x5;
	s11 =	simm.s32 $0x8;
	s0 =	sor.u32 @!p0 $0x1C10, s0  }
0x1b: {  	s23 =	simm.s32 $0xA;
	[dreg:$0x12] =	wrdreg s0;
	s0 =	sshrl.u32 @!p0 s4, $0x3  }
0x1c: {  	s4 =	simm.s32 $0x1;
	[dreg:$0x13] =	wrdreg s0;
	s0 =	simm.s32 $0x13A80  }
.LBB2_1:
0x1d: {  	[dreg:$0x14] =	wrdreg s15  }
0x1e: {  	s15 =	rddreg [dreg:$0x6]  }
0x1f: {  	s14 =	simm.s32 @p0 $0x1FD0;
	s16 =	rddreg [dreg:$0x11]  }
0x20: {  	[spmem:s16], [sflag:s14] =	dma.local @p0 [hbm:s15], $0x2080  }
0x21: {  	s14 =	simm.s32 @p0 $0x10  }
0x22: {  	_ =	swait.ge @p0 [sflag:s14], $0x2080  }
0x23: {  	s15 =	rddreg [dreg:$0x12]  }
0x24: {  	[sflag:s14] =	ssyncset.done @p0 $0x0;
	s16 =	rddreg [dreg:$0x13]  }
0x25: {  	[sflag:s14] =	ssyncadd.s32 @p0 $0xFFFFDF80;
	s14 =	rddreg [dreg:$0x5]  }
0x26: {  	[spmem:s16], [sflag:s15] =	dma.local @!p0 [hbm:s14], $0x2780  }
0x27: {  	s14 =	simm.s32 @!p0 $0x10  }
0x28: {  	_ =	swait.ge @!p0 [sflag:s14], $0x2780  }
0x29: {  	[sflag:s14] =	ssyncset.done @!p0 $0x0  }
0x2a: {  	[sflag:s14] =	ssyncadd.s32 @!p0 $0xFFFFD880  }
0x2b: {  	[bflag:$0x0] =	sbarrier.arrive $0xFFFF  }
0x2c: {  	s17 =	rddreg [dreg:$0x7]  }
0x2d: {  	[tilespmem:s28], [sflag:$0x1] =	stream.linear.gather [hbm4b:s17+s3], $0x40, $0x38;
	[tilespmem:$0x1DD80] =	vst v63  }
0x2e: {  	s25 =	rddreg [dreg:$0x8]  }
0x2f: {  	[tilespmem:s29], [sflag:$0x2] =	stream.linear.gather [hbm4b:s25+s3], $0x40, $0x38;
	[tilespmem:$0x1DD80] =	vst v63  }
0x30: {  	s15 =	rddreg [dreg:$0x9]  }
0x31: {  	[tilespmem:s30], [sflag:$0x3] =	stream.linear.gather [hbm4b:s15+s3], $0x40, $0x38;
	[tilespmem:$0x1DD80] =	vst v63  }
0x32: {  	s16 =	rddreg [dreg:$0xa]  }
0x33: {  	[tilespmem:s31], [sflag:$0x4] =	stream.linear.gather [hbm4b:s16+s3], $0x40, $0x38;
	[tilespmem:$0x1DD80] =	vst v63  }
0x34: {  	s17 =	rddreg [dreg:$0xb]  }
0x35: {  	[tilespmem:s0], [sflag:$0x5] =	stream.linear.gather [hbm4b:s17+s3], $0x40, $0x38;
	[tilespmem:$0x1DD80] =	vst v63  }
0x36: {  	_ =	swait.ge [sflag:s4], $0x40  }
0x37: {  	[sflag:s4] =	ssyncset.done $0x0  }
0x38: {  	s25 =	simm.s32 $0x13B00;
	[sflag:s4] =	ssyncadd.s32 $0xFFFFFFC0  }
0x39: {  	[tilespmem:s25], [sflag:$0x6] =	stream.indirect.gather [spmem:s2], $0x80, s28, s7, $0xb8;
	[tilespmem:$0x1DD80] =	vst v63  }
0x3a: {  	_ =	swait.ge [sflag:s10], $0x40  }
0x3b: {  	[sflag:s10] =	ssyncset.done $0x0  }
0x3c: {  	s15 =	simm.s32 $0x15B00;
	[sflag:s10] =	ssyncadd.s32 $0xFFFFFFC0  }
0x3d: {  	[tilespmem:s15], [sflag:$0x7] =	stream.indirect.gather [spmem:s2], $0x80, s29, s7, $0xb8;
	[tilespmem:$0x1DD80] =	vst v63  }
0x3e: {  	_ =	swait.ge [sflag:s12], $0x40  }
0x3f: {  	[sflag:s12] =	ssyncset.done $0x0  }
0x40: {  	s16 =	simm.s32 $0x17B00;
	[sflag:s12] =	ssyncadd.s32 $0xFFFFFFC0  }
0x41: {  	[tilespmem:s16], [sflag:$0x8] =	stream.indirect.gather [spmem:s2], $0x80, s30, s7, $0xb8;
	[tilespmem:$0x1DD80] =	vst v63  }
0x42: {  	_ =	swait.ge [sflag:s22], $0x40  }
0x43: {  	[sflag:s22] =	ssyncset.done $0x0  }
0x44: {  	s17 =	simm.s32 $0x19B00;
	[sflag:s22] =	ssyncadd.s32 $0xFFFFFFC0  }
0x45: {  	[tilespmem:s17], [sflag:$0x9] =	stream.indirect.gather [spmem:s2], $0x80, s31, s7, $0xb8;
	[tilespmem:$0x1DD80] =	vst v63  }
0x46: {  	_ =	swait.ge [sflag:s24], $0x40  }
0x47: {  	[sflag:s24] =	ssyncset.done $0x0  }
0x48: {  	s25 =	simm.s32 $0x1BB00;
	[sflag:s24] =	ssyncadd.s32 $0xFFFFFFC0  }
0x49: {  	[tilespmem:s25], [sflag:$0xA] =	stream.indirect.gather [spmem:s2], $0x80, s0, s7, $0xb8;
	[tilespmem:$0x1DD80] =	vst v63  }
0x4a: {  	s25 =	simm.s32 $0x0  }
.LBB2_2:
0x4b: {  	s14 =	smul.u32 $0x5, s25  }
0x4c: {  	s15 =	rddreg [dreg:$0xc]  }
0x4d: {  	s15 =	sadd.s32 s14, s15  }
0x4e: {  	_ =	swait.ge [sflag:s9], $0x2000;
	s15 =	sshll.u32 s15, $0x3  }
0x4f: {  	[sflag:s9] =	ssyncset.done $0x0;
	s15 =	sand.u32 $0x1FFFFFF8, s15  }
0x50: {  	p1 =	seq.s32 s25, $0x0;
	[sflag:s9] =	ssyncadd.s32 $0xFFFFE000;
	s15 =	sadd.s32 s1, s15  }
0x51: {  	[tilespmem:s28], [sflag:$0x1] =	stream.linear.gather [hbm4b:s15+s3], $0x40, $0x38;
	[tilespmem:$0x1DD80] =	vst v63  }
0x52: {  	s15 =	simm.s32 @!p1 $0xB  }
0x53: {  	_ =	swait.ge @!p1 [sflag:s15], $0x80  }
0x54: {  	[sflag:s15] =	ssyncset.done @!p1 $0x0  }
0x55: {  	[sflag:s15] =	ssyncadd.s32 @!p1 $0xFFFFFF80;
	s15 =	simm.s32 $0x0  }
0x56: {  	v0 =	vld [tilespmem:s15+$0x14A80]  }
0x57: {  	v2 =	vld [tilespmem:s15+$0x14A00]  }
0x58: {  	v1 =	vld [tilespmem:s15+$0x14980]  }
0x59: {  	v3 =	vld [tilespmem:s15+$0x14900]  }
0x5a: {  	v4 =	vld [tilespmem:s15+$0x14880]  }
0x5b: {  	v5 =	vld [tilespmem:s15+$0x14800]  }
0x5c: {  	v6 =	vld [tilespmem:s15+$0x14780]  }
0x5d: {  	v7 =	vld [tilespmem:s15+$0x14700]  }
0x5e: {  	v8 =	vld [tilespmem:s15+$0x14680]  }
0x5f: {  	v9 =	vld [tilespmem:s15+$0x14600]  }
0x60: {  	v10 =	vld [tilespmem:s15+$0x14580]  }
0x61: {  	v11 =	vld [tilespmem:s15+$0x14500]  }
0x62: {  	v12 =	vld [tilespmem:s15+$0x14480]  }
0x63: {  	v13 =	vld [tilespmem:s15+$0x14400]  }
0x64: {  	v14 =	vld [tilespmem:s15+$0x14380]  }
0x65: {  	v15 =	vld [tilespmem:s15+$0x14300]  }
0x66: {  	v16 =	vld [tilespmem:s15+$0x14280]  }
0x67: {  	v17 =	vld [tilespmem:s15+$0x14200]  }
0x68: {  	v18 =	vld [tilespmem:s15+$0x14180]  }
0x69: {  	v19 =	vld [tilespmem:s15+$0x14100]  }
0x6a: {  	v20 =	vld [tilespmem:s15+$0x14080]  }
0x6b: {  	v21 =	vld [tilespmem:s15+$0x14000]  }
0x6c: {  	v22 =	vld [tilespmem:s15+$0x13F80]  }
0x6d: {  	v23 =	vld [tilespmem:s15+$0x13F00]  }
0x6e: {  	v24 =	vld [tilespmem:s15+$0x13E80]  }
0x6f: {  	v25 =	vld [tilespmem:s15+$0x13E00]  }
0x70: {  	v26 =	vld [tilespmem:s15+$0x13D80]  }
0x71: {  	v27 =	vld [tilespmem:s15+$0x13D00]  }
0x72: {  	v28 =	vld [tilespmem:s15+$0x13C80]  }
0x73: {  	v29 =	vld [tilespmem:s15+$0x13C00]  }
0x74: {  	v30 =	vld [tilespmem:s15+$0x13B00]  }
0x75: {  	v31 =	vld [tilespmem:s15+$0x14B00]  }
0x76: {  	s16 =	simm.s32 $0x40;
	v32 =	vld [tilespmem:s15+$0x13B80]  }
.LBB2_3:
0x77: {  	p2 =	sne.s32 s16, $0x1C0;
	v33 =	vld [tilespmem:s15+$0x14B80]  }
0x78: {  	v34 =	vld [tilespmem:s15+$0x14C00]  }
0x79: {  	v35 =	vld [tilespmem:s15+$0x14C80]  }
0x7a: {  	v36 =	vld [tilespmem:s15+$0x14D00]  }
0x7b: {  	v37 =	vld [tilespmem:s15+$0x14D80]  }
0x7c: {  	v30 =	vsub.f32 v30, v31;
	v31 =	vsub.f32 v32, v33;
	v32 =	vld [tilespmem:s15+$0x14E00]  }
0x7d: {  	v29 =	vsub.f32 v29, v34;
	v33 =	vld [tilespmem:s15+$0x14E80]  }
0x7e: {  	v30 =	vmax.f32 v30, v31;
	v28 =	vsub.f32 v28, v35;
	v31 =	vld [tilespmem:s15+$0x14F00]  }
0x7f: {  	v29 =	vmax.f32 v30, v29;
	v27 =	vsub.f32 v27, v36;
	v30 =	vld [tilespmem:s15+$0x14F80]  }
0x80: {  	v28 =	vmax.f32 v29, v28;
	v26 =	vsub.f32 v26, v37;
	v29 =	vld [tilespmem:s15+$0x15000]  }
0x81: {  	v27 =	vmax.f32 v28, v27;
	v25 =	vsub.f32 v25, v32;
	v28 =	vld [tilespmem:s15+$0x15080]  }
0x82: {  	v26 =	vmax.f32 v27, v26;
	v24 =	vsub.f32 v24, v33;
	v27 =	vld [tilespmem:s15+$0x15100]  }
0x83: {  	v25 =	vmax.f32 v26, v25;
	v23 =	vsub.f32 v23, v31;
	v26 =	vld [tilespmem:s15+$0x15180]  }
0x84: {  	v24 =	vmax.f32 v25, v24;
	v22 =	vsub.f32 v22, v30;
	v25 =	vld [tilespmem:s15+$0x15200]  }
0x85: {  	v23 =	vmax.f32 v24, v23;
	v21 =	vsub.f32 v21, v29;
	v24 =	vld [tilespmem:s15+$0x15280]  }
0x86: {  	v22 =	vmax.f32 v23, v22;
	v20 =	vsub.f32 v20, v28;
	v23 =	vld [tilespmem:s15+$0x15300]  }
0x87: {  	v21 =	vmax.f32 v22, v21;
	v19 =	vsub.f32 v19, v27;
	v22 =	vld [tilespmem:s15+$0x15380]  }
0x88: {  	v20 =	vmax.f32 v21, v20;
	v18 =	vsub.f32 v18, v26;
	v21 =	vld [tilespmem:s15+$0x15400]  }
0x89: {  	v19 =	vmax.f32 v20, v19;
	v17 =	vsub.f32 v17, v25;
	v20 =	vld [tilespmem:s15+$0x15480]  }
0x8a: {  	v18 =	vmax.f32 v19, v18;
	v16 =	vsub.f32 v16, v24;
	v19 =	vld [tilespmem:s15+$0x15500]  }
0x8b: {  	v17 =	vmax.f32 v18, v17;
	v15 =	vsub.f32 v15, v23;
	v18 =	vld [tilespmem:s15+$0x15580]  }
0x8c: {  	v16 =	vmax.f32 v17, v16;
	v14 =	vsub.f32 v14, v22;
	v17 =	vld [tilespmem:s15+$0x15600]  }
0x8d: {  	v15 =	vmax.f32 v16, v15;
	v13 =	vsub.f32 v13, v21;
	v16 =	vld [tilespmem:s15+$0x15680]  }
0x8e: {  	v14 =	vmax.f32 v15, v14;
	v12 =	vsub.f32 v12, v20;
	v15 =	vld [tilespmem:s15+$0x15700]  }
0x8f: {  	v13 =	vmax.f32 v14, v13;
	v11 =	vsub.f32 v11, v19;
	v14 =	vld [tilespmem:s15+$0x15780]  }
0x90: {  	v12 =	vmax.f32 v13, v12;
	v10 =	vsub.f32 v10, v18;
	v13 =	vld [tilespmem:s15+$0x15800]  }
0x91: {  	v11 =	vmax.f32 v12, v11;
	v9 =	vsub.f32 v9, v17;
	v12 =	vld [tilespmem:s15+$0x15880]  }
0x92: {  	v10 =	vmax.f32 v11, v10;
	v8 =	vsub.f32 v8, v16;
	v11 =	vld [tilespmem:s15+$0x15900]  }
0x93: {  	v9 =	vmax.f32 v10, v9;
	v7 =	vsub.f32 v7, v15;
	v10 =	vld [tilespmem:s15+$0x15980]  }
0x94: {  	v8 =	vmax.f32 v9, v8;
	v6 =	vsub.f32 v6, v14;
	v9 =	vld [tilespmem:s15+$0x15A00]  }
0x95: {  	s17 =	sshra.s32 s16, $0x2;
	v7 =	vmax.f32 v8, v7;
	v5 =	vsub.f32 v5, v13;
	v8 =	vld [tilespmem:s15+$0x15A80]  }
0x96: {  	v13 =	vld [tilespmem:s17+$0x14A80];
	v6 =	vmax.f32 v7, v6;
	v4 =	vsub.f32 v4, v12  }
0x97: {  	v7 =	vld [tilespmem:s17+$0x14A00];
	v5 =	vmax.f32 v6, v5;
	v6 =	vsub.f32 v3, v11  }
0x98: {  	v4 =	vmax.f32 v5, v4;
	v5 =	vsub.f32 v1, v10;
	v1 =	vld [tilespmem:s17+$0x14980]  }
0x99: {  	v3 =	vld [tilespmem:s17+$0x14900];
	v6 =	vmax.f32 v4, v6;
	v10 =	vsub.f32 v2, v9  }
0x9a: {  	v4 =	vld [tilespmem:s17+$0x14880];
	v6 =	vmax.f32 v6, v5;
	v8 =	vsub.f32 v0, v8  }
0x9b: {  	v5 =	vld [tilespmem:s17+$0x14800];
	v9 =	vmax.f32 v6, v10;
	v0 =	vmov v13  }
0x9c: {  	v6 =	vld [tilespmem:s17+$0x14780];
	v8 =	vmax.f32 v9, v8;
	v2 =	vmov v7  }
0x9d: {  	v7 =	vld [tilespmem:s17+$0x14700];
	[tilespmem:s15+$0x1DB00] =	vst v8;
	s15 =	smov.u32 s17  }
0x9e: {  	v8 =	vld [tilespmem:s15+$0x14680]  }
0x9f: {  	v9 =	vld [tilespmem:s15+$0x14600]  }
0xa0: {  	v10 =	vld [tilespmem:s15+$0x14580]  }
0xa1: {  	v11 =	vld [tilespmem:s15+$0x14500]  }
0xa2: {  	v12 =	vld [tilespmem:s15+$0x14480]  }
0xa3: {  	v13 =	vld [tilespmem:s15+$0x14400]  }
0xa4: {  	v14 =	vld [tilespmem:s15+$0x14380]  }
0xa5: {  	v15 =	vld [tilespmem:s15+$0x14300]  }
0xa6: {  	v16 =	vld [tilespmem:s15+$0x14280]  }
0xa7: {  	v17 =	vld [tilespmem:s15+$0x14200]  }
0xa8: {  	v18 =	vld [tilespmem:s15+$0x14180]  }
0xa9: {  	v19 =	vld [tilespmem:s15+$0x14100]  }
0xaa: {  	v20 =	vld [tilespmem:s15+$0x14080]  }
0xab: {  	v21 =	vld [tilespmem:s15+$0x14000]  }
0xac: {  	v22 =	vld [tilespmem:s15+$0x13F80]  }
0xad: {  	v23 =	vld [tilespmem:s15+$0x13F00]  }
0xae: {  	v24 =	vld [tilespmem:s15+$0x13E80]  }
0xaf: {  	v25 =	vld [tilespmem:s15+$0x13E00]  }
0xb0: {  	v26 =	vld [tilespmem:s15+$0x13D80]  }
0xb1: {  	v27 =	vld [tilespmem:s15+$0x13D00]  }
.Ltmp0:
0xb2: {  	v28 =	vld [tilespmem:s15+$0x13C80];
	(pc) =	sbr.rel @p2 .LBB2_3-.Ltmp0, $4  }
0xb3: {  	v29 =	vld [tilespmem:s15+$0x13C00]  }
0xb4: {  	v30 =	vld [tilespmem:s15+$0x13B00]  }
0xb5: {  	v31 =	vld [tilespmem:s15+$0x14B00]  }
0xb6: {  	s16 =	sadd.s32 $0x40, s16;
	v32 =	vld [tilespmem:s15+$0x13B80]  }
0xb7: {  	v33 =	vld [tilespmem:s15+$0x14B80]  }
0xb8: {  	v34 =	vld [tilespmem:s15+$0x14C00]  }
0xb9: {  	v35 =	vld [tilespmem:s15+$0x14C80]  }
0xba: {  	v36 =	vld [tilespmem:s15+$0x14D00]  }
0xbb: {  	v37 =	vld [tilespmem:s15+$0x14D80]  }
0xbc: {  	v62 =	vld [tilespmem:s15+$0x14E00];
	v30 =	vsub.f32 v30, v31;
	v31 =	vsub.f32 v32, v33  }
0xbd: {  	v63 =	vld [tilespmem:s15+$0x14E80];
	v29 =	vsub.f32 v29, v34  }
0xbe: {  	v28 =	vsub.f32 v28, v35;
	v30 =	vmax.f32 v30, v31;
	v31 =	vld [tilespmem:s15+$0x14F00]  }
0xbf: {  	v27 =	vsub.f32 v27, v36;
	v29 =	vmax.f32 v30, v29;
	v30 =	vld [tilespmem:s15+$0x14F80]  }
0xc0: {  	v26 =	vsub.f32 v26, v37;
	v28 =	vmax.f32 v29, v28;
	v29 =	vld [tilespmem:s15+$0x15000]  }
0xc1: {  	v25 =	vsub.f32 v25, v62;
	v27 =	vmax.f32 v28, v27;
	v28 =	vld [tilespmem:s15+$0x15080]  }
0xc2: {  	v24 =	vsub.f32 v24, v63;
	v26 =	vmax.f32 v27, v26;
	v27 =	vld [tilespmem:s15+$0x15100]  }
0xc3: {  	v25 =	vmax.f32 v26, v25;
	v23 =	vsub.f32 v23, v31;
	v26 =	vld [tilespmem:s15+$0x15180]  }
0xc4: {  	v24 =	vmax.f32 v25, v24;
	v22 =	vsub.f32 v22, v30;
	v25 =	vld [tilespmem:s15+$0x15200]  }
0xc5: {  	v23 =	vmax.f32 v24, v23;
	v21 =	vsub.f32 v21, v29;
	v24 =	vld [tilespmem:s15+$0x15280]  }
0xc6: {  	v22 =	vmax.f32 v23, v22;
	v20 =	vsub.f32 v20, v28;
	v23 =	vld [tilespmem:s15+$0x15300]  }
0xc7: {  	v21 =	vmax.f32 v22, v21;
	v19 =	vsub.f32 v19, v27;
	v22 =	vld [tilespmem:s15+$0x15380]  }
0xc8: {  	v20 =	vmax.f32 v21, v20;
	v18 =	vsub.f32 v18, v26;
	v21 =	vld [tilespmem:s15+$0x15400]  }
0xc9: {  	v19 =	vmax.f32 v20, v19;
	v17 =	vsub.f32 v17, v25;
	v20 =	vld [tilespmem:s15+$0x15480]  }
0xca: {  	v18 =	vmax.f32 v19, v18;
	v16 =	vsub.f32 v16, v24;
	v19 =	vld [tilespmem:s15+$0x15500]  }
0xcb: {  	v17 =	vmax.f32 v18, v17;
	v15 =	vsub.f32 v15, v23;
	v18 =	vld [tilespmem:s15+$0x15580]  }
0xcc: {  	v16 =	vmax.f32 v17, v16;
	v14 =	vsub.f32 v14, v22;
	v17 =	vld [tilespmem:s15+$0x15600]  }
0xcd: {  	v15 =	vmax.f32 v16, v15;
	v13 =	vsub.f32 v13, v21;
	v16 =	vld [tilespmem:s15+$0x15680]  }
0xce: {  	v14 =	vmax.f32 v15, v14;
	v12 =	vsub.f32 v12, v20;
	v15 =	vld [tilespmem:s15+$0x15700]  }
0xcf: {  	v13 =	vmax.f32 v14, v13;
	v11 =	vsub.f32 v11, v19;
	v14 =	vld [tilespmem:s15+$0x15780]  }
0xd0: {  	v12 =	vmax.f32 v13, v12;
	v10 =	vsub.f32 v10, v18;
	v13 =	vld [tilespmem:s15+$0x15800]  }
0xd1: {  	v11 =	vmax.f32 v12, v11;
	v9 =	vsub.f32 v9, v17;
	v12 =	vld [tilespmem:s15+$0x15880]  }
0xd2: {  	v10 =	vmax.f32 v11, v10;
	v8 =	vsub.f32 v8, v16;
	v11 =	vld [tilespmem:s15+$0x15900]  }
0xd3: {  	v9 =	vmax.f32 v10, v9;
	v7 =	vsub.f32 v7, v15;
	v10 =	vld [tilespmem:s15+$0x15980]  }
0xd4: {  	v8 =	vmax.f32 v9, v8;
	v6 =	vsub.f32 v6, v14;
	v9 =	vld [tilespmem:s15+$0x15A00]  }
0xd5: {  	v7 =	vmax.f32 v8, v7;
	v5 =	vsub.f32 v5, v13;
	v8 =	vld [tilespmem:s15+$0x15A80]  }
0xd6: {  	v6 =	vmax.f32 v7, v6;
	v4 =	vsub.f32 v4, v12  }
0xd7: {  	v5 =	vmax.f32 v6, v5;
	v3 =	vsub.f32 v3, v11  }
0xd8: {  	v4 =	vmax.f32 v5, v4;
	v1 =	vsub.f32 v1, v10  }
0xd9: {  	v3 =	vmax.f32 v4, v3;
	v2 =	vsub.f32 v2, v9  }
0xda: {  	v1 =	vmax.f32 v3, v1;
	v0 =	vsub.f32 v0, v8  }
0xdb: {  	s16 =	sadd.s32 s6, s14;
	v1 =	vmax.f32 v1, v2  }
0xdc: {  	s16 =	sshll.u32 s16, $0x4;
	v0 =	vmax.f32 v1, v0  }
0xdd: {  	s17 =	simm.s32 $0x1DB00;
	s16 =	sadd.s32 s5, s16;
	[tilespmem:s15+$0x1DB00] =	vst v0  }
0xde: {  	[hbm4b:s16+s3] =	stream.linear.scatter [tilespmem:s17], [sflag:$0xB], $0x80, $0x38;
	[tilespmem:$0x1DD80] =	vst v63  }
0xdf: {  	_ =	swait.ge [sflag:s4], $0x40  }
0xe0: {  	[sflag:s4] =	ssyncset.done $0x0;
	s17 =	rddreg [dreg:$0xd]  }
0xe1: {  	s16 =	simm.s32 $0x13B00;
	[sflag:s4] =	ssyncadd.s32 $0xFFFFFFC0;
	s15 =	sadd.s32 s14, s17  }
0xe2: {  	[tilespmem:s16], [sflag:$0x6] =	stream.indirect.gather [spmem:s2], $0x80, s28, s7, $0xb8;
	[tilespmem:$0x1DD80] =	vst v63  }
0xe3: {  	s15 =	sshll.u32 s15, $0x3;
	_ =	swait.ge [sflag:s8], $0x2000  }
0xe4: {  	s15 =	sand.u32 $0x1FFFFFF8, s15;
	[sflag:s8] =	ssyncset.done $0x0  }
0xe5: {  	s15 =	sadd.s32 s1, s15;
	[sflag:s8] =	ssyncadd.s32 $0xFFFFE000  }
0xe6: {  	[tilespmem:s29], [sflag:$0x2] =	stream.linear.gather [hbm4b:s15+s3], $0x40, $0x38;
	[tilespmem:$0x1DD80] =	vst v63  }
0xe7: {  	s15 =	simm.s32 @!p1 $0xC  }
0xe8: {  	_ =	swait.ge @!p1 [sflag:s15], $0x80  }
0xe9: {  	[sflag:s15] =	ssyncset.done @!p1 $0x0  }
0xea: {  	[sflag:s15] =	ssyncadd.s32 @!p1 $0xFFFFFF80;
	s15 =	simm.s32 $0x0  }
0xeb: {  	v0 =	vld [tilespmem:s15+$0x16A80]  }
0xec: {  	v2 =	vld [tilespmem:s15+$0x16A00]  }
0xed: {  	v1 =	vld [tilespmem:s15+$0x16980]  }
0xee: {  	v3 =	vld [tilespmem:s15+$0x16900]  }
0xef: {  	v4 =	vld [tilespmem:s15+$0x16880]  }
0xf0: {  	v5 =	vld [tilespmem:s15+$0x16800]  }
0xf1: {  	v6 =	vld [tilespmem:s15+$0x16780]  }
0xf2: {  	v7 =	vld [tilespmem:s15+$0x16700]  }
0xf3: {  	v8 =	vld [tilespmem:s15+$0x16680]  }
0xf4: {  	v9 =	vld [tilespmem:s15+$0x16600]  }
0xf5: {  	v10 =	vld [tilespmem:s15+$0x16580]  }
0xf6: {  	v11 =	vld [tilespmem:s15+$0x16500]  }
0xf7: {  	v12 =	vld [tilespmem:s15+$0x16480]  }
0xf8: {  	v13 =	vld [tilespmem:s15+$0x16400]  }
0xf9: {  	v14 =	vld [tilespmem:s15+$0x16380]  }
0xfa: {  	v15 =	vld [tilespmem:s15+$0x16300]  }
0xfb: {  	v16 =	vld [tilespmem:s15+$0x16280]  }
0xfc: {  	v17 =	vld [tilespmem:s15+$0x16200]  }
0xfd: {  	v18 =	vld [tilespmem:s15+$0x16180]  }
0xfe: {  	v19 =	vld [tilespmem:s15+$0x16100]  }
0xff: {  	v20 =	vld [tilespmem:s15+$0x16080]  }
0x100: {  	v21 =	vld [tilespmem:s15+$0x16000]  }
0x101: {  	v22 =	vld [tilespmem:s15+$0x15F80]  }
0x102: {  	v23 =	vld [tilespmem:s15+$0x15F00]  }
0x103: {  	v24 =	vld [tilespmem:s15+$0x15E80]  }
0x104: {  	v25 =	vld [tilespmem:s15+$0x15E00]  }
0x105: {  	v26 =	vld [tilespmem:s15+$0x15D80]  }
0x106: {  	v27 =	vld [tilespmem:s15+$0x15D00]  }
0x107: {  	v28 =	vld [tilespmem:s15+$0x15C80]  }
0x108: {  	v29 =	vld [tilespmem:s15+$0x15C00]  }
0x109: {  	v30 =	vld [tilespmem:s15+$0x15B00]  }
0x10a: {  	v31 =	vld [tilespmem:s15+$0x16B00]  }
0x10b: {  	s16 =	simm.s32 $0x40;
	v32 =	vld [tilespmem:s15+$0x15B80]  }
.LBB2_5:
0x10c: {  	p2 =	sne.s32 s16, $0x1C0;
	v33 =	vld [tilespmem:s15+$0x16B80]  }
0x10d: {  	v34 =	vld [tilespmem:s15+$0x16C00]  }
0x10e: {  	v35 =	vld [tilespmem:s15+$0x16C80]  }
0x10f: {  	v36 =	vld [tilespmem:s15+$0x16D00]  }
0x110: {  	v37 =	vld [tilespmem:s15+$0x16D80]  }
0x111: {  	v30 =	vsub.f32 v30, v31;
	v31 =	vsub.f32 v32, v33;
	v32 =	vld [tilespmem:s15+$0x16E00]  }
0x112: {  	v29 =	vsub.f32 v29, v34;
	v33 =	vld [tilespmem:s15+$0x16E80]  }
0x113: {  	v30 =	vmax.f32 v30, v31;
	v28 =	vsub.f32 v28, v35;
	v31 =	vld [tilespmem:s15+$0x16F00]  }
0x114: {  	v29 =	vmax.f32 v30, v29;
	v27 =	vsub.f32 v27, v36;
	v30 =	vld [tilespmem:s15+$0x16F80]  }
0x115: {  	v28 =	vmax.f32 v29, v28;
	v26 =	vsub.f32 v26, v37;
	v29 =	vld [tilespmem:s15+$0x17000]  }
0x116: {  	v27 =	vmax.f32 v28, v27;
	v25 =	vsub.f32 v25, v32;
	v28 =	vld [tilespmem:s15+$0x17080]  }
0x117: {  	v26 =	vmax.f32 v27, v26;
	v24 =	vsub.f32 v24, v33;
	v27 =	vld [tilespmem:s15+$0x17100]  }
0x118: {  	v25 =	vmax.f32 v26, v25;
	v23 =	vsub.f32 v23, v31;
	v26 =	vld [tilespmem:s15+$0x17180]  }
0x119: {  	v24 =	vmax.f32 v25, v24;
	v22 =	vsub.f32 v22, v30;
	v25 =	vld [tilespmem:s15+$0x17200]  }
0x11a: {  	v23 =	vmax.f32 v24, v23;
	v21 =	vsub.f32 v21, v29;
	v24 =	vld [tilespmem:s15+$0x17280]  }
0x11b: {  	v22 =	vmax.f32 v23, v22;
	v20 =	vsub.f32 v20, v28;
	v23 =	vld [tilespmem:s15+$0x17300]  }
0x11c: {  	v21 =	vmax.f32 v22, v21;
	v19 =	vsub.f32 v19, v27;
	v22 =	vld [tilespmem:s15+$0x17380]  }
0x11d: {  	v20 =	vmax.f32 v21, v20;
	v18 =	vsub.f32 v18, v26;
	v21 =	vld [tilespmem:s15+$0x17400]  }
0x11e: {  	v19 =	vmax.f32 v20, v19;
	v17 =	vsub.f32 v17, v25;
	v20 =	vld [tilespmem:s15+$0x17480]  }
0x11f: {  	v18 =	vmax.f32 v19, v18;
	v16 =	vsub.f32 v16, v24;
	v19 =	vld [tilespmem:s15+$0x17500]  }
0x120: {  	v17 =	vmax.f32 v18, v17;
	v15 =	vsub.f32 v15, v23;
	v18 =	vld [tilespmem:s15+$0x17580]  }
0x121: {  	v16 =	vmax.f32 v17, v16;
	v14 =	vsub.f32 v14, v22;
	v17 =	vld [tilespmem:s15+$0x17600]  }
0x122: {  	v15 =	vmax.f32 v16, v15;
	v13 =	vsub.f32 v13, v21;
	v16 =	vld [tilespmem:s15+$0x17680]  }
0x123: {  	v14 =	vmax.f32 v15, v14;
	v12 =	vsub.f32 v12, v20;
	v15 =	vld [tilespmem:s15+$0x17700]  }
0x124: {  	v13 =	vmax.f32 v14, v13;
	v11 =	vsub.f32 v11, v19;
	v14 =	vld [tilespmem:s15+$0x17780]  }
0x125: {  	v12 =	vmax.f32 v13, v12;
	v10 =	vsub.f32 v10, v18;
	v13 =	vld [tilespmem:s15+$0x17800]  }
0x126: {  	v11 =	vmax.f32 v12, v11;
	v9 =	vsub.f32 v9, v17;
	v12 =	vld [tilespmem:s15+$0x17880]  }
0x127: {  	v10 =	vmax.f32 v11, v10;
	v8 =	vsub.f32 v8, v16;
	v11 =	vld [tilespmem:s15+$0x17900]  }
0x128: {  	v9 =	vmax.f32 v10, v9;
	v7 =	vsub.f32 v7, v15;
	v10 =	vld [tilespmem:s15+$0x17980]  }
0x129: {  	v8 =	vmax.f32 v9, v8;
	v6 =	vsub.f32 v6, v14;
	v9 =	vld [tilespmem:s15+$0x17A00]  }
0x12a: {  	s17 =	sshra.s32 s16, $0x2;
	v7 =	vmax.f32 v8, v7;
	v5 =	vsub.f32 v5, v13;
	v8 =	vld [tilespmem:s15+$0x17A80]  }
0x12b: {  	v13 =	vld [tilespmem:s17+$0x16A80];
	v6 =	vmax.f32 v7, v6;
	v4 =	vsub.f32 v4, v12  }
0x12c: {  	v7 =	vld [tilespmem:s17+$0x16A00];
	v5 =	vmax.f32 v6, v5;
	v6 =	vsub.f32 v3, v11  }
0x12d: {  	v4 =	vmax.f32 v5, v4;
	v5 =	vsub.f32 v1, v10;
	v1 =	vld [tilespmem:s17+$0x16980]  }
0x12e: {  	v3 =	vld [tilespmem:s17+$0x16900];
	v6 =	vmax.f32 v4, v6;
	v10 =	vsub.f32 v2, v9  }
0x12f: {  	v4 =	vld [tilespmem:s17+$0x16880];
	v6 =	vmax.f32 v6, v5;
	v8 =	vsub.f32 v0, v8  }
0x130: {  	v5 =	vld [tilespmem:s17+$0x16800];
	v9 =	vmax.f32 v6, v10;
	v0 =	vmov v13  }
0x131: {  	v6 =	vld [tilespmem:s17+$0x16780];
	v8 =	vmax.f32 v9, v8;
	v2 =	vmov v7  }
0x132: {  	v7 =	vld [tilespmem:s17+$0x16700];
	[tilespmem:s15+$0x1DB80] =	vst v8;
	s15 =	smov.u32 s17  }
0x133: {  	v8 =	vld [tilespmem:s15+$0x16680]  }
0x134: {  	v9 =	vld [tilespmem:s15+$0x16600]  }
0x135: {  	v10 =	vld [tilespmem:s15+$0x16580]  }
0x136: {  	v11 =	vld [tilespmem:s15+$0x16500]  }
0x137: {  	v12 =	vld [tilespmem:s15+$0x16480]  }
0x138: {  	v13 =	vld [tilespmem:s15+$0x16400]  }
0x139: {  	v14 =	vld [tilespmem:s15+$0x16380]  }
0x13a: {  	v15 =	vld [tilespmem:s15+$0x16300]  }
0x13b: {  	v16 =	vld [tilespmem:s15+$0x16280]  }
0x13c: {  	v17 =	vld [tilespmem:s15+$0x16200]  }
0x13d: {  	v18 =	vld [tilespmem:s15+$0x16180]  }
0x13e: {  	v19 =	vld [tilespmem:s15+$0x16100]  }
0x13f: {  	v20 =	vld [tilespmem:s15+$0x16080]  }
0x140: {  	v21 =	vld [tilespmem:s15+$0x16000]  }
0x141: {  	v22 =	vld [tilespmem:s15+$0x15F80]  }
0x142: {  	v23 =	vld [tilespmem:s15+$0x15F00]  }
0x143: {  	v24 =	vld [tilespmem:s15+$0x15E80]  }
0x144: {  	v25 =	vld [tilespmem:s15+$0x15E00]  }
0x145: {  	v26 =	vld [tilespmem:s15+$0x15D80]  }
0x146: {  	v27 =	vld [tilespmem:s15+$0x15D00]  }
.Ltmp1:
0x147: {  	v28 =	vld [tilespmem:s15+$0x15C80];
	(pc) =	sbr.rel @p2 .LBB2_5-.Ltmp1, $4  }
0x148: {  	v29 =	vld [tilespmem:s15+$0x15C00]  }
0x149: {  	v30 =	vld [tilespmem:s15+$0x15B00]  }
0x14a: {  	v31 =	vld [tilespmem:s15+$0x16B00]  }
0x14b: {  	s16 =	sadd.s32 $0x40, s16;
	v32 =	vld [tilespmem:s15+$0x15B80]  }
0x14c: {  	v33 =	vld [tilespmem:s15+$0x16B80]  }
0x14d: {  	v34 =	vld [tilespmem:s15+$0x16C00]  }
0x14e: {  	v35 =	vld [tilespmem:s15+$0x16C80]  }
0x14f: {  	v36 =	vld [tilespmem:s15+$0x16D00]  }
0x150: {  	v37 =	vld [tilespmem:s15+$0x16D80]  }
0x151: {  	v62 =	vld [tilespmem:s15+$0x16E00];
	v30 =	vsub.f32 v30, v31;
	v31 =	vsub.f32 v32, v33  }
0x152: {  	v63 =	vld [tilespmem:s15+$0x16E80];
	v29 =	vsub.f32 v29, v34  }
0x153: {  	v28 =	vsub.f32 v28, v35;
	v30 =	vmax.f32 v30, v31;
	v31 =	vld [tilespmem:s15+$0x16F00]  }
0x154: {  	v27 =	vsub.f32 v27, v36;
	v29 =	vmax.f32 v30, v29;
	v30 =	vld [tilespmem:s15+$0x16F80]  }
0x155: {  	v26 =	vsub.f32 v26, v37;
	v28 =	vmax.f32 v29, v28;
	v29 =	vld [tilespmem:s15+$0x17000]  }
0x156: {  	v25 =	vsub.f32 v25, v62;
	v27 =	vmax.f32 v28, v27;
	v28 =	vld [tilespmem:s15+$0x17080]  }
0x157: {  	v24 =	vsub.f32 v24, v63;
	v26 =	vmax.f32 v27, v26;
	v27 =	vld [tilespmem:s15+$0x17100]  }
0x158: {  	v25 =	vmax.f32 v26, v25;
	v23 =	vsub.f32 v23, v31;
	v26 =	vld [tilespmem:s15+$0x17180]  }
0x159: {  	v24 =	vmax.f32 v25, v24;
	v22 =	vsub.f32 v22, v30;
	v25 =	vld [tilespmem:s15+$0x17200]  }
0x15a: {  	v23 =	vmax.f32 v24, v23;
	v21 =	vsub.f32 v21, v29;
	v24 =	vld [tilespmem:s15+$0x17280]  }
0x15b: {  	v22 =	vmax.f32 v23, v22;
	v20 =	vsub.f32 v20, v28;
	v23 =	vld [tilespmem:s15+$0x17300]  }
0x15c: {  	v21 =	vmax.f32 v22, v21;
	v19 =	vsub.f32 v19, v27;
	v22 =	vld [tilespmem:s15+$0x17380]  }
0x15d: {  	v20 =	vmax.f32 v21, v20;
	v18 =	vsub.f32 v18, v26;
	v21 =	vld [tilespmem:s15+$0x17400]  }
0x15e: {  	v19 =	vmax.f32 v20, v19;
	v17 =	vsub.f32 v17, v25;
	v20 =	vld [tilespmem:s15+$0x17480]  }
0x15f: {  	v18 =	vmax.f32 v19, v18;
	v16 =	vsub.f32 v16, v24;
	v19 =	vld [tilespmem:s15+$0x17500]  }
0x160: {  	v17 =	vmax.f32 v18, v17;
	v15 =	vsub.f32 v15, v23;
	v18 =	vld [tilespmem:s15+$0x17580]  }
0x161: {  	v16 =	vmax.f32 v17, v16;
	v14 =	vsub.f32 v14, v22;
	v17 =	vld [tilespmem:s15+$0x17600]  }
0x162: {  	v15 =	vmax.f32 v16, v15;
	v13 =	vsub.f32 v13, v21;
	v16 =	vld [tilespmem:s15+$0x17680]  }
0x163: {  	v14 =	vmax.f32 v15, v14;
	v12 =	vsub.f32 v12, v20;
	v15 =	vld [tilespmem:s15+$0x17700]  }
0x164: {  	v13 =	vmax.f32 v14, v13;
	v11 =	vsub.f32 v11, v19;
	v14 =	vld [tilespmem:s15+$0x17780]  }
0x165: {  	v12 =	vmax.f32 v13, v12;
	v10 =	vsub.f32 v10, v18;
	v13 =	vld [tilespmem:s15+$0x17800]  }
0x166: {  	v11 =	vmax.f32 v12, v11;
	v9 =	vsub.f32 v9, v17;
	v12 =	vld [tilespmem:s15+$0x17880]  }
0x167: {  	v10 =	vmax.f32 v11, v10;
	v8 =	vsub.f32 v8, v16;
	v11 =	vld [tilespmem:s15+$0x17900]  }
0x168: {  	v9 =	vmax.f32 v10, v9;
	v7 =	vsub.f32 v7, v15;
	v10 =	vld [tilespmem:s15+$0x17980]  }
0x169: {  	v8 =	vmax.f32 v9, v8;
	v6 =	vsub.f32 v6, v14;
	v9 =	vld [tilespmem:s15+$0x17A00]  }
0x16a: {  	v7 =	vmax.f32 v8, v7;
	v5 =	vsub.f32 v5, v13;
	v8 =	vld [tilespmem:s15+$0x17A80]  }
0x16b: {  	v6 =	vmax.f32 v7, v6;
	v4 =	vsub.f32 v4, v12  }
0x16c: {  	v5 =	vmax.f32 v6, v5;
	v3 =	vsub.f32 v3, v11  }
0x16d: {  	v4 =	vmax.f32 v5, v4;
	v1 =	vsub.f32 v1, v10  }
0x16e: {  	s16 =	rddreg [dreg:$0xe];
	v3 =	vmax.f32 v4, v3;
	v2 =	vsub.f32 v2, v9  }
0x16f: {  	s16 =	sadd.s32 s14, s16;
	v1 =	vmax.f32 v3, v1;
	v0 =	vsub.f32 v0, v8  }
0x170: {  	s16 =	sshll.u32 s16, $0x4;
	v1 =	vmax.f32 v1, v2  }
0x171: {  	s16 =	sand.u32 $0x1FFFFFF0, s16;
	v0 =	vmax.f32 v1, v0  }
0x172: {  	s17 =	simm.s32 $0x1DB80;
	s16 =	sadd.s32 s5, s16;
	[tilespmem:s15+$0x1DB80] =	vst v0  }
0x173: {  	[hbm4b:s16+s3] =	stream.linear.scatter [tilespmem:s17], [sflag:$0xC], $0x80, $0x38;
	[tilespmem:$0x1DD80] =	vst v63  }
0x174: {  	_ =	swait.ge [sflag:s10], $0x40  }
0x175: {  	[sflag:s10] =	ssyncset.done $0x0;
	s17 =	rddreg [dreg:$0xf]  }
0x176: {  	s16 =	simm.s32 $0x15B00;
	[sflag:s10] =	ssyncadd.s32 $0xFFFFFFC0;
	s15 =	sadd.s32 s14, s17  }
0x177: {  	[tilespmem:s16], [sflag:$0x7] =	stream.indirect.gather [spmem:s2], $0x80, s29, s7, $0xb8;
	[tilespmem:$0x1DD80] =	vst v63  }
0x178: {  	s15 =	sshll.u32 s15, $0x3;
	_ =	swait.ge [sflag:s11], $0x2000  }
0x179: {  	s15 =	sand.u32 $0x1FFFFFF8, s15;
	[sflag:s11] =	ssyncset.done $0x0  }
0x17a: {  	s15 =	sadd.s32 s1, s15;
	[sflag:s11] =	ssyncadd.s32 $0xFFFFE000  }
0x17b: {  	[tilespmem:s30], [sflag:$0x3] =	stream.linear.gather [hbm4b:s15+s3], $0x40, $0x38;
	[tilespmem:$0x1DD80] =	vst v63  }
0x17c: {  	s15 =	simm.s32 @!p1 $0xD  }
0x17d: {  	_ =	swait.ge @!p1 [sflag:s15], $0x80  }
0x17e: {  	[sflag:s15] =	ssyncset.done @!p1 $0x0  }
0x17f: {  	[sflag:s15] =	ssyncadd.s32 @!p1 $0xFFFFFF80;
	s15 =	simm.s32 $0x0  }
0x180: {  	v0 =	vld [tilespmem:s15+$0x18A80]  }
0x181: {  	v2 =	vld [tilespmem:s15+$0x18A00]  }
0x182: {  	v1 =	vld [tilespmem:s15+$0x18980]  }
0x183: {  	v3 =	vld [tilespmem:s15+$0x18900]  }
0x184: {  	v4 =	vld [tilespmem:s15+$0x18880]  }
0x185: {  	v5 =	vld [tilespmem:s15+$0x18800]  }
0x186: {  	v6 =	vld [tilespmem:s15+$0x18780]  }
0x187: {  	v7 =	vld [tilespmem:s15+$0x18700]  }
0x188: {  	v8 =	vld [tilespmem:s15+$0x18680]  }
0x189: {  	v9 =	vld [tilespmem:s15+$0x18600]  }
0x18a: {  	v10 =	vld [tilespmem:s15+$0x18580]  }
0x18b: {  	v11 =	vld [tilespmem:s15+$0x18500]  }
0x18c: {  	v12 =	vld [tilespmem:s15+$0x18480]  }
0x18d: {  	v13 =	vld [tilespmem:s15+$0x18400]  }
0x18e: {  	v14 =	vld [tilespmem:s15+$0x18380]  }
0x18f: {  	v15 =	vld [tilespmem:s15+$0x18300]  }
0x190: {  	v16 =	vld [tilespmem:s15+$0x18280]  }
0x191: {  	v17 =	vld [tilespmem:s15+$0x18200]  }
0x192: {  	v18 =	vld [tilespmem:s15+$0x18180]  }
0x193: {  	v19 =	vld [tilespmem:s15+$0x18100]  }
0x194: {  	v20 =	vld [tilespmem:s15+$0x18080]  }
0x195: {  	v21 =	vld [tilespmem:s15+$0x18000]  }
0x196: {  	v22 =	vld [tilespmem:s15+$0x17F80]  }
0x197: {  	v23 =	vld [tilespmem:s15+$0x17F00]  }
0x198: {  	v24 =	vld [tilespmem:s15+$0x17E80]  }
0x199: {  	v25 =	vld [tilespmem:s15+$0x17E00]  }
0x19a: {  	v26 =	vld [tilespmem:s15+$0x17D80]  }
0x19b: {  	v27 =	vld [tilespmem:s15+$0x17D00]  }
0x19c: {  	v28 =	vld [tilespmem:s15+$0x17C80]  }
0x19d: {  	v29 =	vld [tilespmem:s15+$0x17C00]  }
0x19e: {  	v30 =	vld [tilespmem:s15+$0x17B00]  }
0x19f: {  	v31 =	vld [tilespmem:s15+$0x18B00]  }
0x1a0: {  	s16 =	simm.s32 $0x40;
	v32 =	vld [tilespmem:s15+$0x17B80]  }
.LBB2_7:
0x1a1: {  	p2 =	sne.s32 s16, $0x1C0;
	v33 =	vld [tilespmem:s15+$0x18B80]  }
0x1a2: {  	v34 =	vld [tilespmem:s15+$0x18C00]  }
0x1a3: {  	v35 =	vld [tilespmem:s15+$0x18C80]  }
0x1a4: {  	v36 =	vld [tilespmem:s15+$0x18D00]  }
0x1a5: {  	v37 =	vld [tilespmem:s15+$0x18D80]  }
0x1a6: {  	v30 =	vsub.f32 v30, v31;
	v31 =	vsub.f32 v32, v33;
	v32 =	vld [tilespmem:s15+$0x18E00]  }
0x1a7: {  	v29 =	vsub.f32 v29, v34;
	v33 =	vld [tilespmem:s15+$0x18E80]  }
0x1a8: {  	v30 =	vmax.f32 v30, v31;
	v28 =	vsub.f32 v28, v35;
	v31 =	vld [tilespmem:s15+$0x18F00]  }
0x1a9: {  	v29 =	vmax.f32 v30, v29;
	v27 =	vsub.f32 v27, v36;
	v30 =	vld [tilespmem:s15+$0x18F80]  }
0x1aa: {  	v28 =	vmax.f32 v29, v28;
	v26 =	vsub.f32 v26, v37;
	v29 =	vld [tilespmem:s15+$0x19000]  }
0x1ab: {  	v27 =	vmax.f32 v28, v27;
	v25 =	vsub.f32 v25, v32;
	v28 =	vld [tilespmem:s15+$0x19080]  }
0x1ac: {  	v26 =	vmax.f32 v27, v26;
	v24 =	vsub.f32 v24, v33;
	v27 =	vld [tilespmem:s15+$0x19100]  }
0x1ad: {  	v25 =	vmax.f32 v26, v25;
	v23 =	vsub.f32 v23, v31;
	v26 =	vld [tilespmem:s15+$0x19180]  }
0x1ae: {  	v24 =	vmax.f32 v25, v24;
	v22 =	vsub.f32 v22, v30;
	v25 =	vld [tilespmem:s15+$0x19200]  }
0x1af: {  	v23 =	vmax.f32 v24, v23;
	v21 =	vsub.f32 v21, v29;
	v24 =	vld [tilespmem:s15+$0x19280]  }
0x1b0: {  	v22 =	vmax.f32 v23, v22;
	v20 =	vsub.f32 v20, v28;
	v23 =	vld [tilespmem:s15+$0x19300]  }
0x1b1: {  	v21 =	vmax.f32 v22, v21;
	v19 =	vsub.f32 v19, v27;
	v22 =	vld [tilespmem:s15+$0x19380]  }
0x1b2: {  	v20 =	vmax.f32 v21, v20;
	v18 =	vsub.f32 v18, v26;
	v21 =	vld [tilespmem:s15+$0x19400]  }
0x1b3: {  	v19 =	vmax.f32 v20, v19;
	v17 =	vsub.f32 v17, v25;
	v20 =	vld [tilespmem:s15+$0x19480]  }
0x1b4: {  	v18 =	vmax.f32 v19, v18;
	v16 =	vsub.f32 v16, v24;
	v19 =	vld [tilespmem:s15+$0x19500]  }
0x1b5: {  	v17 =	vmax.f32 v18, v17;
	v15 =	vsub.f32 v15, v23;
	v18 =	vld [tilespmem:s15+$0x19580]  }
0x1b6: {  	v16 =	vmax.f32 v17, v16;
	v14 =	vsub.f32 v14, v22;
	v17 =	vld [tilespmem:s15+$0x19600]  }
0x1b7: {  	v15 =	vmax.f32 v16, v15;
	v13 =	vsub.f32 v13, v21;
	v16 =	vld [tilespmem:s15+$0x19680]  }
0x1b8: {  	v14 =	vmax.f32 v15, v14;
	v12 =	vsub.f32 v12, v20;
	v15 =	vld [tilespmem:s15+$0x19700]  }
0x1b9: {  	v13 =	vmax.f32 v14, v13;
	v11 =	vsub.f32 v11, v19;
	v14 =	vld [tilespmem:s15+$0x19780]  }
0x1ba: {  	v12 =	vmax.f32 v13, v12;
	v10 =	vsub.f32 v10, v18;
	v13 =	vld [tilespmem:s15+$0x19800]  }
0x1bb: {  	v11 =	vmax.f32 v12, v11;
	v9 =	vsub.f32 v9, v17;
	v12 =	vld [tilespmem:s15+$0x19880]  }
0x1bc: {  	v10 =	vmax.f32 v11, v10;
	v8 =	vsub.f32 v8, v16;
	v11 =	vld [tilespmem:s15+$0x19900]  }
0x1bd: {  	v9 =	vmax.f32 v10, v9;
	v7 =	vsub.f32 v7, v15;
	v10 =	vld [tilespmem:s15+$0x19980]  }
0x1be: {  	v8 =	vmax.f32 v9, v8;
	v6 =	vsub.f32 v6, v14;
	v9 =	vld [tilespmem:s15+$0x19A00]  }
0x1bf: {  	s17 =	sshra.s32 s16, $0x2;
	v7 =	vmax.f32 v8, v7;
	v5 =	vsub.f32 v5, v13;
	v8 =	vld [tilespmem:s15+$0x19A80]  }
0x1c0: {  	v13 =	vld [tilespmem:s17+$0x18A80];
	v6 =	vmax.f32 v7, v6;
	v4 =	vsub.f32 v4, v12  }
0x1c1: {  	v7 =	vld [tilespmem:s17+$0x18A00];
	v5 =	vmax.f32 v6, v5;
	v6 =	vsub.f32 v3, v11  }
0x1c2: {  	v4 =	vmax.f32 v5, v4;
	v5 =	vsub.f32 v1, v10;
	v1 =	vld [tilespmem:s17+$0x18980]  }
0x1c3: {  	v3 =	vld [tilespmem:s17+$0x18900];
	v6 =	vmax.f32 v4, v6;
	v10 =	vsub.f32 v2, v9  }
0x1c4: {  	v4 =	vld [tilespmem:s17+$0x18880];
	v6 =	vmax.f32 v6, v5;
	v8 =	vsub.f32 v0, v8  }
0x1c5: {  	v5 =	vld [tilespmem:s17+$0x18800];
	v9 =	vmax.f32 v6, v10;
	v0 =	vmov v13  }
0x1c6: {  	v6 =	vld [tilespmem:s17+$0x18780];
	v8 =	vmax.f32 v9, v8;
	v2 =	vmov v7  }
0x1c7: {  	v7 =	vld [tilespmem:s17+$0x18700];
	[tilespmem:s15+$0x1DC00] =	vst v8;
	s15 =	smov.u32 s17  }
0x1c8: {  	v8 =	vld [tilespmem:s15+$0x18680]  }
0x1c9: {  	v9 =	vld [tilespmem:s15+$0x18600]  }
0x1ca: {  	v10 =	vld [tilespmem:s15+$0x18580]  }
0x1cb: {  	v11 =	vld [tilespmem:s15+$0x18500]  }
0x1cc: {  	v12 =	vld [tilespmem:s15+$0x18480]  }
0x1cd: {  	v13 =	vld [tilespmem:s15+$0x18400]  }
0x1ce: {  	v14 =	vld [tilespmem:s15+$0x18380]  }
0x1cf: {  	v15 =	vld [tilespmem:s15+$0x18300]  }
0x1d0: {  	v16 =	vld [tilespmem:s15+$0x18280]  }
0x1d1: {  	v17 =	vld [tilespmem:s15+$0x18200]  }
0x1d2: {  	v18 =	vld [tilespmem:s15+$0x18180]  }
0x1d3: {  	v19 =	vld [tilespmem:s15+$0x18100]  }
0x1d4: {  	v20 =	vld [tilespmem:s15+$0x18080]  }
0x1d5: {  	v21 =	vld [tilespmem:s15+$0x18000]  }
0x1d6: {  	v22 =	vld [tilespmem:s15+$0x17F80]  }
0x1d7: {  	v23 =	vld [tilespmem:s15+$0x17F00]  }
0x1d8: {  	v24 =	vld [tilespmem:s15+$0x17E80]  }
0x1d9: {  	v25 =	vld [tilespmem:s15+$0x17E00]  }
0x1da: {  	v26 =	vld [tilespmem:s15+$0x17D80]  }
0x1db: {  	v27 =	vld [tilespmem:s15+$0x17D00]  }
.Ltmp2:
0x1dc: {  	v28 =	vld [tilespmem:s15+$0x17C80];
	(pc) =	sbr.rel @p2 .LBB2_7-.Ltmp2, $4  }
0x1dd: {  	v29 =	vld [tilespmem:s15+$0x17C00]  }
0x1de: {  	v30 =	vld [tilespmem:s15+$0x17B00]  }
0x1df: {  	v31 =	vld [tilespmem:s15+$0x18B00]  }
0x1e0: {  	s16 =	sadd.s32 $0x40, s16;
	v32 =	vld [tilespmem:s15+$0x17B80]  }
0x1e1: {  	v33 =	vld [tilespmem:s15+$0x18B80]  }
0x1e2: {  	v34 =	vld [tilespmem:s15+$0x18C00]  }
0x1e3: {  	v35 =	vld [tilespmem:s15+$0x18C80]  }
0x1e4: {  	v36 =	vld [tilespmem:s15+$0x18D00]  }
0x1e5: {  	v37 =	vld [tilespmem:s15+$0x18D80]  }
0x1e6: {  	v62 =	vld [tilespmem:s15+$0x18E00];
	v30 =	vsub.f32 v30, v31;
	v31 =	vsub.f32 v32, v33  }
0x1e7: {  	v63 =	vld [tilespmem:s15+$0x18E80];
	v29 =	vsub.f32 v29, v34  }
0x1e8: {  	v28 =	vsub.f32 v28, v35;
	v30 =	vmax.f32 v30, v31;
	v31 =	vld [tilespmem:s15+$0x18F00]  }
0x1e9: {  	v27 =	vsub.f32 v27, v36;
	v29 =	vmax.f32 v30, v29;
	v30 =	vld [tilespmem:s15+$0x18F80]  }
0x1ea: {  	v26 =	vsub.f32 v26, v37;
	v28 =	vmax.f32 v29, v28;
	v29 =	vld [tilespmem:s15+$0x19000]  }
0x1eb: {  	v25 =	vsub.f32 v25, v62;
	v27 =	vmax.f32 v28, v27;
	v28 =	vld [tilespmem:s15+$0x19080]  }
0x1ec: {  	v24 =	vsub.f32 v24, v63;
	v26 =	vmax.f32 v27, v26;
	v27 =	vld [tilespmem:s15+$0x19100]  }
0x1ed: {  	v25 =	vmax.f32 v26, v25;
	v23 =	vsub.f32 v23, v31;
	v26 =	vld [tilespmem:s15+$0x19180]  }
0x1ee: {  	v24 =	vmax.f32 v25, v24;
	v22 =	vsub.f32 v22, v30;
	v25 =	vld [tilespmem:s15+$0x19200]  }
0x1ef: {  	v23 =	vmax.f32 v24, v23;
	v21 =	vsub.f32 v21, v29;
	v24 =	vld [tilespmem:s15+$0x19280]  }
0x1f0: {  	v22 =	vmax.f32 v23, v22;
	v20 =	vsub.f32 v20, v28;
	v23 =	vld [tilespmem:s15+$0x19300]  }
0x1f1: {  	v21 =	vmax.f32 v22, v21;
	v19 =	vsub.f32 v19, v27;
	v22 =	vld [tilespmem:s15+$0x19380]  }
0x1f2: {  	v20 =	vmax.f32 v21, v20;
	v18 =	vsub.f32 v18, v26;
	v21 =	vld [tilespmem:s15+$0x19400]  }
0x1f3: {  	v19 =	vmax.f32 v20, v19;
	v17 =	vsub.f32 v17, v25;
	v20 =	vld [tilespmem:s15+$0x19480]  }
0x1f4: {  	v18 =	vmax.f32 v19, v18;
	v16 =	vsub.f32 v16, v24;
	v19 =	vld [tilespmem:s15+$0x19500]  }
0x1f5: {  	v17 =	vmax.f32 v18, v17;
	v15 =	vsub.f32 v15, v23;
	v18 =	vld [tilespmem:s15+$0x19580]  }
0x1f6: {  	v16 =	vmax.f32 v17, v16;
	v14 =	vsub.f32 v14, v22;
	v17 =	vld [tilespmem:s15+$0x19600]  }
0x1f7: {  	v15 =	vmax.f32 v16, v15;
	v13 =	vsub.f32 v13, v21;
	v16 =	vld [tilespmem:s15+$0x19680]  }
0x1f8: {  	v14 =	vmax.f32 v15, v14;
	v12 =	vsub.f32 v12, v20;
	v15 =	vld [tilespmem:s15+$0x19700]  }
0x1f9: {  	v13 =	vmax.f32 v14, v13;
	v11 =	vsub.f32 v11, v19;
	v14 =	vld [tilespmem:s15+$0x19780]  }
0x1fa: {  	v12 =	vmax.f32 v13, v12;
	v10 =	vsub.f32 v10, v18;
	v13 =	vld [tilespmem:s15+$0x19800]  }
0x1fb: {  	v11 =	vmax.f32 v12, v11;
	v9 =	vsub.f32 v9, v17;
	v12 =	vld [tilespmem:s15+$0x19880]  }
0x1fc: {  	v10 =	vmax.f32 v11, v10;
	v8 =	vsub.f32 v8, v16;
	v11 =	vld [tilespmem:s15+$0x19900]  }
0x1fd: {  	v9 =	vmax.f32 v10, v9;
	v7 =	vsub.f32 v7, v15;
	v10 =	vld [tilespmem:s15+$0x19980]  }
0x1fe: {  	v8 =	vmax.f32 v9, v8;
	v6 =	vsub.f32 v6, v14;
	v9 =	vld [tilespmem:s15+$0x19A00]  }
0x1ff: {  	v7 =	vmax.f32 v8, v7;
	v5 =	vsub.f32 v5, v13;
	v8 =	vld [tilespmem:s15+$0x19A80]  }
0x200: {  	v6 =	vmax.f32 v7, v6;
	v4 =	vsub.f32 v4, v12  }
0x201: {  	v5 =	vmax.f32 v6, v5;
	v3 =	vsub.f32 v3, v11  }
0x202: {  	v4 =	vmax.f32 v5, v4;
	v1 =	vsub.f32 v1, v10  }
0x203: {  	v3 =	vmax.f32 v4, v3;
	v2 =	vsub.f32 v2, v9  }
0x204: {  	s16 =	sadd.s32 s14, s18;
	v1 =	vmax.f32 v3, v1;
	v0 =	vsub.f32 v0, v8  }
0x205: {  	s16 =	sshll.u32 s16, $0x4;
	v1 =	vmax.f32 v1, v2  }
0x206: {  	s16 =	sand.u32 $0x1FFFFFF0, s16;
	v0 =	vmax.f32 v1, v0  }
0x207: {  	s17 =	simm.s32 $0x1DC00;
	s16 =	sadd.s32 s5, s16;
	[tilespmem:s15+$0x1DC00] =	vst v0  }
0x208: {  	[hbm4b:s16+s3] =	stream.linear.scatter [tilespmem:s17], [sflag:$0xD], $0x80, $0x38;
	[tilespmem:$0x1DD80] =	vst v63  }
0x209: {  	_ =	swait.ge [sflag:s12], $0x40  }
0x20a: {  	[sflag:s12] =	ssyncset.done $0x0  }
0x20b: {  	s16 =	simm.s32 $0x17B00;
	s17 =	sadd.s32 s14, s19;
	[sflag:s12] =	ssyncadd.s32 $0xFFFFFFC0  }
0x20c: {  	[tilespmem:s16], [sflag:$0x8] =	stream.indirect.gather [spmem:s2], $0x80, s30, s7, $0xb8;
	[tilespmem:$0x1DD80] =	vst v63  }
0x20d: {  	s15 =	sshll.u32 s17, $0x3;
	_ =	swait.ge [sflag:s13], $0x2000  }
0x20e: {  	s15 =	sand.u32 $0x1FFFFFF8, s15;
	[sflag:s13] =	ssyncset.done $0x0  }
0x20f: {  	s15 =	sadd.s32 s1, s15;
	[sflag:s13] =	ssyncadd.s32 $0xFFFFE000  }
0x210: {  	[tilespmem:s31], [sflag:$0x4] =	stream.linear.gather [hbm4b:s15+s3], $0x40, $0x38;
	[tilespmem:$0x1DD80] =	vst v63  }
0x211: {  	s15 =	simm.s32 @!p1 $0xE  }
0x212: {  	_ =	swait.ge @!p1 [sflag:s15], $0x80  }
0x213: {  	[sflag:s15] =	ssyncset.done @!p1 $0x0  }
0x214: {  	[sflag:s15] =	ssyncadd.s32 @!p1 $0xFFFFFF80;
	s15 =	simm.s32 $0x0  }
0x215: {  	v0 =	vld [tilespmem:s15+$0x1AA80]  }
0x216: {  	v2 =	vld [tilespmem:s15+$0x1AA00]  }
0x217: {  	v1 =	vld [tilespmem:s15+$0x1A980]  }
0x218: {  	v3 =	vld [tilespmem:s15+$0x1A900]  }
0x219: {  	v4 =	vld [tilespmem:s15+$0x1A880]  }
0x21a: {  	v5 =	vld [tilespmem:s15+$0x1A800]  }
0x21b: {  	v6 =	vld [tilespmem:s15+$0x1A780]  }
0x21c: {  	v7 =	vld [tilespmem:s15+$0x1A700]  }
0x21d: {  	v8 =	vld [tilespmem:s15+$0x1A680]  }
0x21e: {  	v9 =	vld [tilespmem:s15+$0x1A600]  }
0x21f: {  	v10 =	vld [tilespmem:s15+$0x1A580]  }
0x220: {  	v11 =	vld [tilespmem:s15+$0x1A500]  }
0x221: {  	v12 =	vld [tilespmem:s15+$0x1A480]  }
0x222: {  	v13 =	vld [tilespmem:s15+$0x1A400]  }
0x223: {  	v14 =	vld [tilespmem:s15+$0x1A380]  }
0x224: {  	v15 =	vld [tilespmem:s15+$0x1A300]  }
0x225: {  	v16 =	vld [tilespmem:s15+$0x1A280]  }
0x226: {  	v17 =	vld [tilespmem:s15+$0x1A200]  }
0x227: {  	v18 =	vld [tilespmem:s15+$0x1A180]  }
0x228: {  	v19 =	vld [tilespmem:s15+$0x1A100]  }
0x229: {  	v20 =	vld [tilespmem:s15+$0x1A080]  }
0x22a: {  	v21 =	vld [tilespmem:s15+$0x1A000]  }
0x22b: {  	v22 =	vld [tilespmem:s15+$0x19F80]  }
0x22c: {  	v23 =	vld [tilespmem:s15+$0x19F00]  }
0x22d: {  	v24 =	vld [tilespmem:s15+$0x19E80]  }
0x22e: {  	v25 =	vld [tilespmem:s15+$0x19E00]  }
0x22f: {  	v26 =	vld [tilespmem:s15+$0x19D80]  }
0x230: {  	v27 =	vld [tilespmem:s15+$0x19D00]  }
0x231: {  	v28 =	vld [tilespmem:s15+$0x19C80]  }
0x232: {  	v29 =	vld [tilespmem:s15+$0x19C00]  }
0x233: {  	v30 =	vld [tilespmem:s15+$0x19B00]  }
0x234: {  	v31 =	vld [tilespmem:s15+$0x1AB00]  }
0x235: {  	s16 =	simm.s32 $0x40;
	v32 =	vld [tilespmem:s15+$0x19B80]  }
.LBB2_9:
0x236: {  	p2 =	sne.s32 s16, $0x1C0;
	v33 =	vld [tilespmem:s15+$0x1AB80]  }
0x237: {  	v34 =	vld [tilespmem:s15+$0x1AC00]  }
0x238: {  	v35 =	vld [tilespmem:s15+$0x1AC80]  }
0x239: {  	v36 =	vld [tilespmem:s15+$0x1AD00]  }
0x23a: {  	v37 =	vld [tilespmem:s15+$0x1AD80]  }
0x23b: {  	v30 =	vsub.f32 v30, v31;
	v31 =	vsub.f32 v32, v33;
	v32 =	vld [tilespmem:s15+$0x1AE00]  }
0x23c: {  	v29 =	vsub.f32 v29, v34;
	v33 =	vld [tilespmem:s15+$0x1AE80]  }
0x23d: {  	v30 =	vmax.f32 v30, v31;
	v28 =	vsub.f32 v28, v35;
	v31 =	vld [tilespmem:s15+$0x1AF00]  }
0x23e: {  	v29 =	vmax.f32 v30, v29;
	v27 =	vsub.f32 v27, v36;
	v30 =	vld [tilespmem:s15+$0x1AF80]  }
0x23f: {  	v28 =	vmax.f32 v29, v28;
	v26 =	vsub.f32 v26, v37;
	v29 =	vld [tilespmem:s15+$0x1B000]  }
0x240: {  	v27 =	vmax.f32 v28, v27;
	v25 =	vsub.f32 v25, v32;
	v28 =	vld [tilespmem:s15+$0x1B080]  }
0x241: {  	v26 =	vmax.f32 v27, v26;
	v24 =	vsub.f32 v24, v33;
	v27 =	vld [tilespmem:s15+$0x1B100]  }
0x242: {  	v25 =	vmax.f32 v26, v25;
	v23 =	vsub.f32 v23, v31;
	v26 =	vld [tilespmem:s15+$0x1B180]  }
0x243: {  	v24 =	vmax.f32 v25, v24;
	v22 =	vsub.f32 v22, v30;
	v25 =	vld [tilespmem:s15+$0x1B200]  }
0x244: {  	v23 =	vmax.f32 v24, v23;
	v21 =	vsub.f32 v21, v29;
	v24 =	vld [tilespmem:s15+$0x1B280]  }
0x245: {  	v22 =	vmax.f32 v23, v22;
	v20 =	vsub.f32 v20, v28;
	v23 =	vld [tilespmem:s15+$0x1B300]  }
0x246: {  	v21 =	vmax.f32 v22, v21;
	v19 =	vsub.f32 v19, v27;
	v22 =	vld [tilespmem:s15+$0x1B380]  }
0x247: {  	v20 =	vmax.f32 v21, v20;
	v18 =	vsub.f32 v18, v26;
	v21 =	vld [tilespmem:s15+$0x1B400]  }
0x248: {  	v19 =	vmax.f32 v20, v19;
	v17 =	vsub.f32 v17, v25;
	v20 =	vld [tilespmem:s15+$0x1B480]  }
0x249: {  	v18 =	vmax.f32 v19, v18;
	v16 =	vsub.f32 v16, v24;
	v19 =	vld [tilespmem:s15+$0x1B500]  }
0x24a: {  	v17 =	vmax.f32 v18, v17;
	v15 =	vsub.f32 v15, v23;
	v18 =	vld [tilespmem:s15+$0x1B580]  }
0x24b: {  	v16 =	vmax.f32 v17, v16;
	v14 =	vsub.f32 v14, v22;
	v17 =	vld [tilespmem:s15+$0x1B600]  }
0x24c: {  	v15 =	vmax.f32 v16, v15;
	v13 =	vsub.f32 v13, v21;
	v16 =	vld [tilespmem:s15+$0x1B680]  }
0x24d: {  	v14 =	vmax.f32 v15, v14;
	v12 =	vsub.f32 v12, v20;
	v15 =	vld [tilespmem:s15+$0x1B700]  }
0x24e: {  	v13 =	vmax.f32 v14, v13;
	v11 =	vsub.f32 v11, v19;
	v14 =	vld [tilespmem:s15+$0x1B780]  }
0x24f: {  	v12 =	vmax.f32 v13, v12;
	v10 =	vsub.f32 v10, v18;
	v13 =	vld [tilespmem:s15+$0x1B800]  }
0x250: {  	v11 =	vmax.f32 v12, v11;
	v9 =	vsub.f32 v9, v17;
	v12 =	vld [tilespmem:s15+$0x1B880]  }
0x251: {  	v10 =	vmax.f32 v11, v10;
	v8 =	vsub.f32 v8, v16;
	v11 =	vld [tilespmem:s15+$0x1B900]  }
0x252: {  	v9 =	vmax.f32 v10, v9;
	v7 =	vsub.f32 v7, v15;
	v10 =	vld [tilespmem:s15+$0x1B980]  }
0x253: {  	v8 =	vmax.f32 v9, v8;
	v6 =	vsub.f32 v6, v14;
	v9 =	vld [tilespmem:s15+$0x1BA00]  }
0x254: {  	s17 =	sshra.s32 s16, $0x2;
	v7 =	vmax.f32 v8, v7;
	v5 =	vsub.f32 v5, v13;
	v8 =	vld [tilespmem:s15+$0x1BA80]  }
0x255: {  	v13 =	vld [tilespmem:s17+$0x1AA80];
	v6 =	vmax.f32 v7, v6;
	v4 =	vsub.f32 v4, v12  }
0x256: {  	v7 =	vld [tilespmem:s17+$0x1AA00];
	v5 =	vmax.f32 v6, v5;
	v6 =	vsub.f32 v3, v11  }
0x257: {  	v4 =	vmax.f32 v5, v4;
	v5 =	vsub.f32 v1, v10;
	v1 =	vld [tilespmem:s17+$0x1A980]  }
0x258: {  	v3 =	vld [tilespmem:s17+$0x1A900];
	v6 =	vmax.f32 v4, v6;
	v10 =	vsub.f32 v2, v9  }
0x259: {  	v4 =	vld [tilespmem:s17+$0x1A880];
	v6 =	vmax.f32 v6, v5;
	v8 =	vsub.f32 v0, v8  }
0x25a: {  	v5 =	vld [tilespmem:s17+$0x1A800];
	v9 =	vmax.f32 v6, v10;
	v0 =	vmov v13  }
0x25b: {  	v6 =	vld [tilespmem:s17+$0x1A780];
	v8 =	vmax.f32 v9, v8;
	v2 =	vmov v7  }
0x25c: {  	v7 =	vld [tilespmem:s17+$0x1A700];
	[tilespmem:s15+$0x1DC80] =	vst v8;
	s15 =	smov.u32 s17  }
0x25d: {  	v8 =	vld [tilespmem:s15+$0x1A680]  }
0x25e: {  	v9 =	vld [tilespmem:s15+$0x1A600]  }
0x25f: {  	v10 =	vld [tilespmem:s15+$0x1A580]  }
0x260: {  	v11 =	vld [tilespmem:s15+$0x1A500]  }
0x261: {  	v12 =	vld [tilespmem:s15+$0x1A480]  }
0x262: {  	v13 =	vld [tilespmem:s15+$0x1A400]  }
0x263: {  	v14 =	vld [tilespmem:s15+$0x1A380]  }
0x264: {  	v15 =	vld [tilespmem:s15+$0x1A300]  }
0x265: {  	v16 =	vld [tilespmem:s15+$0x1A280]  }
0x266: {  	v17 =	vld [tilespmem:s15+$0x1A200]  }
0x267: {  	v18 =	vld [tilespmem:s15+$0x1A180]  }
0x268: {  	v19 =	vld [tilespmem:s15+$0x1A100]  }
0x269: {  	v20 =	vld [tilespmem:s15+$0x1A080]  }
0x26a: {  	v21 =	vld [tilespmem:s15+$0x1A000]  }
0x26b: {  	v22 =	vld [tilespmem:s15+$0x19F80]  }
0x26c: {  	v23 =	vld [tilespmem:s15+$0x19F00]  }
0x26d: {  	v24 =	vld [tilespmem:s15+$0x19E80]  }
0x26e: {  	v25 =	vld [tilespmem:s15+$0x19E00]  }
0x26f: {  	v26 =	vld [tilespmem:s15+$0x19D80]  }
0x270: {  	v27 =	vld [tilespmem:s15+$0x19D00]  }
.Ltmp3:
0x271: {  	v28 =	vld [tilespmem:s15+$0x19C80];
	(pc) =	sbr.rel @p2 .LBB2_9-.Ltmp3, $4  }
0x272: {  	v29 =	vld [tilespmem:s15+$0x19C00]  }
0x273: {  	v30 =	vld [tilespmem:s15+$0x19B00]  }
0x274: {  	v31 =	vld [tilespmem:s15+$0x1AB00]  }
0x275: {  	s16 =	sadd.s32 $0x40, s16;
	v32 =	vld [tilespmem:s15+$0x19B80]  }
0x276: {  	v33 =	vld [tilespmem:s15+$0x1AB80]  }
0x277: {  	v34 =	vld [tilespmem:s15+$0x1AC00]  }
0x278: {  	v35 =	vld [tilespmem:s15+$0x1AC80]  }
0x279: {  	v36 =	vld [tilespmem:s15+$0x1AD00]  }
0x27a: {  	v37 =	vld [tilespmem:s15+$0x1AD80]  }
0x27b: {  	v62 =	vld [tilespmem:s15+$0x1AE00];
	v30 =	vsub.f32 v30, v31;
	v31 =	vsub.f32 v32, v33  }
0x27c: {  	v63 =	vld [tilespmem:s15+$0x1AE80];
	v29 =	vsub.f32 v29, v34  }
0x27d: {  	v28 =	vsub.f32 v28, v35;
	v30 =	vmax.f32 v30, v31;
	v31 =	vld [tilespmem:s15+$0x1AF00]  }
0x27e: {  	v27 =	vsub.f32 v27, v36;
	v29 =	vmax.f32 v30, v29;
	v30 =	vld [tilespmem:s15+$0x1AF80]  }
0x27f: {  	v26 =	vsub.f32 v26, v37;
	v28 =	vmax.f32 v29, v28;
	v29 =	vld [tilespmem:s15+$0x1B000]  }
0x280: {  	v25 =	vsub.f32 v25, v62;
	v27 =	vmax.f32 v28, v27;
	v28 =	vld [tilespmem:s15+$0x1B080]  }
0x281: {  	v24 =	vsub.f32 v24, v63;
	v26 =	vmax.f32 v27, v26;
	v27 =	vld [tilespmem:s15+$0x1B100]  }
0x282: {  	v25 =	vmax.f32 v26, v25;
	v23 =	vsub.f32 v23, v31;
	v26 =	vld [tilespmem:s15+$0x1B180]  }
0x283: {  	v24 =	vmax.f32 v25, v24;
	v22 =	vsub.f32 v22, v30;
	v25 =	vld [tilespmem:s15+$0x1B200]  }
0x284: {  	v23 =	vmax.f32 v24, v23;
	v21 =	vsub.f32 v21, v29;
	v24 =	vld [tilespmem:s15+$0x1B280]  }
0x285: {  	v22 =	vmax.f32 v23, v22;
	v20 =	vsub.f32 v20, v28;
	v23 =	vld [tilespmem:s15+$0x1B300]  }
0x286: {  	v21 =	vmax.f32 v22, v21;
	v19 =	vsub.f32 v19, v27;
	v22 =	vld [tilespmem:s15+$0x1B380]  }
0x287: {  	v20 =	vmax.f32 v21, v20;
	v18 =	vsub.f32 v18, v26;
	v21 =	vld [tilespmem:s15+$0x1B400]  }
0x288: {  	v19 =	vmax.f32 v20, v19;
	v17 =	vsub.f32 v17, v25;
	v20 =	vld [tilespmem:s15+$0x1B480]  }
0x289: {  	v18 =	vmax.f32 v19, v18;
	v16 =	vsub.f32 v16, v24;
	v19 =	vld [tilespmem:s15+$0x1B500]  }
0x28a: {  	v17 =	vmax.f32 v18, v17;
	v15 =	vsub.f32 v15, v23;
	v18 =	vld [tilespmem:s15+$0x1B580]  }
0x28b: {  	v16 =	vmax.f32 v17, v16;
	v14 =	vsub.f32 v14, v22;
	v17 =	vld [tilespmem:s15+$0x1B600]  }
0x28c: {  	v15 =	vmax.f32 v16, v15;
	v13 =	vsub.f32 v13, v21;
	v16 =	vld [tilespmem:s15+$0x1B680]  }
0x28d: {  	v14 =	vmax.f32 v15, v14;
	v12 =	vsub.f32 v12, v20;
	v15 =	vld [tilespmem:s15+$0x1B700]  }
0x28e: {  	v13 =	vmax.f32 v14, v13;
	v11 =	vsub.f32 v11, v19;
	v14 =	vld [tilespmem:s15+$0x1B780]  }
0x28f: {  	v12 =	vmax.f32 v13, v12;
	v10 =	vsub.f32 v10, v18;
	v13 =	vld [tilespmem:s15+$0x1B800]  }
0x290: {  	v11 =	vmax.f32 v12, v11;
	v9 =	vsub.f32 v9, v17;
	v12 =	vld [tilespmem:s15+$0x1B880]  }
0x291: {  	v10 =	vmax.f32 v11, v10;
	v8 =	vsub.f32 v8, v16;
	v11 =	vld [tilespmem:s15+$0x1B900]  }
0x292: {  	v9 =	vmax.f32 v10, v9;
	v7 =	vsub.f32 v7, v15;
	v10 =	vld [tilespmem:s15+$0x1B980]  }
0x293: {  	v8 =	vmax.f32 v9, v8;
	v6 =	vsub.f32 v6, v14;
	v9 =	vld [tilespmem:s15+$0x1BA00]  }
0x294: {  	v7 =	vmax.f32 v8, v7;
	v5 =	vsub.f32 v5, v13;
	v8 =	vld [tilespmem:s15+$0x1BA80]  }
0x295: {  	v6 =	vmax.f32 v7, v6;
	v4 =	vsub.f32 v4, v12  }
0x296: {  	v5 =	vmax.f32 v6, v5;
	v3 =	vsub.f32 v3, v11  }
0x297: {  	v4 =	vmax.f32 v5, v4;
	v1 =	vsub.f32 v1, v10  }
0x298: {  	v3 =	vmax.f32 v4, v3;
	v2 =	vsub.f32 v2, v9  }
0x299: {  	s16 =	sadd.s32 s14, s20;
	v1 =	vmax.f32 v3, v1;
	v0 =	vsub.f32 v0, v8  }
0x29a: {  	s16 =	sshll.u32 s16, $0x4;
	v1 =	vmax.f32 v1, v2  }
0x29b: {  	s16 =	sand.u32 $0x1FFFFFF0, s16;
	v0 =	vmax.f32 v1, v0  }
0x29c: {  	s17 =	simm.s32 $0x1DC80;
	s16 =	sadd.s32 s5, s16;
	[tilespmem:s15+$0x1DC80] =	vst v0  }
0x29d: {  	[hbm4b:s16+s3] =	stream.linear.scatter [tilespmem:s17], [sflag:$0xE], $0x80, $0x38;
	[tilespmem:$0x1DD80] =	vst v63  }
0x29e: {  	_ =	swait.ge [sflag:s22], $0x40  }
0x29f: {  	[sflag:s22] =	ssyncset.done $0x0  }
0x2a0: {  	s16 =	simm.s32 $0x19B00;
	s17 =	sadd.s32 s14, s21;
	[sflag:s22] =	ssyncadd.s32 $0xFFFFFFC0  }
0x2a1: {  	[tilespmem:s16], [sflag:$0x9] =	stream.indirect.gather [spmem:s2], $0x80, s31, s7, $0xb8;
	[tilespmem:$0x1DD80] =	vst v63  }
0x2a2: {  	s15 =	sshll.u32 s17, $0x3;
	_ =	swait.ge [sflag:s23], $0x2000  }
0x2a3: {  	s15 =	sand.u32 $0x1FFFFFF8, s15;
	[sflag:s23] =	ssyncset.done $0x0  }
0x2a4: {  	s15 =	sadd.s32 s1, s15;
	[sflag:s23] =	ssyncadd.s32 $0xFFFFE000  }
0x2a5: {  	[tilespmem:s0], [sflag:$0x5] =	stream.linear.gather [hbm4b:s15+s3], $0x40, $0x38;
	[tilespmem:$0x1DD80] =	vst v63  }
0x2a6: {  	s15 =	simm.s32 @!p1 $0xF  }
0x2a7: {  	_ =	swait.ge @!p1 [sflag:s15], $0x80  }
0x2a8: {  	[sflag:s15] =	ssyncset.done @!p1 $0x0  }
0x2a9: {  	[sflag:s15] =	ssyncadd.s32 @!p1 $0xFFFFFF80;
	s15 =	simm.s32 $0x0  }
0x2aa: {  	v0 =	vld [tilespmem:s15+$0x1CA80]  }
0x2ab: {  	v2 =	vld [tilespmem:s15+$0x1CA00]  }
0x2ac: {  	v1 =	vld [tilespmem:s15+$0x1C980]  }
0x2ad: {  	v3 =	vld [tilespmem:s15+$0x1C900]  }
0x2ae: {  	v4 =	vld [tilespmem:s15+$0x1C880]  }
0x2af: {  	v5 =	vld [tilespmem:s15+$0x1C800]  }
0x2b0: {  	v6 =	vld [tilespmem:s15+$0x1C780]  }
0x2b1: {  	v7 =	vld [tilespmem:s15+$0x1C700]  }
0x2b2: {  	v8 =	vld [tilespmem:s15+$0x1C680]  }
0x2b3: {  	v9 =	vld [tilespmem:s15+$0x1C600]  }
0x2b4: {  	v10 =	vld [tilespmem:s15+$0x1C580]  }
0x2b5: {  	v11 =	vld [tilespmem:s15+$0x1C500]  }
0x2b6: {  	v12 =	vld [tilespmem:s15+$0x1C480]  }
0x2b7: {  	v13 =	vld [tilespmem:s15+$0x1C400]  }
0x2b8: {  	v14 =	vld [tilespmem:s15+$0x1C380]  }
0x2b9: {  	v15 =	vld [tilespmem:s15+$0x1C300]  }
0x2ba: {  	v16 =	vld [tilespmem:s15+$0x1C280]  }
0x2bb: {  	v17 =	vld [tilespmem:s15+$0x1C200]  }
0x2bc: {  	v18 =	vld [tilespmem:s15+$0x1C180]  }
0x2bd: {  	v19 =	vld [tilespmem:s15+$0x1C100]  }
0x2be: {  	v20 =	vld [tilespmem:s15+$0x1C080]  }
0x2bf: {  	v21 =	vld [tilespmem:s15+$0x1C000]  }
0x2c0: {  	v22 =	vld [tilespmem:s15+$0x1BF80]  }
0x2c1: {  	v23 =	vld [tilespmem:s15+$0x1BF00]  }
0x2c2: {  	v24 =	vld [tilespmem:s15+$0x1BE80]  }
0x2c3: {  	v25 =	vld [tilespmem:s15+$0x1BE00]  }
0x2c4: {  	v26 =	vld [tilespmem:s15+$0x1BD80]  }
0x2c5: {  	v27 =	vld [tilespmem:s15+$0x1BD00]  }
0x2c6: {  	v28 =	vld [tilespmem:s15+$0x1BC80]  }
0x2c7: {  	v29 =	vld [tilespmem:s15+$0x1BC00]  }
0x2c8: {  	v30 =	vld [tilespmem:s15+$0x1BB00]  }
0x2c9: {  	v31 =	vld [tilespmem:s15+$0x1CB00]  }
0x2ca: {  	s16 =	simm.s32 $0x40;
	v32 =	vld [tilespmem:s15+$0x1BB80]  }
.LBB2_11:
0x2cb: {  	p1 =	sne.s32 s16, $0x1C0;
	v33 =	vld [tilespmem:s15+$0x1CB80]  }
0x2cc: {  	v34 =	vld [tilespmem:s15+$0x1CC00]  }
0x2cd: {  	v35 =	vld [tilespmem:s15+$0x1CC80]  }
0x2ce: {  	v36 =	vld [tilespmem:s15+$0x1CD00]  }
0x2cf: {  	v37 =	vld [tilespmem:s15+$0x1CD80]  }
0x2d0: {  	v30 =	vsub.f32 v30, v31;
	v31 =	vsub.f32 v32, v33;
	v32 =	vld [tilespmem:s15+$0x1CE00]  }
0x2d1: {  	v29 =	vsub.f32 v29, v34;
	v33 =	vld [tilespmem:s15+$0x1CE80]  }
0x2d2: {  	v30 =	vmax.f32 v30, v31;
	v28 =	vsub.f32 v28, v35;
	v31 =	vld [tilespmem:s15+$0x1CF00]  }
0x2d3: {  	v29 =	vmax.f32 v30, v29;
	v27 =	vsub.f32 v27, v36;
	v30 =	vld [tilespmem:s15+$0x1CF80]  }
0x2d4: {  	v28 =	vmax.f32 v29, v28;
	v26 =	vsub.f32 v26, v37;
	v29 =	vld [tilespmem:s15+$0x1D000]  }
0x2d5: {  	v27 =	vmax.f32 v28, v27;
	v25 =	vsub.f32 v25, v32;
	v28 =	vld [tilespmem:s15+$0x1D080]  }
0x2d6: {  	v26 =	vmax.f32 v27, v26;
	v24 =	vsub.f32 v24, v33;
	v27 =	vld [tilespmem:s15+$0x1D100]  }
0x2d7: {  	v25 =	vmax.f32 v26, v25;
	v23 =	vsub.f32 v23, v31;
	v26 =	vld [tilespmem:s15+$0x1D180]  }
0x2d8: {  	v24 =	vmax.f32 v25, v24;
	v22 =	vsub.f32 v22, v30;
	v25 =	vld [tilespmem:s15+$0x1D200]  }
0x2d9: {  	v23 =	vmax.f32 v24, v23;
	v21 =	vsub.f32 v21, v29;
	v24 =	vld [tilespmem:s15+$0x1D280]  }
0x2da: {  	v22 =	vmax.f32 v23, v22;
	v20 =	vsub.f32 v20, v28;
	v23 =	vld [tilespmem:s15+$0x1D300]  }
0x2db: {  	v21 =	vmax.f32 v22, v21;
	v19 =	vsub.f32 v19, v27;
	v22 =	vld [tilespmem:s15+$0x1D380]  }
0x2dc: {  	v20 =	vmax.f32 v21, v20;
	v18 =	vsub.f32 v18, v26;
	v21 =	vld [tilespmem:s15+$0x1D400]  }
0x2dd: {  	v19 =	vmax.f32 v20, v19;
	v17 =	vsub.f32 v17, v25;
	v20 =	vld [tilespmem:s15+$0x1D480]  }
0x2de: {  	v18 =	vmax.f32 v19, v18;
	v16 =	vsub.f32 v16, v24;
	v19 =	vld [tilespmem:s15+$0x1D500]  }
0x2df: {  	v17 =	vmax.f32 v18, v17;
	v15 =	vsub.f32 v15, v23;
	v18 =	vld [tilespmem:s15+$0x1D580]  }
0x2e0: {  	v16 =	vmax.f32 v17, v16;
	v14 =	vsub.f32 v14, v22;
	v17 =	vld [tilespmem:s15+$0x1D600]  }
0x2e1: {  	v15 =	vmax.f32 v16, v15;
	v13 =	vsub.f32 v13, v21;
	v16 =	vld [tilespmem:s15+$0x1D680]  }
0x2e2: {  	v14 =	vmax.f32 v15, v14;
	v12 =	vsub.f32 v12, v20;
	v15 =	vld [tilespmem:s15+$0x1D700]  }
0x2e3: {  	v13 =	vmax.f32 v14, v13;
	v11 =	vsub.f32 v11, v19;
	v14 =	vld [tilespmem:s15+$0x1D780]  }
0x2e4: {  	v12 =	vmax.f32 v13, v12;
	v10 =	vsub.f32 v10, v18;
	v13 =	vld [tilespmem:s15+$0x1D800]  }
0x2e5: {  	v11 =	vmax.f32 v12, v11;
	v9 =	vsub.f32 v9, v17;
	v12 =	vld [tilespmem:s15+$0x1D880]  }
0x2e6: {  	v10 =	vmax.f32 v11, v10;
	v8 =	vsub.f32 v8, v16;
	v11 =	vld [tilespmem:s15+$0x1D900]  }
0x2e7: {  	v9 =	vmax.f32 v10, v9;
	v7 =	vsub.f32 v7, v15;
	v10 =	vld [tilespmem:s15+$0x1D980]  }
0x2e8: {  	v8 =	vmax.f32 v9, v8;
	v6 =	vsub.f32 v6, v14;
	v9 =	vld [tilespmem:s15+$0x1DA00]  }
0x2e9: {  	s17 =	sshra.s32 s16, $0x2;
	v7 =	vmax.f32 v8, v7;
	v5 =	vsub.f32 v5, v13;
	v8 =	vld [tilespmem:s15+$0x1DA80]  }
0x2ea: {  	v13 =	vld [tilespmem:s17+$0x1CA80];
	v6 =	vmax.f32 v7, v6;
	v4 =	vsub.f32 v4, v12  }
0x2eb: {  	v7 =	vld [tilespmem:s17+$0x1CA00];
	v5 =	vmax.f32 v6, v5;
	v6 =	vsub.f32 v3, v11  }
0x2ec: {  	v4 =	vmax.f32 v5, v4;
	v5 =	vsub.f32 v1, v10;
	v1 =	vld [tilespmem:s17+$0x1C980]  }
0x2ed: {  	v3 =	vld [tilespmem:s17+$0x1C900];
	v6 =	vmax.f32 v4, v6;
	v10 =	vsub.f32 v2, v9  }
0x2ee: {  	v4 =	vld [tilespmem:s17+$0x1C880];
	v6 =	vmax.f32 v6, v5;
	v8 =	vsub.f32 v0, v8  }
0x2ef: {  	v5 =	vld [tilespmem:s17+$0x1C800];
	v9 =	vmax.f32 v6, v10;
	v0 =	vmov v13  }
0x2f0: {  	v6 =	vld [tilespmem:s17+$0x1C780];
	v8 =	vmax.f32 v9, v8;
	v2 =	vmov v7  }
0x2f1: {  	v7 =	vld [tilespmem:s17+$0x1C700];
	[tilespmem:s15+$0x1DD00] =	vst v8;
	s15 =	smov.u32 s17  }
0x2f2: {  	v8 =	vld [tilespmem:s15+$0x1C680]  }
0x2f3: {  	v9 =	vld [tilespmem:s15+$0x1C600]  }
0x2f4: {  	v10 =	vld [tilespmem:s15+$0x1C580]  }
0x2f5: {  	v11 =	vld [tilespmem:s15+$0x1C500]  }
0x2f6: {  	v12 =	vld [tilespmem:s15+$0x1C480]  }
0x2f7: {  	v13 =	vld [tilespmem:s15+$0x1C400]  }
0x2f8: {  	v14 =	vld [tilespmem:s15+$0x1C380]  }
0x2f9: {  	v15 =	vld [tilespmem:s15+$0x1C300]  }
0x2fa: {  	v16 =	vld [tilespmem:s15+$0x1C280]  }
0x2fb: {  	v17 =	vld [tilespmem:s15+$0x1C200]  }
0x2fc: {  	v18 =	vld [tilespmem:s15+$0x1C180]  }
0x2fd: {  	v19 =	vld [tilespmem:s15+$0x1C100]  }
0x2fe: {  	v20 =	vld [tilespmem:s15+$0x1C080]  }
0x2ff: {  	v21 =	vld [tilespmem:s15+$0x1C000]  }
0x300: {  	v22 =	vld [tilespmem:s15+$0x1BF80]  }
0x301: {  	v23 =	vld [tilespmem:s15+$0x1BF00]  }
0x302: {  	v24 =	vld [tilespmem:s15+$0x1BE80]  }
0x303: {  	v25 =	vld [tilespmem:s15+$0x1BE00]  }
0x304: {  	v26 =	vld [tilespmem:s15+$0x1BD80]  }
0x305: {  	v27 =	vld [tilespmem:s15+$0x1BD00]  }
.Ltmp4:
0x306: {  	v28 =	vld [tilespmem:s15+$0x1BC80];
	(pc) =	sbr.rel @p1 .LBB2_11-.Ltmp4, $4  }
0x307: {  	v29 =	vld [tilespmem:s15+$0x1BC00]  }
0x308: {  	v30 =	vld [tilespmem:s15+$0x1BB00]  }
0x309: {  	v31 =	vld [tilespmem:s15+$0x1CB00]  }
0x30a: {  	s16 =	sadd.s32 $0x40, s16;
	v32 =	vld [tilespmem:s15+$0x1BB80]  }
0x30b: {  	v33 =	vld [tilespmem:s15+$0x1CB80]  }
0x30c: {  	v34 =	vld [tilespmem:s15+$0x1CC00]  }
0x30d: {  	v35 =	vld [tilespmem:s15+$0x1CC80]  }
0x30e: {  	v36 =	vld [tilespmem:s15+$0x1CD00]  }
0x30f: {  	v37 =	vld [tilespmem:s15+$0x1CD80]  }
0x310: {  	v38 =	vld [tilespmem:s15+$0x1CE00];
	v30 =	vsub.f32 v30, v31;
	v63 =	vsub.f32 v32, v33  }
0x311: {  	v39 =	vld [tilespmem:s15+$0x1CE80];
	v29 =	vsub.f32 v29, v34  }
0x312: {  	v40 =	vld [tilespmem:s15+$0x1CF00];
	v28 =	vsub.f32 v28, v35;
	v30 =	vmax.f32 v30, v63  }
0x313: {  	v41 =	vld [tilespmem:s15+$0x1CF80];
	v27 =	vsub.f32 v27, v36;
	v29 =	vmax.f32 v30, v29  }
0x314: {  	v42 =	vld [tilespmem:s15+$0x1D000];
	v26 =	vsub.f32 v26, v37;
	v28 =	vmax.f32 v29, v28  }
0x315: {  	v43 =	vld [tilespmem:s15+$0x1D080];
	v25 =	vsub.f32 v25, v38;
	v27 =	vmax.f32 v28, v27  }
0x316: {  	v44 =	vld [tilespmem:s15+$0x1D100];
	v24 =	vsub.f32 v24, v39;
	v26 =	vmax.f32 v27, v26  }
0x317: {  	v45 =	vld [tilespmem:s15+$0x1D180];
	v23 =	vsub.f32 v23, v40;
	v25 =	vmax.f32 v26, v25  }
0x318: {  	v46 =	vld [tilespmem:s15+$0x1D200];
	v22 =	vsub.f32 v22, v41;
	v24 =	vmax.f32 v25, v24  }
0x319: {  	v47 =	vld [tilespmem:s15+$0x1D280];
	v21 =	vsub.f32 v21, v42;
	v23 =	vmax.f32 v24, v23  }
0x31a: {  	v48 =	vld [tilespmem:s15+$0x1D300];
	v20 =	vsub.f32 v20, v43;
	v22 =	vmax.f32 v23, v22  }
0x31b: {  	v49 =	vld [tilespmem:s15+$0x1D380];
	v19 =	vsub.f32 v19, v44;
	v21 =	vmax.f32 v22, v21  }
0x31c: {  	v50 =	vld [tilespmem:s15+$0x1D400];
	v18 =	vsub.f32 v18, v45;
	v20 =	vmax.f32 v21, v20  }
0x31d: {  	v51 =	vld [tilespmem:s15+$0x1D480];
	v17 =	vsub.f32 v17, v46;
	v19 =	vmax.f32 v20, v19  }
0x31e: {  	v52 =	vld [tilespmem:s15+$0x1D500];
	v16 =	vsub.f32 v16, v47;
	v18 =	vmax.f32 v19, v18  }
0x31f: {  	v53 =	vld [tilespmem:s15+$0x1D580];
	v15 =	vsub.f32 v15, v48;
	v17 =	vmax.f32 v18, v17  }
0x320: {  	v54 =	vld [tilespmem:s15+$0x1D600];
	v14 =	vsub.f32 v14, v49;
	v16 =	vmax.f32 v17, v16  }
0x321: {  	v55 =	vld [tilespmem:s15+$0x1D680];
	v13 =	vsub.f32 v13, v50;
	v15 =	vmax.f32 v16, v15  }
0x322: {  	v56 =	vld [tilespmem:s15+$0x1D700];
	v12 =	vsub.f32 v12, v51;
	v14 =	vmax.f32 v15, v14  }
0x323: {  	v57 =	vld [tilespmem:s15+$0x1D780];
	v11 =	vsub.f32 v11, v52;
	v13 =	vmax.f32 v14, v13  }
0x324: {  	v58 =	vld [tilespmem:s15+$0x1D800];
	v10 =	vsub.f32 v10, v53;
	v12 =	vmax.f32 v13, v12  }
0x325: {  	v59 =	vld [tilespmem:s15+$0x1D880];
	v9 =	vsub.f32 v9, v54;
	v11 =	vmax.f32 v12, v11  }
0x326: {  	v60 =	vld [tilespmem:s15+$0x1D900];
	v8 =	vsub.f32 v8, v55;
	v10 =	vmax.f32 v11, v10  }
0x327: {  	v61 =	vld [tilespmem:s15+$0x1D980];
	v7 =	vsub.f32 v7, v56;
	v9 =	vmax.f32 v10, v9  }
0x328: {  	v62 =	vld [tilespmem:s15+$0x1DA00];
	v6 =	vsub.f32 v6, v57;
	v8 =	vmax.f32 v9, v8  }
0x329: {  	v5 =	vsub.f32 v5, v58;
	v63 =	vld [tilespmem:s15+$0x1DA80];
	v7 =	vmax.f32 v8, v7  }
0x32a: {  	v4 =	vsub.f32 v4, v59;
	v6 =	vmax.f32 v7, v6  }
0x32b: {  	v3 =	vsub.f32 v3, v60;
	v5 =	vmax.f32 v6, v5  }
0x32c: {  	v1 =	vsub.f32 v1, v61;
	v4 =	vmax.f32 v5, v4  }
0x32d: {  	v2 =	vsub.f32 v2, v62;
	v3 =	vmax.f32 v4, v3  }
0x32e: {  	s14 =	sadd.s32 s14, s26;
	v0 =	vsub.f32 v0, v63;
	v1 =	vmax.f32 v3, v1  }
0x32f: {  	s14 =	sshll.u32 s14, $0x4;
	v1 =	vmax.f32 v1, v2  }
0x330: {  	s25 =	sadd.s32 $0x1, s25;
	s14 =	sand.u32 $0x1FFFFFF0, s14;
	v0 =	vmax.f32 v1, v0  }
0x331: {  	s16 =	simm.s32 $0x1DD00;
	p1 =	sne.s32 s25, $0x40;
	s14 =	sadd.s32 s5, s14;
	[tilespmem:s15+$0x1DD00] =	vst v0  }
0x332: {  	[hbm4b:s14+s3] =	stream.linear.scatter [tilespmem:s16], [sflag:$0xF], $0x80, $0x38;
	[tilespmem:$0x1DD80] =	vst v63  }
.Ltmp5:
0x333: {  	_ = 	snop;
	(pc) =	sbr.rel @p1 .LBB2_2-.Ltmp5, $4  }
0x334: {  	_ =	swait.ge [sflag:s24], $0x40  }
0x335: {  	[sflag:s24] =	ssyncset.done $0x0  }
0x336: {  	s17 =	simm.s32 $0x1BB00;
	[sflag:s24] =	ssyncadd.s32 $0xFFFFFFC0  }
0x337: {  	[tilespmem:s17], [sflag:$0xA] =	stream.indirect.gather [spmem:s2], $0x80, s0, s7, $0xb8;
	[tilespmem:$0x1DD80] =	vst v63  }
0x338: {  	s14 =	simm.s32 $0xB  }
0x339: {  	_ =	swait.ge [sflag:s14], $0x80  }
0x33a: {  	[sflag:s14] =	ssyncset.done $0x0  }
0x33b: {  	s25 =	simm.s32 $0xC;
	[sflag:s14] =	ssyncadd.s32 $0xFFFFFF80  }
0x33c: {  	_ =	swait.ge [sflag:s25], $0x80  }
0x33d: {  	[sflag:s25] =	ssyncset.done $0x0  }
0x33e: {  	s15 =	simm.s32 $0xD;
	[sflag:s25] =	ssyncadd.s32 $0xFFFFFF80  }
0x33f: {  	_ =	swait.ge [sflag:s15], $0x80  }
0x340: {  	[sflag:s15] =	ssyncset.done $0x0  }
0x341: {  	s16 =	simm.s32 $0xE;
	[sflag:s15] =	ssyncadd.s32 $0xFFFFFF80  }
0x342: {  	_ =	swait.ge [sflag:s16], $0x80  }
0x343: {  	[sflag:s16] =	ssyncset.done $0x0  }
0x344: {  	s17 =	simm.s32 $0xF;
	[sflag:s16] =	ssyncadd.s32 $0xFFFFFF80  }
0x345: {  	_ =	swait.ge [sflag:s17], $0x80  }
0x346: {  	[sflag:s17] =	ssyncset.done $0x0  }
0x347: {  	[sflag:s17] =	ssyncadd.s32 $0xFFFFFF80  }
0x348: {  	_ =	swait.ge [sflag:s9], $0x2000  }
0x349: {  	[sflag:s9] =	ssyncset.done $0x0  }
0x34a: {  	[sflag:s9] =	ssyncadd.s32 $0xFFFFE000  }
0x34b: {  	_ =	swait.ge [sflag:s8], $0x2000  }
0x34c: {  	[sflag:s8] =	ssyncset.done $0x0  }
0x34d: {  	[sflag:s8] =	ssyncadd.s32 $0xFFFFE000  }
0x34e: {  	_ =	swait.ge [sflag:s11], $0x2000  }
0x34f: {  	[sflag:s11] =	ssyncset.done $0x0  }
0x350: {  	[sflag:s11] =	ssyncadd.s32 $0xFFFFE000  }
0x351: {  	_ =	swait.ge [sflag:s13], $0x2000  }
0x352: {  	[sflag:s13] =	ssyncset.done $0x0  }
0x353: {  	[sflag:s13] =	ssyncadd.s32 $0xFFFFE000  }
0x354: {  	_ =	swait.ge [sflag:s23], $0x2000  }
0x355: {  	s15 =	rddreg [dreg:$0x14]  }
0x356: {  	s25 =	rddreg [dreg:$0x10];
	s15 =	sadd.s32 $0x1, s15  }
0x357: {  	p1 =	sne.s32 s15, s25  }
.Ltmp6:
0x358: {  	_ = 	snop;
	(pc) =	sbr.rel @p1 .LBB2_1-.Ltmp6, $3  }
0x359: {  	_ =	sdelay $0x1  }
0x35a: {  	[sflag:s23] =	ssyncset.done $0x0  }
0x35b: {  	[sflag:s23] =	ssyncadd.s32 $0xFFFFE000  }
0x35c: {  	_ =	sfence.sel $0x180000  }
0x35d: {  	[bflag:$0x0] =	sbarrier.arrive $0xFFFF  }
0x35e: {  	_ =	strace $0x90000047  }
0x35f: {  	s0 =	stileid.u32;
	[bflag:$0x2] =	sbarrier.arrive $0xFFFF  }
0x360: {  	p0 =	sne.s32 s0, $0x0;
	s0 =	rddreg [dreg:$0x4]  }
0x361: {  	s0 =	sadd.s32 @!p0 $0x100000, s0  }
0x362: {  	[sflag:s0] =	ssyncadd.tile.s32 @!p0 $0x1;
	_ =	shalt  }
.Lfunc_end2:
_tile_overlayer_lowered:
.L_overlay_start_2:
0x363: {  	(tag) =	ssettag $0x2  }
0x364: {  	s0 =	rddreg [dreg:$0x0];
	s2 =	stileid.u32  }
0x365: {  	s1 =	rddreg [dreg:$0x1];
	p0 =	sne.s32 s2, $0x0  }
0x366: {  	s3 =	rddreg [dreg:$0x2];
	[bflag:$0x3] =	sbarrier.arrive $0xFFFF;
	s2 =	simm.s32 @!p0 $0x1C10  }
0x367: {  	[timem:s3], [sflag:s2] =	dma.local @!p0 [hbm:s0], s1  }
0x368: {  	s0 =	simm.s32 @!p0 $0x10  }
0x369: {  	_ =	swait.ge @!p0 [sflag:s0], s1  }
0x36a: {  	s1 =	ssub.s32 @!p0 $0x0, s1;
	[sflag:s0] =	ssyncset.done @!p0 $0x0  }
0x36b: {  	[sflag:s0] =	ssyncadd.s32 @!p0 s1  }
0x36c: {  	[bflag:$0x3] =	sbarrier.arrive $0xFFFF  }
0x36d: {  	_ =	shalt  }

</sc_bundles>
